<compile_context>
chip_gen: v7x
topology: tpu7x:2x2x1
jax: 0.10.2.dev20260603
libtpu: 0.0.44.dev20260713+nightly
codegen_flags: <defaults>
</compile_context>

<pallas_src>
import jax
import jax.numpy as jnp
from jax import lax
from jax.experimental import pallas as pl
from jax.experimental.pallas import tpu as pltpu
from jax.experimental.pallas import tpu_sc as plsc

N = 10000
E = 320000
F = 128
H = 128
C = 64

NC = 2
NS = 16
NW = NC * NS
EB = 125
ECH = E // NW // EB
NPH = 4
PHC = ECH // NPH
EPT = E // NS
NCP = 10
CPT = N // NCP
HR = N * 8 // 128
NRED = HR // 125

BLK = 2000
NBLK = N // BLK
_EPS = 1e-5
_HIGH = jax.lax.Precision.HIGHEST



_MESH = plsc.VectorSubcoreMesh(core_axis_name="c", subcore_axis_name="s")


def _deg_body(e_hbm, rid_hbm, zeros_hbm, out_hbm, idx_v, rid_v, hist_v, tot_sh):
    c = lax.axis_index("c")
    s = lax.axis_index("s")

    @pl.when(s == 0)
    def _():
        pltpu.sync_copy(zeros_hbm, tot_sh)

    pltpu.sync_copy(e_hbm.at[c, s], idx_v)
    pltpu.sync_copy(rid_hbm, rid_v)
    pltpu.sync_copy(zeros_hbm, hist_v)

    lanes = lax.iota(jnp.int32, 16)
    kcol = lanes & 7
    m_lo = lanes < 8
    m_hi = lanes >= 8
    one = jnp.ones((16,), jnp.float32)

    def count(ii, ma, mb):
        cell = ii * 8 + kcol
        row = lax.shift_right_logical(cell, 7)
        col = cell & 127
        va = plsc.load_gather(hist_v, [row, col], mask=ma)
        plsc.store_scatter(hist_v, [row, col], va + one, mask=ma)
        vb = plsc.load_gather(hist_v, [row, col], mask=mb)
        plsc.store_scatter(hist_v, [row, col], vb + one, mask=mb)

    def body(r, carry):
        for kk in range(5):
            count(idx_v[0, pl.ds(r * 80 + kk * 16, 16)], m_lo, m_hi)
        return carry

    lax.fori_loop(0, EPT // 80, body, 0)

    plsc.subcore_barrier()

    def red(q, carry):
        pltpu.sync_copy(hist_v.at[pl.ds(q * 125, 125)],
                        tot_sh.at[rid_v.at[q, 0]], add=True)
        return carry

    lax.fori_loop(0, NRED, red, 0)
    plsc.subcore_barrier()

    @pl.when(s == 0)
    def _():
        pltpu.sync_copy(tot_sh, out_hbm.at[c])


_deg_call = pl.kernel(
    _deg_body,
    out_type=jax.ShapeDtypeStruct((NC, HR, 128), jnp.float32),
    mesh=_MESH,
    compiler_params=pltpu.CompilerParams(needs_layout_passes=False),
    scratch_types=[
        pltpu.VMEM((1, EPT), jnp.int32),
        pltpu.VMEM((NRED, 1, 125), jnp.int32),
        pltpu.VMEM((HR, 128), jnp.float32),
        pltpu.VMEM_SHARED((HR, 128), jnp.float32),
    ],
)


def _edge_body(xw_hbm, e_hbm, zeros_hbm, out_hbm,
               sidx_v, didx_v, rows_v, acc_sh, sem):
    c = lax.axis_index("c")
    s = lax.axis_index("s")
    wid = c * NS + s

    @pl.when(s < NCP)
    def _():
        pltpu.sync_copy(zeros_hbm, acc_sh.at[pl.ds(s * CPT, CPT)])

    plsc.subcore_barrier()

    for p in range(NPH):
        if p > 0:
            pltpu.make_async_copy(rows_v.at[1],
                                  acc_sh.at[didx_v.at[PHC - 1, 0]], sem).wait()
        pltpu.sync_copy(e_hbm.at[0, wid, pl.ds(p * PHC, PHC)], sidx_v)
        pltpu.sync_copy(e_hbm.at[1, wid, pl.ds(p * PHC, PHC)], didx_v)

        def body(l, carry):
            b = lax.rem(l, 2)
            pltpu.sync_copy(xw_hbm.at[sidx_v.at[l, 0]], rows_v.at[b])

            @pl.when(l > 0)
            def _():
                pltpu.make_async_copy(rows_v.at[1 - b],
                                      acc_sh.at[didx_v.at[l - 1, 0]], sem).wait()

            pltpu.async_copy(rows_v.at[b], acc_sh.at[didx_v.at[l, 0]], sem,
                             add=True)
            return carry

        lax.fori_loop(0, PHC, body, 0)

    pltpu.make_async_copy(rows_v.at[1], acc_sh.at[didx_v.at[PHC - 1, 0]],
                          sem).wait()
    plsc.subcore_barrier()

    @pl.when(s < NCP)
    def _():
        pltpu.sync_copy(acc_sh.at[pl.ds(s * CPT, CPT)],
                        out_hbm.at[c].at[pl.ds(s * CPT, CPT)])


_edge_call = pl.kernel(
    _edge_body,
    out_type=jax.ShapeDtypeStruct((NC, N, H), jnp.float32),
    mesh=_MESH,
    scratch_types=[
        pltpu.VMEM((PHC, 1, EB), jnp.int32),
        pltpu.VMEM((PHC, 1, EB), jnp.int32),
        pltpu.VMEM((2, EB, H), jnp.float32),
        pltpu.VMEM_SHARED((N, H), jnp.float32),
        pltpu.SemaphoreType.DMA,
    ],
)



def _norm_from_deg(deg):
    return jnp.where(deg > 0, lax.rsqrt(jnp.maximum(deg, 1.0)), 0.0)


def _mm1_body(x_ref, w_ref, out_ref, pool_ref):
    i = pl.program_id(0)
    x = x_ref[...]

    @pl.when(i == 0)
    def _():
        pool_ref[...] = jnp.zeros_like(pool_ref)

    pool_ref[...] += jnp.sum(x, axis=0, keepdims=True)
    out_ref[...] = jnp.dot(x, w_ref[...],
                           preferred_element_type=jnp.float32, precision=_HIGH)


_mm1_call = pl.pallas_call(
    _mm1_body,
    grid=(NBLK,),
    in_specs=[
        pl.BlockSpec((BLK, F), lambda i: (i, 0)),
        pl.BlockSpec((F, H), lambda i: (0, 0)),
    ],
    out_specs=[
        pl.BlockSpec((BLK, H), lambda i: (i, 0)),
        pl.BlockSpec((1, H), lambda i: (0, 0)),
    ],
    out_shape=[
        jax.ShapeDtypeStruct((N, H), jnp.float32),
        jax.ShapeDtypeStruct((1, H), jnp.float32),
    ],
)


def _scale_body(xw_ref, deg_ref, out_ref):
    norm = _norm_from_deg(jnp.sum(deg_ref[0], axis=-1, keepdims=True))
    out_ref[...] = xw_ref[...] * norm


_scale_call = pl.pallas_call(
    _scale_body,
    grid=(NBLK,),
    in_specs=[
        pl.BlockSpec((BLK, H), lambda i: (i, 0)),
        pl.BlockSpec((1, BLK, 8), lambda i: (0, i, 0)),
    ],
    out_specs=pl.BlockSpec((BLK, H), lambda i: (i, 0)),
    out_shape=jax.ShapeDtypeStruct((N, H), jnp.float32),
)


def _bn_relu_stats(pre, s1, s2, g, be):
    mu = s1 * (1.0 / N)
    var = jnp.maximum(s2 * (1.0 / N) - mu * mu, 0.0)
    inv = lax.rsqrt(var + _EPS)
    return jnp.maximum((pre - mu) * inv * g + be, 0.0)


def _pre_block(p_ref, deg_ref, b_ref):
    ps = p_ref[0] + p_ref[1]
    norm = _norm_from_deg(jnp.sum(deg_ref[0], axis=-1, keepdims=True))
    return ps * norm + b_ref[...]


def _l2_body(p_ref, degi_ref, b_ref, g_ref, be_ref, dego_ref, w_ref,
             out_ref, pool_ref, s1, s2, stash):
    i = pl.program_id(0)

    @pl.when(i == 0)
    def _():
        s1[...] = jnp.zeros_like(s1)
        s2[...] = jnp.zeros_like(s2)
        pool_ref[...] = jnp.zeros_like(pool_ref)

    @pl.when(i < NBLK)
    def _():
        pre = _pre_block(p_ref, degi_ref, b_ref)
        stash[pl.ds(lax.rem(i, NBLK) * BLK, BLK), :] = pre
        s1[...] += jnp.sum(pre, axis=0, keepdims=True)
        s2[...] += jnp.sum(pre * pre, axis=0, keepdims=True)

    @pl.when(i >= NBLK)
    def _():
        pre = stash[pl.ds(lax.rem(i, NBLK) * BLK, BLK), :]
        hb = _bn_relu_stats(pre, s1[...], s2[...], g_ref[...], be_ref[...])
        pool_ref[...] += jnp.sum(hb, axis=0, keepdims=True)
        norm = _norm_from_deg(jnp.sum(dego_ref[0], axis=-1, keepdims=True))
        out_ref[...] = jnp.dot(hb * norm, w_ref[...],
                               preferred_element_type=jnp.float32,
                               precision=_HIGH)


_l2_call = pl.pallas_call(
    _l2_body,
    grid=(2 * NBLK,),
    in_specs=[
        pl.BlockSpec((NC, BLK, H), lambda i: (0, jnp.minimum(i, NBLK - 1), 0)),
        pl.BlockSpec((1, BLK, 8), lambda i: (1, jnp.minimum(i, NBLK - 1), 0)),
        pl.BlockSpec((1, H), lambda i: (0, 0)),
        pl.BlockSpec((1, H), lambda i: (0, 0)),
        pl.BlockSpec((1, H), lambda i: (0, 0)),
        pl.BlockSpec((1, BLK, 8), lambda i: (0, jnp.maximum(i - NBLK, 0), 0)),
        pl.BlockSpec((H, H), lambda i: (0, 0)),
    ],
    out_specs=[
        pl.BlockSpec((BLK, H), lambda i: (lax.rem(i, NBLK), 0)),
        pl.BlockSpec((1, H), lambda i: (0, 0)),
    ],
    out_shape=[
        jax.ShapeDtypeStruct((N, H), jnp.float32),
        jax.ShapeDtypeStruct((1, H), jnp.float32),
    ],
    scratch_shapes=[pltpu.VMEM((1, H), jnp.float32),
                    pltpu.VMEM((1, H), jnp.float32),
                    pltpu.VMEM((N, H), jnp.float32)],
)


def _fin_body(p_ref, degi_ref, b_ref, g_ref, be_ref, p0_ref, p1_ref,
              wl0_ref, wl1_ref, wl2_ref, bl0_ref, bl1_ref, bl2_ref,
              scores_ref, pools_ref, s1, s2, acc, stash):
    i = pl.program_id(0)

    @pl.when(i == 0)
    def _():
        s1[...] = jnp.zeros_like(s1)
        s2[...] = jnp.zeros_like(s2)
        acc[...] = jnp.zeros_like(acc)

    @pl.when(i < NBLK)
    def _():
        pre = _pre_block(p_ref, degi_ref, b_ref)
        stash[pl.ds(lax.rem(i, NBLK) * BLK, BLK), :] = pre
        s1[...] += jnp.sum(pre, axis=0, keepdims=True)
        s2[...] += jnp.sum(pre * pre, axis=0, keepdims=True)

    @pl.when(i >= NBLK)
    def _():
        pre = stash[pl.ds(lax.rem(i, NBLK) * BLK, BLK), :]
        h2 = _bn_relu_stats(pre, s1[...], s2[...], g_ref[...], be_ref[...])
        acc[...] += jnp.sum(h2, axis=0, keepdims=True)

    @pl.when(i == 2 * NBLK - 1)
    def _():
        pools = jnp.concatenate([p0_ref[...], p1_ref[...], acc[...]], axis=0)
        pools = pools * (1.0 / N)
        pools_ref[...] = pools
        scores = (jnp.dot(pools[0:1], wl0_ref[...],
                          preferred_element_type=jnp.float32, precision=_HIGH)
                  + jnp.dot(pools[1:2], wl1_ref[...],
                            preferred_element_type=jnp.float32, precision=_HIGH)
                  + jnp.dot(pools[2:3], wl2_ref[...],
                            preferred_element_type=jnp.float32, precision=_HIGH)
                  + bl0_ref[...] + bl1_ref[...] + bl2_ref[...])
        scores_ref[...] = scores


_fin_call = pl.pallas_call(
    _fin_body,
    grid=(2 * NBLK,),
    in_specs=[
        pl.BlockSpec((NC, BLK, H), lambda i: (0, jnp.minimum(i, NBLK - 1), 0)),
        pl.BlockSpec((1, BLK, 8), lambda i: (1, jnp.minimum(i, NBLK - 1), 0)),
        pl.BlockSpec((1, H), lambda i: (0, 0)),
        pl.BlockSpec((1, H), lambda i: (0, 0)),
        pl.BlockSpec((1, H), lambda i: (0, 0)),
        pl.BlockSpec((1, H), lambda i: (0, 0)),
        pl.BlockSpec((1, H), lambda i: (0, 0)),
        pl.BlockSpec((F, C), lambda i: (0, 0)),
        pl.BlockSpec((H, C), lambda i: (0, 0)),
        pl.BlockSpec((H, C), lambda i: (0, 0)),
        pl.BlockSpec((1, C), lambda i: (0, 0)),
        pl.BlockSpec((1, C), lambda i: (0, 0)),
        pl.BlockSpec((1, C), lambda i: (0, 0)),
    ],
    out_specs=[
        pl.BlockSpec((1, C), lambda i: (0, 0)),
        pl.BlockSpec((3, H), lambda i: (0, 0)),
    ],
    out_shape=[
        jax.ShapeDtypeStruct((1, C), jnp.float32),
        jax.ShapeDtypeStruct((3, H), jnp.float32),
    ],
    scratch_shapes=[pltpu.VMEM((1, H), jnp.float32),
                    pltpu.VMEM((1, H), jnp.float32),
                    pltpu.VMEM((1, H), jnp.float32),
                    pltpu.VMEM((N, H), jnp.float32)],
)



def kernel(features, edge_index, W1, b1, W2, b2, g1, be1, g2, be2,
           Wl0, bl0, Wl1, bl1, Wl2, bl2):
    e4 = edge_index.reshape(2, NW, ECH, 1, EB)
    e1d = edge_index.reshape(2, NS, 1, EPT)

    rid = jnp.arange(HR, dtype=jnp.int32).reshape(NRED, 1, 125)
    zerosHR = jnp.zeros((HR, 128), jnp.float32)
    zerosH = jnp.zeros((CPT, H), jnp.float32)

    b1r = b1.reshape(1, H)
    b2r = b2.reshape(1, H)
    g1r = g1.reshape(1, H)
    be1r = be1.reshape(1, H)
    g2r = g2.reshape(1, H)
    be2r = be2.reshape(1, H)
    bl0r = bl0.reshape(1, C)
    bl1r = bl1.reshape(1, C)
    bl2r = bl2.reshape(1, C)

    deg = _deg_call(e1d, rid, zerosHR)
    deg = deg.reshape(NC, N, 8)

    xw1, pool0 = _mm1_call(features, W1)
    xw1 = _scale_call(xw1, deg)
    p1 = _edge_call(xw1, e4, zerosH)
    xw2, pool1 = _l2_call(p1, deg, b1r, g1r, be1r, deg, W2)
    p2 = _edge_call(xw2, e4, zerosH)
    scores, pools = _fin_call(p2, deg, b2r, g2r, be2r, pool0, pool1,
                              Wl0, Wl1, Wl2, bl0r, bl1r, bl2r)
    return scores, pools.reshape(3, 1, H)

# --- scband reference (transcript-rebuilt; emitter-appended) ---
"""Pipeline reference for scband-gcn-25159918420527 (READ-ONLY COPY).

The authoritative reference and input builder live on the scoring server;
editing this copy changes nothing except your own understanding.
"""

import jax, jax.numpy as jnp
import numpy as np

N, E, F_IN, H, C = 10000, 320000, 128, 128, 64


def _graph_conv(x, W, b, src, dst, n):
    ones = jnp.ones(src.shape[0], x.dtype)
    deg_out = jax.ops.segment_sum(ones, src, num_segments=n)
    deg_in = jax.ops.segment_sum(ones, dst, num_segments=n)
    norm_src = jnp.where(deg_out > 0, jax.lax.rsqrt(jnp.maximum(deg_out, 1.0)), 0.0)
    norm_dst = jnp.where(deg_in > 0, jax.lax.rsqrt(jnp.maximum(deg_in, 1.0)), 0.0)
    h = x * norm_src[:, None]
    h = h @ W
    msg = jnp.take(h, src, axis=0)
    agg = jax.ops.segment_sum(msg, dst, num_segments=n)
    return agg * norm_dst[:, None] + b


def _bn(h, gamma, beta, eps=1e-5):
    mu = h.mean(axis=0)
    var = h.var(axis=0)
    return (h - mu) * jax.lax.rsqrt(var + eps) * gamma + beta


def setup_inputs(seed: int = 0) -> dict:
    key = jax.random.key(seed)
    ks = jax.random.split(key, 20)
    inp = {}
    inp['features'] = jax.random.normal(ks[0], (N, F_IN), jnp.float32)
    inp['edge_index'] = jax.random.randint(ks[1], (2, E), 0, N, jnp.int32)
    inp['W1'] = jax.random.normal(ks[2], (F_IN, H), jnp.float32) * 0.05
    inp['b1'] = jnp.zeros((H,), jnp.float32)
    inp['W2'] = jax.random.normal(ks[3], (H, H), jnp.float32) * 0.05
    inp['b2'] = jnp.zeros((H,), jnp.float32)
    inp['g1'] = jnp.ones((H,), jnp.float32)
    inp['be1'] = jnp.zeros((H,), jnp.float32)
    inp['g2'] = jnp.ones((H,), jnp.float32)
    inp['be2'] = jnp.zeros((H,), jnp.float32)
    inp['Wl0'] = jax.random.normal(ks[4], (F_IN, C), jnp.float32) * 0.05
    inp['bl0'] = jnp.zeros((C,), jnp.float32)
    inp['Wl1'] = jax.random.normal(ks[5], (H, C), jnp.float32) * 0.05
    inp['bl1'] = jnp.zeros((C,), jnp.float32)
    inp['Wl2'] = jax.random.normal(ks[6], (H, C), jnp.float32) * 0.05
    inp['bl2'] = jnp.zeros((C,), jnp.float32)
    return inp


def reference(features, edge_index, W1, b1, W2, b2, g1, be1, g2, be2, Wl0, bl0, Wl1, bl1, Wl2, bl2):
    src = edge_index[0]
    dst = edge_index[1]
    n = features.shape[0]
    hiddens = [features]
    h = features
    for (W, b, gm, bt) in [(W1, b1, g1, be1), (W2, b2, g2, be2)]:
        h = _graph_conv(h, W, b, src, dst, n)
        h = _bn(h, gm, bt)
        h = jax.nn.relu(h)
        hiddens.append(h)
    lins = [(Wl0, bl0), (Wl1, bl1), (Wl2, bl2)]
    scores = jnp.zeros((1, Wl0.shape[1]), jnp.float32)
    pls = []
    for hh, (Wl, bl) in zip(hiddens, lins):
        pooled = hh.mean(axis=0, keepdims=True)  # AvgPooling over single graph
        scores = scores + pooled @ Wl + bl
        pls.append(pooled)
    return (scores, jnp.stack(pls))

if __name__ == "__main__":
    import jax
    _d = setup_inputs()
    print(jax.jit(kernel)(*tuple(_d.values())))

</pallas_src>

<mosaic_0001>
#map = affine_map<(d0, d1) -> (0, 0, 0, 0)>
#map1 = affine_map<(d0, d1) -> (0, 0, 0)>
#map2 = affine_map<(d0, d1) -> (0, 0)>
module attributes {stable_mosaic.version = 14 : i64} {
  func.func @_deg_body(%arg0: i32, %arg1: i32, %arg2: memref<2x16x1x20000xi32, #tpu.memory_space<hbm>>, %arg3: memref<5x1x125xi32, #tpu.memory_space<hbm>>, %arg4: memref<625x128xf32, #tpu.memory_space<hbm>>, %arg5: memref<2x625x128xf32, #tpu.memory_space<hbm>>, %arg6: memref<1x20000xi32, #tpu.memory_space<vmem>>, %arg7: memref<5x1x125xi32, #tpu.memory_space<vmem>>, %arg8: memref<625x128xf32, #tpu.memory_space<vmem>>, %arg9: memref<625x128xf32, #tpu.memory_space<vmem_shared>>) attributes {dimension_semantics = [#tpu.dimension_semantics<core_parallel>, #tpu.dimension_semantics<subcore_parallel>], iteration_bounds = array<i64: 2, 16>, scalar_prefetch = 0 : i64, scratch_operands = 4 : i64, tpu.core_type = #tpu.core_type<sc_vector_subcore>, window_params = [{transform_indices = #map}, {transform_indices = #map1}, {transform_indices = #map2}, {transform_indices = #map1}]} {
    %eq3A = arith.constant 0 : i32
    %eq3A_0 = arith.cmpi eq, %arg1, %eq3A : i32
    %convert_element_type3A = arith.extui %eq3A_0 : i1 to i32
    %cond3A = arith.constant 0 : i32
    %cond3A_1 = arith.cmpi ne, %convert_element_type3A, %cond3A : i32
    scf.if %cond3A_1 {
      "tpu.region"() ({
        %run_scoped3A = tpu.sem_alloc : memref<!tpu.dma_semaphore, #tpu.memory_space<semaphore_mem>>
        tpu.enqueue_dma source(%arg4 : memref<625x128xf32, #tpu.memory_space<hbm>>) target(%arg9 : memref<625x128xf32, #tpu.memory_space<vmem_shared>>) target_semaphore(%run_scoped3A : memref<!tpu.dma_semaphore, #tpu.memory_space<semaphore_mem>>)
        tpu.wait_dma2 semaphore(%run_scoped3A : memref<!tpu.dma_semaphore, #tpu.memory_space<semaphore_mem>>) src(%arg4 : memref<625x128xf32, #tpu.memory_space<hbm>>) dst(%arg9 : memref<625x128xf32, #tpu.memory_space<vmem_shared>>)
        tpu.yield
      }) : () -> ()
    } else {
    }
    "tpu.region"() ({
      %run_scoped3A = tpu.sem_alloc : memref<!tpu.dma_semaphore, #tpu.memory_space<semaphore_mem>>
      %dma_start3A = arith.constant 0 : i32
      %dma_start3A_26 = arith.constant 0 : i32
      %dma_start3A_27 = tpu.memref_slice %arg2[%arg0, %arg1, %dma_start3A, %dma_start3A_26] : memref<2x16x1x20000xi32, #tpu.memory_space<hbm>> -> memref<1x1x1x20000xi32, #tpu.memory_space<hbm>>
      %dma_start3A_28 = tpu.memref_squeeze %dma_start3A_27 : memref<1x1x1x20000xi32, #tpu.memory_space<hbm>> -> memref<1x20000xi32, #tpu.memory_space<hbm>>
      %dma_start3A_29 = arith.constant 0 : i32
      %dma_start3A_30 = arith.constant 0 : i32
      %dma_start3A_31 = tpu.memref_slice %arg2[%arg0, %arg1, %dma_start3A_29, %dma_start3A_30] : memref<2x16x1x20000xi32, #tpu.memory_space<hbm>> -> memref<1x1x1x20000xi32, #tpu.memory_space<hbm>>
      %dma_start3A_32 = tpu.memref_squeeze %dma_start3A_31 : memref<1x1x1x20000xi32, #tpu.memory_space<hbm>> -> memref<1x20000xi32, #tpu.memory_space<hbm>>
      tpu.enqueue_dma source(%dma_start3A_32 : memref<1x20000xi32, #tpu.memory_space<hbm>>) target(%arg6 : memref<1x20000xi32, #tpu.memory_space<vmem>>) target_semaphore(%run_scoped3A : memref<!tpu.dma_semaphore, #tpu.memory_space<semaphore_mem>>)
      %dma_wait3A = arith.constant 0 : i32
      %dma_wait3A_33 = arith.constant 0 : i32
      %dma_wait3A_34 = tpu.memref_slice %arg2[%arg0, %arg1, %dma_wait3A, %dma_wait3A_33] : memref<2x16x1x20000xi32, #tpu.memory_space<hbm>> -> memref<1x1x1x20000xi32, #tpu.memory_space<hbm>>
      %dma_wait3A_35 = tpu.memref_squeeze %dma_wait3A_34 : memref<1x1x1x20000xi32, #tpu.memory_space<hbm>> -> memref<1x20000xi32, #tpu.memory_space<hbm>>
      %dma_wait3A_36 = arith.constant 0 : i32
      %dma_wait3A_37 = arith.constant 0 : i32
      %dma_wait3A_38 = tpu.memref_slice %arg2[%arg0, %arg1, %dma_wait3A_36, %dma_wait3A_37] : memref<2x16x1x20000xi32, #tpu.memory_space<hbm>> -> memref<1x1x1x20000xi32, #tpu.memory_space<hbm>>
      %dma_wait3A_39 = tpu.memref_squeeze %dma_wait3A_38 : memref<1x1x1x20000xi32, #tpu.memory_space<hbm>> -> memref<1x20000xi32, #tpu.memory_space<hbm>>
      tpu.wait_dma2 semaphore(%run_scoped3A : memref<!tpu.dma_semaphore, #tpu.memory_space<semaphore_mem>>) src(%dma_wait3A_39 : memref<1x20000xi32, #tpu.memory_space<hbm>>) dst(%arg6 : memref<1x20000xi32, #tpu.memory_space<vmem>>)
      tpu.yield
    }) : () -> ()
    "tpu.region"() ({
      %run_scoped3A = tpu.sem_alloc : memref<!tpu.dma_semaphore, #tpu.memory_space<semaphore_mem>>
      tpu.enqueue_dma source(%arg3 : memref<5x1x125xi32, #tpu.memory_space<hbm>>) target(%arg7 : memref<5x1x125xi32, #tpu.memory_space<vmem>>) target_semaphore(%run_scoped3A : memref<!tpu.dma_semaphore, #tpu.memory_space<semaphore_mem>>)
      tpu.wait_dma2 semaphore(%run_scoped3A : memref<!tpu.dma_semaphore, #tpu.memory_space<semaphore_mem>>) src(%arg3 : memref<5x1x125xi32, #tpu.memory_space<hbm>>) dst(%arg7 : memref<5x1x125xi32, #tpu.memory_space<vmem>>)
      tpu.yield
    }) : () -> ()
    "tpu.region"() ({
      %run_scoped3A = tpu.sem_alloc : memref<!tpu.dma_semaphore, #tpu.memory_space<semaphore_mem>>
      tpu.enqueue_dma source(%arg4 : memref<625x128xf32, #tpu.memory_space<hbm>>) target(%arg8 : memref<625x128xf32, #tpu.memory_space<vmem>>) target_semaphore(%run_scoped3A : memref<!tpu.dma_semaphore, #tpu.memory_space<semaphore_mem>>)
      tpu.wait_dma2 semaphore(%run_scoped3A : memref<!tpu.dma_semaphore, #tpu.memory_space<semaphore_mem>>) src(%arg4 : memref<625x128xf32, #tpu.memory_space<hbm>>) dst(%arg8 : memref<625x128xf32, #tpu.memory_space<vmem>>)
      tpu.yield
    }) : () -> ()
    %iota3A = tpu.iota {dimensions = array<i32: 0>} : vector<16xi32>
    %and3A = arith.constant 7 : i32
    %and3A_2 = vector.broadcast %and3A : i32 to vector<16xi32>
    %and3A_3 = arith.andi %iota3A, %and3A_2 : vector<16xi32>
    %lt3A = arith.constant 8 : i32
    %lt3A_4 = vector.broadcast %lt3A : i32 to vector<16xi32>
    %lt3A_5 = arith.cmpi slt, %iota3A, %lt3A_4 : vector<16xi32>
    %ge3A = arith.constant 8 : i32
    %ge3A_6 = vector.broadcast %ge3A : i32 to vector<16xi32>
    %ge3A_7 = arith.cmpi sge, %iota3A, %ge3A_6 : vector<16xi32>
    %broadcast_in_dim3A = arith.constant 1.000000e+00 : f32
    %broadcast_in_dim3A_8 = vector.broadcast %broadcast_in_dim3A : f32 to vector<16xf32>
    %scan3A = arith.constant 0 : i32
    %scan3A_9 = arith.constant 0 : i32
    %scan3A_10 = arith.constant 250 : i32
    %scan3A_11 = arith.addi %scan3A_9, %scan3A_10 : i32
    %scan3A_12 = arith.constant 1 : i32
    scf.for %scan3A_26 = %scan3A_9 to %scan3A_11 step %scan3A_12  : i32 {
      %mul3A = arith.constant 80 : i32
      %mul3A_27 = arith.muli %scan3A_26, %mul3A : i32
      %add3A = arith.constant 0 : i32
      %add3A_28 = arith.addi %mul3A_27, %add3A : i32
      %get3A = arith.constant 0 : i32
      %get3A_29 = arith.index_cast %get3A : i32 to index
      %get3A_30 = arith.index_cast %add3A_28 : i32 to index
      %get3A_31 = tpu.vector_load %arg6[%get3A_29, %get3A_30] {strides = array<i32>} : memref<1x20000xi32, #tpu.memory_space<vmem>>, vector<16xi32>,
      %mul3A_32 = arith.constant 8 : i32
      %mul3A_33 = vector.broadcast %mul3A_32 : i32 to vector<16xi32>
      %mul3A_34 = arith.muli %get3A_31, %mul3A_33 : vector<16xi32>
      %add3A_35 = arith.addi %mul3A_34, %and3A_3 : vector<16xi32>
      %shift_right_logical3A = arith.constant 7 : i32
      %shift_right_logical3A_36 = vector.broadcast %shift_right_logical3A : i32 to vector<16xi32>
      %shift_right_logical3A_37 = arith.shrui %add3A_35, %shift_right_logical3A_36 : vector<16xi32>
      %and3A_38 = arith.constant 127 : i32
      %and3A_39 = vector.broadcast %and3A_38 : i32 to vector<16xi32>
      %and3A_40 = arith.andi %add3A_35, %and3A_39 : vector<16xi32>
      %gather3A = tpu.vector_load_idx %arg8[%shift_right_logical3A_37, %and3A_40] masked %lt3A_5 : memref<625x128xf32, #tpu.memory_space<vmem>>[vector<16xi32>, vector<16xi32>], vector<16xf32>, vector<16xi1>
      %add3A_41 = arith.addf %gather3A, %broadcast_in_dim3A_8 : vector<16xf32>
      tpu.vector_store_idx %arg8[%shift_right_logical3A_37, %and3A_40], %add3A_41 masked %lt3A_5 : memref<625x128xf32, #tpu.memory_space<vmem>>[vector<16xi32>, vector<16xi32>], vector<16xf32>, vector<16xi1>
      %gather3A_42 = tpu.vector_load_idx %arg8[%shift_right_logical3A_37, %and3A_40] masked %ge3A_7 : memref<625x128xf32, #tpu.memory_space<vmem>>[vector<16xi32>, vector<16xi32>], vector<16xf32>, vector<16xi1>
      %add3A_43 = arith.addf %gather3A_42, %broadcast_in_dim3A_8 : vector<16xf32>
      tpu.vector_store_idx %arg8[%shift_right_logical3A_37, %and3A_40], %add3A_43 masked %ge3A_7 : memref<625x128xf32, #tpu.memory_space<vmem>>[vector<16xi32>, vector<16xi32>], vector<16xf32>, vector<16xi1>
      %mul3A_44 = arith.constant 80 : i32
      %mul3A_45 = arith.muli %scan3A_26, %mul3A_44 : i32
      %add3A_46 = arith.constant 16 : i32
      %add3A_47 = arith.addi %mul3A_45, %add3A_46 : i32
      %get3A_48 = arith.constant 0 : i32
      %get3A_49 = arith.index_cast %get3A_48 : i32 to index
      %get3A_50 = arith.index_cast %add3A_47 : i32 to index
      %get3A_51 = tpu.vector_load %arg6[%get3A_49, %get3A_50] {strides = array<i32>} : memref<1x20000xi32, #tpu.memory_space<vmem>>, vector<16xi32>,
      %mul3A_52 = arith.constant 8 : i32
      %mul3A_53 = vector.broadcast %mul3A_52 : i32 to vector<16xi32>
      %mul3A_54 = arith.muli %get3A_51, %mul3A_53 : vector<16xi32>
      %add3A_55 = arith.addi %mul3A_54, %and3A_3 : vector<16xi32>
      %shift_right_logical3A_56 = arith.constant 7 : i32
      %shift_right_logical3A_57 = vector.broadcast %shift_right_logical3A_56 : i32 to vector<16xi32>
      %shift_right_logical3A_58 = arith.shrui %add3A_55, %shift_right_logical3A_57 : vector<16xi32>
      %and3A_59 = arith.constant 127 : i32
      %and3A_60 = vector.broadcast %and3A_59 : i32 to vector<16xi32>
      %and3A_61 = arith.andi %add3A_55, %and3A_60 : vector<16xi32>
      %gather3A_62 = tpu.vector_load_idx %arg8[%shift_right_logical3A_58, %and3A_61] masked %lt3A_5 : memref<625x128xf32, #tpu.memory_space<vmem>>[vector<16xi32>, vector<16xi32>], vector<16xf32>, vector<16xi1>
      %add3A_63 = arith.addf %gather3A_62, %broadcast_in_dim3A_8 : vector<16xf32>
      tpu.vector_store_idx %arg8[%shift_right_logical3A_58, %and3A_61], %add3A_63 masked %lt3A_5 : memref<625x128xf32, #tpu.memory_space<vmem>>[vector<16xi32>, vector<16xi32>], vector<16xf32>, vector<16xi1>
      %gather3A_64 = tpu.vector_load_idx %arg8[%shift_right_logical3A_58, %and3A_61] masked %ge3A_7 : memref<625x128xf32, #tpu.memory_space<vmem>>[vector<16xi32>, vector<16xi32>], vector<16xf32>, vector<16xi1>
      %add3A_65 = arith.addf %gather3A_64, %broadcast_in_dim3A_8 : vector<16xf32>
      tpu.vector_store_idx %arg8[%shift_right_logical3A_58, %and3A_61], %add3A_65 masked %ge3A_7 : memref<625x128xf32, #tpu.memory_space<vmem>>[vector<16xi32>, vector<16xi32>], vector<16xf32>, vector<16xi1>
      %mul3A_66 = arith.constant 80 : i32
      %mul3A_67 = arith.muli %scan3A_26, %mul3A_66 : i32
      %add3A_68 = arith.constant 32 : i32
      %add3A_69 = arith.addi %mul3A_67, %add3A_68 : i32
      %get3A_70 = arith.constant 0 : i32
      %get3A_71 = arith.index_cast %get3A_70 : i32 to index
      %get3A_72 = arith.index_cast %add3A_69 : i32 to index
      %get3A_73 = tpu.vector_load %arg6[%get3A_71, %get3A_72] {strides = array<i32>} : memref<1x20000xi32, #tpu.memory_space<vmem>>, vector<16xi32>,
      %mul3A_74 = arith.constant 8 : i32
      %mul3A_75 = vector.broadcast %mul3A_74 : i32 to vector<16xi32>
      %mul3A_76 = arith.muli %get3A_73, %mul3A_75 : vector<16xi32>
      %add3A_77 = arith.addi %mul3A_76, %and3A_3 : vector<16xi32>
      %shift_right_logical3A_78 = arith.constant 7 : i32
      %shift_right_logical3A_79 = vector.broadcast %shift_right_logical3A_78 : i32 to vector<16xi32>
      %shift_right_logical3A_80 = arith.shrui %add3A_77, %shift_right_logical3A_79 : vector<16xi32>
      %and3A_81 = arith.constant 127 : i32
      %and3A_82 = vector.broadcast %and3A_81 : i32 to vector<16xi32>
      %and3A_83 = arith.andi %add3A_77, %and3A_82 : vector<16xi32>
      %gather3A_84 = tpu.vector_load_idx %arg8[%shift_right_logical3A_80, %and3A_83] masked %lt3A_5 : memref<625x128xf32, #tpu.memory_space<vmem>>[vector<16xi32>, vector<16xi32>], vector<16xf32>, vector<16xi1>
      %add3A_85 = arith.addf %gather3A_84, %broadcast_in_dim3A_8 : vector<16xf32>
      tpu.vector_store_idx %arg8[%shift_right_logical3A_80, %and3A_83], %add3A_85 masked %lt3A_5 : memref<625x128xf32, #tpu.memory_space<vmem>>[vector<16xi32>, vector<16xi32>], vector<16xf32>, vector<16xi1>
      %gather3A_86 = tpu.vector_load_idx %arg8[%shift_right_logical3A_80, %and3A_83] masked %ge3A_7 : memref<625x128xf32, #tpu.memory_space<vmem>>[vector<16xi32>, vector<16xi32>], vector<16xf32>, vector<16xi1>
      %add3A_87 = arith.addf %gather3A_86, %broadcast_in_dim3A_8 : vector<16xf32>
      tpu.vector_store_idx %arg8[%shift_right_logical3A_80, %and3A_83], %add3A_87 masked %ge3A_7 : memref<625x128xf32, #tpu.memory_space<vmem>>[vector<16xi32>, vector<16xi32>], vector<16xf32>, vector<16xi1>
      %mul3A_88 = arith.constant 80 : i32
      %mul3A_89 = arith.muli %scan3A_26, %mul3A_88 : i32
      %add3A_90 = arith.constant 48 : i32
      %add3A_91 = arith.addi %mul3A_89, %add3A_90 : i32
      %get3A_92 = arith.constant 0 : i32
      %get3A_93 = arith.index_cast %get3A_92 : i32 to index
      %get3A_94 = arith.index_cast %add3A_91 : i32 to index
      %get3A_95 = tpu.vector_load %arg6[%get3A_93, %get3A_94] {strides = array<i32>} : memref<1x20000xi32, #tpu.memory_space<vmem>>, vector<16xi32>,
      %mul3A_96 = arith.constant 8 : i32
      %mul3A_97 = vector.broadcast %mul3A_96 : i32 to vector<16xi32>
      %mul3A_98 = arith.muli %get3A_95, %mul3A_97 : vector<16xi32>
      %add3A_99 = arith.addi %mul3A_98, %and3A_3 : vector<16xi32>
      %shift_right_logical3A_100 = arith.constant 7 : i32
      %shift_right_logical3A_101 = vector.broadcast %shift_right_logical3A_100 : i32 to vector<16xi32>
      %shift_right_logical3A_102 = arith.shrui %add3A_99, %shift_right_logical3A_101 : vector<16xi32>
      %and3A_103 = arith.constant 127 : i32
      %and3A_104 = vector.broadcast %and3A_103 : i32 to vector<16xi32>
      %and3A_105 = arith.andi %add3A_99, %and3A_104 : vector<16xi32>
      %gather3A_106 = tpu.vector_load_idx %arg8[%shift_right_logical3A_102, %and3A_105] masked %lt3A_5 : memref<625x128xf32, #tpu.memory_space<vmem>>[vector<16xi32>, vector<16xi32>], vector<16xf32>, vector<16xi1>
      %add3A_107 = arith.addf %gather3A_106, %broadcast_in_dim3A_8 : vector<16xf32>
      tpu.vector_store_idx %arg8[%shift_right_logical3A_102, %and3A_105], %add3A_107 masked %lt3A_5 : memref<625x128xf32, #tpu.memory_space<vmem>>[vector<16xi32>, vector<16xi32>], vector<16xf32>, vector<16xi1>
      %gather3A_108 = tpu.vector_load_idx %arg8[%shift_right_logical3A_102, %and3A_105] masked %ge3A_7 : memref<625x128xf32, #tpu.memory_space<vmem>>[vector<16xi32>, vector<16xi32>], vector<16xf32>, vector<16xi1>
      %add3A_109 = arith.addf %gather3A_108, %broadcast_in_dim3A_8 : vector<16xf32>
      tpu.vector_store_idx %arg8[%shift_right_logical3A_102, %and3A_105], %add3A_109 masked %ge3A_7 : memref<625x128xf32, #tpu.memory_space<vmem>>[vector<16xi32>, vector<16xi32>], vector<16xf32>, vector<16xi1>
      %mul3A_110 = arith.constant 80 : i32
      %mul3A_111 = arith.muli %scan3A_26, %mul3A_110 : i32
      %add3A_112 = arith.constant 64 : i32
      %add3A_113 = arith.addi %mul3A_111, %add3A_112 : i32
      %get3A_114 = arith.constant 0 : i32
      %get3A_115 = arith.index_cast %get3A_114 : i32 to index
      %get3A_116 = arith.index_cast %add3A_113 : i32 to index
      %get3A_117 = tpu.vector_load %arg6[%get3A_115, %get3A_116] {strides = array<i32>} : memref<1x20000xi32, #tpu.memory_space<vmem>>, vector<16xi32>,
      %mul3A_118 = arith.constant 8 : i32
      %mul3A_119 = vector.broadcast %mul3A_118 : i32 to vector<16xi32>
      %mul3A_120 = arith.muli %get3A_117, %mul3A_119 : vector<16xi32>
      %add3A_121 = arith.addi %mul3A_120, %and3A_3 : vector<16xi32>
      %shift_right_logical3A_122 = arith.constant 7 : i32
      %shift_right_logical3A_123 = vector.broadcast %shift_right_logical3A_122 : i32 to vector<16xi32>
      %shift_right_logical3A_124 = arith.shrui %add3A_121, %shift_right_logical3A_123 : vector<16xi32>
      %and3A_125 = arith.constant 127 : i32
      %and3A_126 = vector.broadcast %and3A_125 : i32 to vector<16xi32>
      %and3A_127 = arith.andi %add3A_121, %and3A_126 : vector<16xi32>
      %gather3A_128 = tpu.vector_load_idx %arg8[%shift_right_logical3A_124, %and3A_127] masked %lt3A_5 : memref<625x128xf32, #tpu.memory_space<vmem>>[vector<16xi32>, vector<16xi32>], vector<16xf32>, vector<16xi1>
      %add3A_129 = arith.addf %gather3A_128, %broadcast_in_dim3A_8 : vector<16xf32>
      tpu.vector_store_idx %arg8[%shift_right_logical3A_124, %and3A_127], %add3A_129 masked %lt3A_5 : memref<625x128xf32, #tpu.memory_space<vmem>>[vector<16xi32>, vector<16xi32>], vector<16xf32>, vector<16xi1>
      %gather3A_130 = tpu.vector_load_idx %arg8[%shift_right_logical3A_124, %and3A_127] masked %ge3A_7 : memref<625x128xf32, #tpu.memory_space<vmem>>[vector<16xi32>, vector<16xi32>], vector<16xf32>, vector<16xi1>
      %add3A_131 = arith.addf %gather3A_130, %broadcast_in_dim3A_8 : vector<16xf32>
      tpu.vector_store_idx %arg8[%shift_right_logical3A_124, %and3A_127], %add3A_131 masked %ge3A_7 : memref<625x128xf32, #tpu.memory_space<vmem>>[vector<16xi32>, vector<16xi32>], vector<16xf32>, vector<16xi1>
    }
    %scan3A_13 = arith.constant 250 : i32
    %barrier3A = arith.constant 0 : index
    tpu.barrier barrier_id(%barrier3A)
    %scan3A_14 = arith.constant 0 : i32
    %scan3A_15 = arith.constant 0 : i32
    %scan3A_16 = arith.constant 5 : i32
    %scan3A_17 = arith.addi %scan3A_15, %scan3A_16 : i32
    %scan3A_18 = arith.constant 1 : i32
    scf.for %scan3A_26 = %scan3A_15 to %scan3A_17 step %scan3A_18  : i32 {
      %mul3A = arith.constant 125 : i32
      %mul3A_27 = arith.muli %scan3A_26, %mul3A : i32
      %run_scoped3A = arith.constant 0 : i32
      "tpu.region"() ({
        %run_scoped3A_28 = tpu.sem_alloc : memref<!tpu.dma_semaphore, #tpu.memory_space<semaphore_mem>>
        %dma_start3A = arith.constant 0 : i32
        %dma_start3A_29 = tpu.memref_slice %arg8[%mul3A_27, %dma_start3A] : memref<625x128xf32, #tpu.memory_space<vmem>> -> memref<125x128xf32, #tpu.memory_space<vmem>>
        %dma_start3A_30 = arith.constant 0 : i32
        %dma_start3A_31 = tpu.memref_slice %arg7[%scan3A_26, %run_scoped3A, %dma_start3A_30] : memref<5x1x125xi32, #tpu.memory_space<vmem>> -> memref<1x1x125xi32, #tpu.memory_space<vmem>>
        %dma_start3A_32 = tpu.memref_squeeze %dma_start3A_31 : memref<1x1x125xi32, #tpu.memory_space<vmem>> -> memref<125xi32, #tpu.memory_space<vmem>>
        %dma_start3A_33 = arith.constant 0 : i32
        %dma_start3A_34 = arith.constant 0 : i32
        %dma_start3A_35 = tpu.memref_slice %arg9[%dma_start3A_33, %dma_start3A_34] : memref<625x128xf32, #tpu.memory_space<vmem_shared>> -> memref<625x128xf32, #tpu.memory_space<vmem_shared>>
        tpu.enqueue_indirect_dma source(%dma_start3A_29 : memref<125x128xf32, #tpu.memory_space<vmem>>) target(%dma_start3A_35 : memref<625x128xf32, #tpu.memory_space<vmem_shared>>) offsets(%dma_start3A_32 : memref<125xi32, #tpu.memory_space<vmem>>) semaphore(%run_scoped3A_28 : memref<!tpu.dma_semaphore, #tpu.memory_space<semaphore_mem>>) {add = true}
        %dma_wait3A = arith.constant 0 : i32
        %dma_wait3A_36 = tpu.memref_slice %arg8[%mul3A_27, %dma_wait3A] : memref<625x128xf32, #tpu.memory_space<vmem>> -> memref<125x128xf32, #tpu.memory_space<vmem>>
        %dma_wait3A_37 = arith.constant 0 : i32
        %dma_wait3A_38 = tpu.memref_slice %arg7[%scan3A_26, %run_scoped3A, %dma_wait3A_37] : memref<5x1x125xi32, #tpu.memory_space<vmem>> -> memref<1x1x125xi32, #tpu.memory_space<vmem>>
        %dma_wait3A_39 = tpu.memref_squeeze %dma_wait3A_38 : memref<1x1x125xi32, #tpu.memory_space<vmem>> -> memref<125xi32, #tpu.memory_space<vmem>>
        %dma_wait3A_40 = arith.constant 0 : i32
        %dma_wait3A_41 = arith.constant 0 : i32
        %dma_wait3A_42 = tpu.memref_slice %arg9[%dma_wait3A_40, %dma_wait3A_41] : memref<625x128xf32, #tpu.memory_space<vmem_shared>> -> memref<625x128xf32, #tpu.memory_space<vmem_shared>>
        tpu.wait_indirect_dma semaphore(%run_scoped3A_28 : memref<!tpu.dma_semaphore, #tpu.memory_space<semaphore_mem>>) src(%dma_wait3A_36 : memref<125x128xf32, #tpu.memory_space<vmem>>) dst(%dma_wait3A_42 : memref<625x128xf32, #tpu.memory_space<vmem_shared>>)
        tpu.yield
      }) : () -> ()
    }
    %scan3A_19 = arith.constant 5 : i32
    %barrier3A_20 = arith.constant 0 : index
    tpu.barrier barrier_id(%barrier3A_20)
    %eq3A_21 = arith.constant 0 : i32
    %eq3A_22 = arith.cmpi eq, %arg1, %eq3A_21 : i32
    %convert_element_type3A_23 = arith.extui %eq3A_22 : i1 to i32
    %cond3A_24 = arith.constant 0 : i32
    %cond3A_25 = arith.cmpi ne, %convert_element_type3A_23, %cond3A_24 : i32
    scf.if %cond3A_25 {
      "tpu.region"() ({
        %run_scoped3A = tpu.sem_alloc : memref<!tpu.dma_semaphore, #tpu.memory_space<semaphore_mem>>
        %dma_start3A = arith.constant 0 : i32
        %dma_start3A_26 = arith.constant 0 : i32
        %dma_start3A_27 = tpu.memref_slice %arg5[%arg0, %dma_start3A, %dma_start3A_26] : memref<2x625x128xf32, #tpu.memory_space<hbm>> -> memref<1x625x128xf32, #tpu.memory_space<hbm>>
        %dma_start3A_28 = tpu.memref_squeeze %dma_start3A_27 : memref<1x625x128xf32, #tpu.memory_space<hbm>> -> memref<625x128xf32, #tpu.memory_space<hbm>>
        tpu.enqueue_dma source(%arg9 : memref<625x128xf32, #tpu.memory_space<vmem_shared>>) target(%dma_start3A_28 : memref<625x128xf32, #tpu.memory_space<hbm>>) target_semaphore(%run_scoped3A : memref<!tpu.dma_semaphore, #tpu.memory_space<semaphore_mem>>)
        %dma_wait3A = arith.constant 0 : i32
        %dma_wait3A_29 = arith.constant 0 : i32
        %dma_wait3A_30 = tpu.memref_slice %arg5[%arg0, %dma_wait3A, %dma_wait3A_29] : memref<2x625x128xf32, #tpu.memory_space<hbm>> -> memref<1x625x128xf32, #tpu.memory_space<hbm>>
        %dma_wait3A_31 = tpu.memref_squeeze %dma_wait3A_30 : memref<1x625x128xf32, #tpu.memory_space<hbm>> -> memref<625x128xf32, #tpu.memory_space<hbm>>
        tpu.wait_dma2 semaphore(%run_scoped3A : memref<!tpu.dma_semaphore, #tpu.memory_space<semaphore_mem>>) src(%arg9 : memref<625x128xf32, #tpu.memory_space<vmem_shared>>) dst(%dma_wait3A_31 : memref<625x128xf32, #tpu.memory_space<hbm>>)
        tpu.yield
      }) : () -> ()
    } else {
    }
    return
  }
}

#map = affine_map<(d0, d1) -> (0, 0)>
#map1 = affine_map<(d0, d1) -> (0, 0, 0, 0, 0)>
#map2 = affine_map<(d0, d1) -> (0, 0, 0)>
module attributes {stable_mosaic.version = 14 : i64} {
  func.func @_edge_body(%arg0: i32, %arg1: i32, %arg2: memref<10000x128xf32, #tpu.memory_space<hbm>>, %arg3: memref<2x32x80x1x125xi32, #tpu.memory_space<hbm>>, %arg4: memref<1000x128xf32, #tpu.memory_space<hbm>>, %arg5: memref<2x10000x128xf32, #tpu.memory_space<hbm>>, %arg6: memref<20x1x125xi32, #tpu.memory_space<vmem>>, %arg7: memref<20x1x125xi32, #tpu.memory_space<vmem>>, %arg8: memref<2x125x128xf32, #tpu.memory_space<vmem>>, %arg9: memref<10000x128xf32, #tpu.memory_space<vmem_shared>>, %arg10: memref<!tpu.dma_semaphore, #tpu.memory_space<semaphore_mem>>) attributes {dimension_semantics = [#tpu.dimension_semantics<core_parallel>, #tpu.dimension_semantics<subcore_parallel>], iteration_bounds = array<i64: 2, 16>, scalar_prefetch = 0 : i64, scratch_operands = 5 : i64, tpu.core_type = #tpu.core_type<sc_vector_subcore>, window_params = [{transform_indices = #map}, {transform_indices = #map1}, {transform_indices = #map}, {transform_indices = #map2}]} {
    %mul3A = arith.constant 16 : i32
    %mul3A_0 = arith.muli %arg0, %mul3A : i32
    %add3A = arith.addi %mul3A_0, %arg1 : i32
    %lt3A = arith.constant 10 : i32
    %lt3A_1 = arith.cmpi slt, %arg1, %lt3A : i32
    %convert_element_type3A = arith.extui %lt3A_1 : i1 to i32
    %cond3A = arith.constant 0 : i32
    %cond3A_2 = arith.cmpi ne, %convert_element_type3A, %cond3A : i32
    scf.if %cond3A_2 {
      %mul3A_90 = arith.constant 1000 : i32
      %mul3A_91 = arith.muli %arg1, %mul3A_90 : i32
      "tpu.region"() ({
        %run_scoped3A_92 = tpu.sem_alloc : memref<!tpu.dma_semaphore, #tpu.memory_space<semaphore_mem>>
        %dma_start3A = arith.constant 0 : i32
        %dma_start3A_93 = tpu.memref_slice %arg9[%mul3A_91, %dma_start3A] : memref<10000x128xf32, #tpu.memory_space<vmem_shared>> -> memref<1000x128xf32, #tpu.memory_space<vmem_shared>>
        tpu.enqueue_dma source(%arg4 : memref<1000x128xf32, #tpu.memory_space<hbm>>) target(%dma_start3A_93 : memref<1000x128xf32, #tpu.memory_space<vmem_shared>>) target_semaphore(%run_scoped3A_92 : memref<!tpu.dma_semaphore, #tpu.memory_space<semaphore_mem>>)
        %dma_wait3A_94 = arith.constant 0 : i32
        %dma_wait3A_95 = tpu.memref_slice %arg9[%mul3A_91, %dma_wait3A_94] : memref<10000x128xf32, #tpu.memory_space<vmem_shared>> -> memref<1000x128xf32, #tpu.memory_space<vmem_shared>>
        tpu.wait_dma2 semaphore(%run_scoped3A_92 : memref<!tpu.dma_semaphore, #tpu.memory_space<semaphore_mem>>) src(%arg4 : memref<1000x128xf32, #tpu.memory_space<hbm>>) dst(%dma_wait3A_95 : memref<1000x128xf32, #tpu.memory_space<vmem_shared>>)
        tpu.yield
      }) : () -> ()
    } else {
    }
    %barrier3A = arith.constant 0 : index
    tpu.barrier barrier_id(%barrier3A)
    %run_scoped3A = arith.constant 0 : i32
    "tpu.region"() ({
      %run_scoped3A_90 = tpu.sem_alloc : memref<!tpu.dma_semaphore, #tpu.memory_space<semaphore_mem>>
      %dma_start3A = arith.constant 0 : i32
      %dma_start3A_91 = arith.constant 0 : i32
      %dma_start3A_92 = arith.constant 0 : i32
      %dma_start3A_93 = tpu.memref_slice %arg3[%run_scoped3A, %add3A, %dma_start3A, %dma_start3A_91, %dma_start3A_92] : memref<2x32x80x1x125xi32, #tpu.memory_space<hbm>> -> memref<1x1x20x1x125xi32, #tpu.memory_space<hbm>>
      %dma_start3A_94 = tpu.memref_squeeze %dma_start3A_93 : memref<1x1x20x1x125xi32, #tpu.memory_space<hbm>> -> memref<20x1x125xi32, #tpu.memory_space<hbm>>
      %dma_start3A_95 = arith.constant 0 : i32
      %dma_start3A_96 = arith.constant 0 : i32
      %dma_start3A_97 = arith.constant 0 : i32
      %dma_start3A_98 = tpu.memref_slice %arg3[%run_scoped3A, %add3A, %dma_start3A_95, %dma_start3A_96, %dma_start3A_97] : memref<2x32x80x1x125xi32, #tpu.memory_space<hbm>> -> memref<1x1x20x1x125xi32, #tpu.memory_space<hbm>>
      %dma_start3A_99 = tpu.memref_squeeze %dma_start3A_98 : memref<1x1x20x1x125xi32, #tpu.memory_space<hbm>> -> memref<20x1x125xi32, #tpu.memory_space<hbm>>
      tpu.enqueue_dma source(%dma_start3A_99 : memref<20x1x125xi32, #tpu.memory_space<hbm>>) target(%arg6 : memref<20x1x125xi32, #tpu.memory_space<vmem>>) target_semaphore(%run_scoped3A_90 : memref<!tpu.dma_semaphore, #tpu.memory_space<semaphore_mem>>)
      %dma_wait3A_100 = arith.constant 0 : i32
      %dma_wait3A_101 = arith.constant 0 : i32
      %dma_wait3A_102 = arith.constant 0 : i32
      %dma_wait3A_103 = tpu.memref_slice %arg3[%run_scoped3A, %add3A, %dma_wait3A_100, %dma_wait3A_101, %dma_wait3A_102] : memref<2x32x80x1x125xi32, #tpu.memory_space<hbm>> -> memref<1x1x20x1x125xi32, #tpu.memory_space<hbm>>
      %dma_wait3A_104 = tpu.memref_squeeze %dma_wait3A_103 : memref<1x1x20x1x125xi32, #tpu.memory_space<hbm>> -> memref<20x1x125xi32, #tpu.memory_space<hbm>>
      %dma_wait3A_105 = arith.constant 0 : i32
      %dma_wait3A_106 = arith.constant 0 : i32
      %dma_wait3A_107 = arith.constant 0 : i32
      %dma_wait3A_108 = tpu.memref_slice %arg3[%run_scoped3A, %add3A, %dma_wait3A_105, %dma_wait3A_106, %dma_wait3A_107] : memref<2x32x80x1x125xi32, #tpu.memory_space<hbm>> -> memref<1x1x20x1x125xi32, #tpu.memory_space<hbm>>
      %dma_wait3A_109 = tpu.memref_squeeze %dma_wait3A_108 : memref<1x1x20x1x125xi32, #tpu.memory_space<hbm>> -> memref<20x1x125xi32, #tpu.memory_space<hbm>>
      tpu.wait_dma2 semaphore(%run_scoped3A_90 : memref<!tpu.dma_semaphore, #tpu.memory_space<semaphore_mem>>) src(%dma_wait3A_109 : memref<20x1x125xi32, #tpu.memory_space<hbm>>) dst(%arg6 : memref<20x1x125xi32, #tpu.memory_space<vmem>>)
      tpu.yield
    }) : () -> ()
    %run_scoped3A_3 = arith.constant 1 : i32
    "tpu.region"() ({
      %run_scoped3A_90 = tpu.sem_alloc : memref<!tpu.dma_semaphore, #tpu.memory_space<semaphore_mem>>
      %dma_start3A = arith.constant 0 : i32
      %dma_start3A_91 = arith.constant 0 : i32
      %dma_start3A_92 = arith.constant 0 : i32
      %dma_start3A_93 = tpu.memref_slice %arg3[%run_scoped3A_3, %add3A, %dma_start3A, %dma_start3A_91, %dma_start3A_92] : memref<2x32x80x1x125xi32, #tpu.memory_space<hbm>> -> memref<1x1x20x1x125xi32, #tpu.memory_space<hbm>>
      %dma_start3A_94 = tpu.memref_squeeze %dma_start3A_93 : memref<1x1x20x1x125xi32, #tpu.memory_space<hbm>> -> memref<20x1x125xi32, #tpu.memory_space<hbm>>
      %dma_start3A_95 = arith.constant 0 : i32
      %dma_start3A_96 = arith.constant 0 : i32
      %dma_start3A_97 = arith.constant 0 : i32
      %dma_start3A_98 = tpu.memref_slice %arg3[%run_scoped3A_3, %add3A, %dma_start3A_95, %dma_start3A_96, %dma_start3A_97] : memref<2x32x80x1x125xi32, #tpu.memory_space<hbm>> -> memref<1x1x20x1x125xi32, #tpu.memory_space<hbm>>
      %dma_start3A_99 = tpu.memref_squeeze %dma_start3A_98 : memref<1x1x20x1x125xi32, #tpu.memory_space<hbm>> -> memref<20x1x125xi32, #tpu.memory_space<hbm>>
      tpu.enqueue_dma source(%dma_start3A_99 : memref<20x1x125xi32, #tpu.memory_space<hbm>>) target(%arg7 : memref<20x1x125xi32, #tpu.memory_space<vmem>>) target_semaphore(%run_scoped3A_90 : memref<!tpu.dma_semaphore, #tpu.memory_space<semaphore_mem>>)
      %dma_wait3A_100 = arith.constant 0 : i32
      %dma_wait3A_101 = arith.constant 0 : i32
      %dma_wait3A_102 = arith.constant 0 : i32
      %dma_wait3A_103 = tpu.memref_slice %arg3[%run_scoped3A_3, %add3A, %dma_wait3A_100, %dma_wait3A_101, %dma_wait3A_102] : memref<2x32x80x1x125xi32, #tpu.memory_space<hbm>> -> memref<1x1x20x1x125xi32, #tpu.memory_space<hbm>>
      %dma_wait3A_104 = tpu.memref_squeeze %dma_wait3A_103 : memref<1x1x20x1x125xi32, #tpu.memory_space<hbm>> -> memref<20x1x125xi32, #tpu.memory_space<hbm>>
      %dma_wait3A_105 = arith.constant 0 : i32
      %dma_wait3A_106 = arith.constant 0 : i32
      %dma_wait3A_107 = arith.constant 0 : i32
      %dma_wait3A_108 = tpu.memref_slice %arg3[%run_scoped3A_3, %add3A, %dma_wait3A_105, %dma_wait3A_106, %dma_wait3A_107] : memref<2x32x80x1x125xi32, #tpu.memory_space<hbm>> -> memref<1x1x20x1x125xi32, #tpu.memory_space<hbm>>
      %dma_wait3A_109 = tpu.memref_squeeze %dma_wait3A_108 : memref<1x1x20x1x125xi32, #tpu.memory_space<hbm>> -> memref<20x1x125xi32, #tpu.memory_space<hbm>>
      tpu.wait_dma2 semaphore(%run_scoped3A_90 : memref<!tpu.dma_semaphore, #tpu.memory_space<semaphore_mem>>) src(%dma_wait3A_109 : memref<20x1x125xi32, #tpu.memory_space<hbm>>) dst(%arg7 : memref<20x1x125xi32, #tpu.memory_space<vmem>>)
      tpu.yield
    }) : () -> ()
    %scan3A = arith.constant 0 : i32
    %scan3A_4 = arith.constant 0 : i32
    %scan3A_5 = arith.constant 20 : i32
    %scan3A_6 = arith.addi %scan3A_4, %scan3A_5 : i32
    %scan3A_7 = arith.constant 1 : i32
    scf.for %scan3A_90 = %scan3A_4 to %scan3A_6 step %scan3A_7  : i32 {
      %rem3A = arith.constant 2 : i32
      %rem3A_91 = arith.remsi %scan3A_90, %rem3A : i32
      %run_scoped3A_92 = arith.constant 0 : i32
      "tpu.region"() ({
        %run_scoped3A_107 = tpu.sem_alloc : memref<!tpu.dma_semaphore, #tpu.memory_space<semaphore_mem>>
        %dma_start3A_108 = arith.constant 0 : i32
        %dma_start3A_109 = arith.constant 0 : i32
        %dma_start3A_110 = tpu.memref_slice %arg8[%rem3A_91, %dma_start3A_108, %dma_start3A_109] : memref<2x125x128xf32, #tpu.memory_space<vmem>> -> memref<1x125x128xf32, #tpu.memory_space<vmem>>
        %dma_start3A_111 = tpu.memref_squeeze %dma_start3A_110 : memref<1x125x128xf32, #tpu.memory_space<vmem>> -> memref<125x128xf32, #tpu.memory_space<vmem>>
        %dma_start3A_112 = arith.constant 0 : i32
        %dma_start3A_113 = tpu.memref_slice %arg6[%scan3A_90, %run_scoped3A_92, %dma_start3A_112] : memref<20x1x125xi32, #tpu.memory_space<vmem>> -> memref<1x1x125xi32, #tpu.memory_space<vmem>>
        %dma_start3A_114 = tpu.memref_squeeze %dma_start3A_113 : memref<1x1x125xi32, #tpu.memory_space<vmem>> -> memref<125xi32, #tpu.memory_space<vmem>>
        %dma_start3A_115 = arith.constant 0 : i32
        %dma_start3A_116 = arith.constant 0 : i32
        %dma_start3A_117 = tpu.memref_slice %arg2[%dma_start3A_115, %dma_start3A_116] : memref<10000x128xf32, #tpu.memory_space<hbm>> -> memref<10000x128xf32, #tpu.memory_space<hbm>>
        tpu.enqueue_indirect_dma source(%dma_start3A_117 : memref<10000x128xf32, #tpu.memory_space<hbm>>) target(%dma_start3A_111 : memref<125x128xf32, #tpu.memory_space<vmem>>) offsets(%dma_start3A_114 : memref<125xi32, #tpu.memory_space<vmem>>) semaphore(%run_scoped3A_107 : memref<!tpu.dma_semaphore, #tpu.memory_space<semaphore_mem>>)
        %dma_wait3A_118 = arith.constant 0 : i32
        %dma_wait3A_119 = arith.constant 0 : i32
        %dma_wait3A_120 = tpu.memref_slice %arg8[%rem3A_91, %dma_wait3A_118, %dma_wait3A_119] : memref<2x125x128xf32, #tpu.memory_space<vmem>> -> memref<1x125x128xf32, #tpu.memory_space<vmem>>
        %dma_wait3A_121 = tpu.memref_squeeze %dma_wait3A_120 : memref<1x125x128xf32, #tpu.memory_space<vmem>> -> memref<125x128xf32, #tpu.memory_space<vmem>>
        %dma_wait3A_122 = arith.constant 0 : i32
        %dma_wait3A_123 = tpu.memref_slice %arg6[%scan3A_90, %run_scoped3A_92, %dma_wait3A_122] : memref<20x1x125xi32, #tpu.memory_space<vmem>> -> memref<1x1x125xi32, #tpu.memory_space<vmem>>
        %dma_wait3A_124 = tpu.memref_squeeze %dma_wait3A_123 : memref<1x1x125xi32, #tpu.memory_space<vmem>> -> memref<125xi32, #tpu.memory_space<vmem>>
        %dma_wait3A_125 = arith.constant 0 : i32
        %dma_wait3A_126 = arith.constant 0 : i32
        %dma_wait3A_127 = tpu.memref_slice %arg2[%dma_wait3A_125, %dma_wait3A_126] : memref<10000x128xf32, #tpu.memory_space<hbm>> -> memref<10000x128xf32, #tpu.memory_space<hbm>>
        tpu.wait_indirect_dma semaphore(%run_scoped3A_107 : memref<!tpu.dma_semaphore, #tpu.memory_space<semaphore_mem>>) src(%dma_wait3A_127 : memref<10000x128xf32, #tpu.memory_space<hbm>>) dst(%dma_wait3A_121 : memref<125x128xf32, #tpu.memory_space<vmem>>)
        tpu.yield
      }) : () -> ()
      %gt3A = arith.constant 0 : i32
      %gt3A_93 = arith.cmpi sgt, %scan3A_90, %gt3A : i32
      %convert_element_type3A_94 = arith.extui %gt3A_93 : i1 to i32
      %cond3A_95 = arith.constant 0 : i32
      %cond3A_96 = arith.cmpi ne, %convert_element_type3A_94, %cond3A_95 : i32
      scf.if %cond3A_96 {
        %sub3A = arith.constant 1 : i32
        %sub3A_107 = arith.subi %sub3A, %rem3A_91 : i32
        %sub3A_108 = arith.constant 1 : i32
        %sub3A_109 = arith.subi %scan3A_90, %sub3A_108 : i32
        %dma_wait3A_110 = arith.constant 0 : i32
        %dma_wait3A_111 = arith.constant 0 : i32
        %dma_wait3A_112 = arith.constant 0 : i32
        %dma_wait3A_113 = tpu.memref_slice %arg8[%sub3A_107, %dma_wait3A_111, %dma_wait3A_112] : memref<2x125x128xf32, #tpu.memory_space<vmem>> -> memref<1x125x128xf32, #tpu.memory_space<vmem>>
        %dma_wait3A_114 = tpu.memref_squeeze %dma_wait3A_113 : memref<1x125x128xf32, #tpu.memory_space<vmem>> -> memref<125x128xf32, #tpu.memory_space<vmem>>
        %dma_wait3A_115 = arith.constant 0 : i32
        %dma_wait3A_116 = tpu.memref_slice %arg7[%sub3A_109, %dma_wait3A_110, %dma_wait3A_115] : memref<20x1x125xi32, #tpu.memory_space<vmem>> -> memref<1x1x125xi32, #tpu.memory_space<vmem>>
        %dma_wait3A_117 = tpu.memref_squeeze %dma_wait3A_116 : memref<1x1x125xi32, #tpu.memory_space<vmem>> -> memref<125xi32, #tpu.memory_space<vmem>>
        %dma_wait3A_118 = arith.constant 0 : i32
        %dma_wait3A_119 = arith.constant 0 : i32
        %dma_wait3A_120 = tpu.memref_slice %arg9[%dma_wait3A_118, %dma_wait3A_119] : memref<10000x128xf32, #tpu.memory_space<vmem_shared>> -> memref<10000x128xf32, #tpu.memory_space<vmem_shared>>
        tpu.wait_indirect_dma semaphore(%arg10 : memref<!tpu.dma_semaphore, #tpu.memory_space<semaphore_mem>>) src(%dma_wait3A_114 : memref<125x128xf32, #tpu.memory_space<vmem>>) dst(%dma_wait3A_120 : memref<10000x128xf32, #tpu.memory_space<vmem_shared>>)
      } else {
      }
      %dma_start3A = arith.constant 0 : i32
      %dma_start3A_97 = arith.constant 0 : i32
      %dma_start3A_98 = arith.constant 0 : i32
      %dma_start3A_99 = tpu.memref_slice %arg8[%rem3A_91, %dma_start3A_97, %dma_start3A_98] : memref<2x125x128xf32, #tpu.memory_space<vmem>> -> memref<1x125x128xf32, #tpu.memory_space<vmem>>
      %dma_start3A_100 = tpu.memref_squeeze %dma_start3A_99 : memref<1x125x128xf32, #tpu.memory_space<vmem>> -> memref<125x128xf32, #tpu.memory_space<vmem>>
      %dma_start3A_101 = arith.constant 0 : i32
      %dma_start3A_102 = tpu.memref_slice %arg7[%scan3A_90, %dma_start3A, %dma_start3A_101] : memref<20x1x125xi32, #tpu.memory_space<vmem>> -> memref<1x1x125xi32, #tpu.memory_space<vmem>>
      %dma_start3A_103 = tpu.memref_squeeze %dma_start3A_102 : memref<1x1x125xi32, #tpu.memory_space<vmem>> -> memref<125xi32, #tpu.memory_space<vmem>>
      %dma_start3A_104 = arith.constant 0 : i32
      %dma_start3A_105 = arith.constant 0 : i32
      %dma_start3A_106 = tpu.memref_slice %arg9[%dma_start3A_104, %dma_start3A_105] : memref<10000x128xf32, #tpu.memory_space<vmem_shared>> -> memref<10000x128xf32, #tpu.memory_space<vmem_shared>>
      tpu.enqueue_indirect_dma source(%dma_start3A_100 : memref<125x128xf32, #tpu.memory_space<vmem>>) target(%dma_start3A_106 : memref<10000x128xf32, #tpu.memory_space<vmem_shared>>) offsets(%dma_start3A_103 : memref<125xi32, #tpu.memory_space<vmem>>) semaphore(%arg10 : memref<!tpu.dma_semaphore, #tpu.memory_space<semaphore_mem>>) {add = true}
    }
    %scan3A_8 = arith.constant 20 : i32
    %dma_wait3A = arith.constant 1 : i32
    %dma_wait3A_9 = arith.constant 19 : i32
    %dma_wait3A_10 = arith.constant 0 : i32
    %dma_wait3A_11 = arith.constant 0 : i32
    %dma_wait3A_12 = arith.constant 0 : i32
    %dma_wait3A_13 = tpu.memref_slice %arg8[%dma_wait3A, %dma_wait3A_11, %dma_wait3A_12] : memref<2x125x128xf32, #tpu.memory_space<vmem>> -> memref<1x125x128xf32, #tpu.memory_space<vmem>>
    %dma_wait3A_14 = tpu.memref_squeeze %dma_wait3A_13 : memref<1x125x128xf32, #tpu.memory_space<vmem>> -> memref<125x128xf32, #tpu.memory_space<vmem>>
    %dma_wait3A_15 = arith.constant 0 : i32
    %dma_wait3A_16 = tpu.memref_slice %arg7[%dma_wait3A_9, %dma_wait3A_10, %dma_wait3A_15] : memref<20x1x125xi32, #tpu.memory_space<vmem>> -> memref<1x1x125xi32, #tpu.memory_space<vmem>>
    %dma_wait3A_17 = tpu.memref_squeeze %dma_wait3A_16 : memref<1x1x125xi32, #tpu.memory_space<vmem>> -> memref<125xi32, #tpu.memory_space<vmem>>
    %dma_wait3A_18 = arith.constant 0 : i32
    %dma_wait3A_19 = arith.constant 0 : i32
    %dma_wait3A_20 = tpu.memref_slice %arg9[%dma_wait3A_18, %dma_wait3A_19] : memref<10000x128xf32, #tpu.memory_space<vmem_shared>> -> memref<10000x128xf32, #tpu.memory_space<vmem_shared>>
    tpu.wait_indirect_dma semaphore(%arg10 : memref<!tpu.dma_semaphore, #tpu.memory_space<semaphore_mem>>) src(%dma_wait3A_14 : memref<125x128xf32, #tpu.memory_space<vmem>>) dst(%dma_wait3A_20 : memref<10000x128xf32, #tpu.memory_space<vmem_shared>>)
    %run_scoped3A_21 = arith.constant 0 : i32
    "tpu.region"() ({
      %run_scoped3A_90 = tpu.sem_alloc : memref<!tpu.dma_semaphore, #tpu.memory_space<semaphore_mem>>
      %dma_start3A = arith.constant 20 : i32
      %dma_start3A_91 = arith.constant 0 : i32
      %dma_start3A_92 = arith.constant 0 : i32
      %dma_start3A_93 = tpu.memref_slice %arg3[%run_scoped3A_21, %add3A, %dma_start3A, %dma_start3A_91, %dma_start3A_92] : memref<2x32x80x1x125xi32, #tpu.memory_space<hbm>> -> memref<1x1x20x1x125xi32, #tpu.memory_space<hbm>>
      %dma_start3A_94 = tpu.memref_squeeze %dma_start3A_93 : memref<1x1x20x1x125xi32, #tpu.memory_space<hbm>> -> memref<20x1x125xi32, #tpu.memory_space<hbm>>
      %dma_start3A_95 = arith.constant 20 : i32
      %dma_start3A_96 = arith.constant 0 : i32
      %dma_start3A_97 = arith.constant 0 : i32
      %dma_start3A_98 = tpu.memref_slice %arg3[%run_scoped3A_21, %add3A, %dma_start3A_95, %dma_start3A_96, %dma_start3A_97] : memref<2x32x80x1x125xi32, #tpu.memory_space<hbm>> -> memref<1x1x20x1x125xi32, #tpu.memory_space<hbm>>
      %dma_start3A_99 = tpu.memref_squeeze %dma_start3A_98 : memref<1x1x20x1x125xi32, #tpu.memory_space<hbm>> -> memref<20x1x125xi32, #tpu.memory_space<hbm>>
      tpu.enqueue_dma source(%dma_start3A_99 : memref<20x1x125xi32, #tpu.memory_space<hbm>>) target(%arg6 : memref<20x1x125xi32, #tpu.memory_space<vmem>>) target_semaphore(%run_scoped3A_90 : memref<!tpu.dma_semaphore, #tpu.memory_space<semaphore_mem>>)
      %dma_wait3A_100 = arith.constant 20 : i32
      %dma_wait3A_101 = arith.constant 0 : i32
      %dma_wait3A_102 = arith.constant 0 : i32
      %dma_wait3A_103 = tpu.memref_slice %arg3[%run_scoped3A_21, %add3A, %dma_wait3A_100, %dma_wait3A_101, %dma_wait3A_102] : memref<2x32x80x1x125xi32, #tpu.memory_space<hbm>> -> memref<1x1x20x1x125xi32, #tpu.memory_space<hbm>>
      %dma_wait3A_104 = tpu.memref_squeeze %dma_wait3A_103 : memref<1x1x20x1x125xi32, #tpu.memory_space<hbm>> -> memref<20x1x125xi32, #tpu.memory_space<hbm>>
      %dma_wait3A_105 = arith.constant 20 : i32
      %dma_wait3A_106 = arith.constant 0 : i32
      %dma_wait3A_107 = arith.constant 0 : i32
      %dma_wait3A_108 = tpu.memref_slice %arg3[%run_scoped3A_21, %add3A, %dma_wait3A_105, %dma_wait3A_106, %dma_wait3A_107] : memref<2x32x80x1x125xi32, #tpu.memory_space<hbm>> -> memref<1x1x20x1x125xi32, #tpu.memory_space<hbm>>
      %dma_wait3A_109 = tpu.memref_squeeze %dma_wait3A_108 : memref<1x1x20x1x125xi32, #tpu.memory_space<hbm>> -> memref<20x1x125xi32, #tpu.memory_space<hbm>>
      tpu.wait_dma2 semaphore(%run_scoped3A_90 : memref<!tpu.dma_semaphore, #tpu.memory_space<semaphore_mem>>) src(%dma_wait3A_109 : memref<20x1x125xi32, #tpu.memory_space<hbm>>) dst(%arg6 : memref<20x1x125xi32, #tpu.memory_space<vmem>>)
      tpu.yield
    }) : () -> ()
    %run_scoped3A_22 = arith.constant 1 : i32
    "tpu.region"() ({
      %run_scoped3A_90 = tpu.sem_alloc : memref<!tpu.dma_semaphore, #tpu.memory_space<semaphore_mem>>
      %dma_start3A = arith.constant 20 : i32
      %dma_start3A_91 = arith.constant 0 : i32
      %dma_start3A_92 = arith.constant 0 : i32
      %dma_start3A_93 = tpu.memref_slice %arg3[%run_scoped3A_22, %add3A, %dma_start3A, %dma_start3A_91, %dma_start3A_92] : memref<2x32x80x1x125xi32, #tpu.memory_space<hbm>> -> memref<1x1x20x1x125xi32, #tpu.memory_space<hbm>>
      %dma_start3A_94 = tpu.memref_squeeze %dma_start3A_93 : memref<1x1x20x1x125xi32, #tpu.memory_space<hbm>> -> memref<20x1x125xi32, #tpu.memory_space<hbm>>
      %dma_start3A_95 = arith.constant 20 : i32
      %dma_start3A_96 = arith.constant 0 : i32
      %dma_start3A_97 = arith.constant 0 : i32
      %dma_start3A_98 = tpu.memref_slice %arg3[%run_scoped3A_22, %add3A, %dma_start3A_95, %dma_start3A_96, %dma_start3A_97] : memref<2x32x80x1x125xi32, #tpu.memory_space<hbm>> -> memref<1x1x20x1x125xi32, #tpu.memory_space<hbm>>
      %dma_start3A_99 = tpu.memref_squeeze %dma_start3A_98 : memref<1x1x20x1x125xi32, #tpu.memory_space<hbm>> -> memref<20x1x125xi32, #tpu.memory_space<hbm>>
      tpu.enqueue_dma source(%dma_start3A_99 : memref<20x1x125xi32, #tpu.memory_space<hbm>>) target(%arg7 : memref<20x1x125xi32, #tpu.memory_space<vmem>>) target_semaphore(%run_scoped3A_90 : memref<!tpu.dma_semaphore, #tpu.memory_space<semaphore_mem>>)
      %dma_wait3A_100 = arith.constant 20 : i32
      %dma_wait3A_101 = arith.constant 0 : i32
      %dma_wait3A_102 = arith.constant 0 : i32
      %dma_wait3A_103 = tpu.memref_slice %arg3[%run_scoped3A_22, %add3A, %dma_wait3A_100, %dma_wait3A_101, %dma_wait3A_102] : memref<2x32x80x1x125xi32, #tpu.memory_space<hbm>> -> memref<1x1x20x1x125xi32, #tpu.memory_space<hbm>>
      %dma_wait3A_104 = tpu.memref_squeeze %dma_wait3A_103 : memref<1x1x20x1x125xi32, #tpu.memory_space<hbm>> -> memref<20x1x125xi32, #tpu.memory_space<hbm>>
      %dma_wait3A_105 = arith.constant 20 : i32
      %dma_wait3A_106 = arith.constant 0 : i32
      %dma_wait3A_107 = arith.constant 0 : i32
      %dma_wait3A_108 = tpu.memref_slice %arg3[%run_scoped3A_22, %add3A, %dma_wait3A_105, %dma_wait3A_106, %dma_wait3A_107] : memref<2x32x80x1x125xi32, #tpu.memory_space<hbm>> -> memref<1x1x20x1x125xi32, #tpu.memory_space<hbm>>
      %dma_wait3A_109 = tpu.memref_squeeze %dma_wait3A_108 : memref<1x1x20x1x125xi32, #tpu.memory_space<hbm>> -> memref<20x1x125xi32, #tpu.memory_space<hbm>>
      tpu.wait_dma2 semaphore(%run_scoped3A_90 : memref<!tpu.dma_semaphore, #tpu.memory_space<semaphore_mem>>) src(%dma_wait3A_109 : memref<20x1x125xi32, #tpu.memory_space<hbm>>) dst(%arg7 : memref<20x1x125xi32, #tpu.memory_space<vmem>>)
      tpu.yield
    }) : () -> ()
    %scan3A_23 = arith.constant 0 : i32
    %scan3A_24 = arith.constant 0 : i32
    %scan3A_25 = arith.constant 20 : i32
    %scan3A_26 = arith.addi %scan3A_24, %scan3A_25 : i32
    %scan3A_27 = arith.constant 1 : i32
    scf.for %scan3A_90 = %scan3A_24 to %scan3A_26 step %scan3A_27  : i32 {
      %rem3A = arith.constant 2 : i32
      %rem3A_91 = arith.remsi %scan3A_90, %rem3A : i32
      %run_scoped3A_92 = arith.constant 0 : i32
      "tpu.region"() ({
        %run_scoped3A_107 = tpu.sem_alloc : memref<!tpu.dma_semaphore, #tpu.memory_space<semaphore_mem>>
        %dma_start3A_108 = arith.constant 0 : i32
        %dma_start3A_109 = arith.constant 0 : i32
        %dma_start3A_110 = tpu.memref_slice %arg8[%rem3A_91, %dma_start3A_108, %dma_start3A_109] : memref<2x125x128xf32, #tpu.memory_space<vmem>> -> memref<1x125x128xf32, #tpu.memory_space<vmem>>
        %dma_start3A_111 = tpu.memref_squeeze %dma_start3A_110 : memref<1x125x128xf32, #tpu.memory_space<vmem>> -> memref<125x128xf32, #tpu.memory_space<vmem>>
        %dma_start3A_112 = arith.constant 0 : i32
        %dma_start3A_113 = tpu.memref_slice %arg6[%scan3A_90, %run_scoped3A_92, %dma_start3A_112] : memref<20x1x125xi32, #tpu.memory_space<vmem>> -> memref<1x1x125xi32, #tpu.memory_space<vmem>>
        %dma_start3A_114 = tpu.memref_squeeze %dma_start3A_113 : memref<1x1x125xi32, #tpu.memory_space<vmem>> -> memref<125xi32, #tpu.memory_space<vmem>>
        %dma_start3A_115 = arith.constant 0 : i32
        %dma_start3A_116 = arith.constant 0 : i32
        %dma_start3A_117 = tpu.memref_slice %arg2[%dma_start3A_115, %dma_start3A_116] : memref<10000x128xf32, #tpu.memory_space<hbm>> -> memref<10000x128xf32, #tpu.memory_space<hbm>>
        tpu.enqueue_indirect_dma source(%dma_start3A_117 : memref<10000x128xf32, #tpu.memory_space<hbm>>) target(%dma_start3A_111 : memref<125x128xf32, #tpu.memory_space<vmem>>) offsets(%dma_start3A_114 : memref<125xi32, #tpu.memory_space<vmem>>) semaphore(%run_scoped3A_107 : memref<!tpu.dma_semaphore, #tpu.memory_space<semaphore_mem>>)
        %dma_wait3A_118 = arith.constant 0 : i32
        %dma_wait3A_119 = arith.constant 0 : i32
        %dma_wait3A_120 = tpu.memref_slice %arg8[%rem3A_91, %dma_wait3A_118, %dma_wait3A_119] : memref<2x125x128xf32, #tpu.memory_space<vmem>> -> memref<1x125x128xf32, #tpu.memory_space<vmem>>
        %dma_wait3A_121 = tpu.memref_squeeze %dma_wait3A_120 : memref<1x125x128xf32, #tpu.memory_space<vmem>> -> memref<125x128xf32, #tpu.memory_space<vmem>>
        %dma_wait3A_122 = arith.constant 0 : i32
        %dma_wait3A_123 = tpu.memref_slice %arg6[%scan3A_90, %run_scoped3A_92, %dma_wait3A_122] : memref<20x1x125xi32, #tpu.memory_space<vmem>> -> memref<1x1x125xi32, #tpu.memory_space<vmem>>
        %dma_wait3A_124 = tpu.memref_squeeze %dma_wait3A_123 : memref<1x1x125xi32, #tpu.memory_space<vmem>> -> memref<125xi32, #tpu.memory_space<vmem>>
        %dma_wait3A_125 = arith.constant 0 : i32
        %dma_wait3A_126 = arith.constant 0 : i32
        %dma_wait3A_127 = tpu.memref_slice %arg2[%dma_wait3A_125, %dma_wait3A_126] : memref<10000x128xf32, #tpu.memory_space<hbm>> -> memref<10000x128xf32, #tpu.memory_space<hbm>>
        tpu.wait_indirect_dma semaphore(%run_scoped3A_107 : memref<!tpu.dma_semaphore, #tpu.memory_space<semaphore_mem>>) src(%dma_wait3A_127 : memref<10000x128xf32, #tpu.memory_space<hbm>>) dst(%dma_wait3A_121 : memref<125x128xf32, #tpu.memory_space<vmem>>)
        tpu.yield
      }) : () -> ()
      %gt3A = arith.constant 0 : i32
      %gt3A_93 = arith.cmpi sgt, %scan3A_90, %gt3A : i32
      %convert_element_type3A_94 = arith.extui %gt3A_93 : i1 to i32
      %cond3A_95 = arith.constant 0 : i32
      %cond3A_96 = arith.cmpi ne, %convert_element_type3A_94, %cond3A_95 : i32
      scf.if %cond3A_96 {
        %sub3A = arith.constant 1 : i32
        %sub3A_107 = arith.subi %sub3A, %rem3A_91 : i32
        %sub3A_108 = arith.constant 1 : i32
        %sub3A_109 = arith.subi %scan3A_90, %sub3A_108 : i32
        %dma_wait3A_110 = arith.constant 0 : i32
        %dma_wait3A_111 = arith.constant 0 : i32
        %dma_wait3A_112 = arith.constant 0 : i32
        %dma_wait3A_113 = tpu.memref_slice %arg8[%sub3A_107, %dma_wait3A_111, %dma_wait3A_112] : memref<2x125x128xf32, #tpu.memory_space<vmem>> -> memref<1x125x128xf32, #tpu.memory_space<vmem>>
        %dma_wait3A_114 = tpu.memref_squeeze %dma_wait3A_113 : memref<1x125x128xf32, #tpu.memory_space<vmem>> -> memref<125x128xf32, #tpu.memory_space<vmem>>
        %dma_wait3A_115 = arith.constant 0 : i32
        %dma_wait3A_116 = tpu.memref_slice %arg7[%sub3A_109, %dma_wait3A_110, %dma_wait3A_115] : memref<20x1x125xi32, #tpu.memory_space<vmem>> -> memref<1x1x125xi32, #tpu.memory_space<vmem>>
        %dma_wait3A_117 = tpu.memref_squeeze %dma_wait3A_116 : memref<1x1x125xi32, #tpu.memory_space<vmem>> -> memref<125xi32, #tpu.memory_space<vmem>>
        %dma_wait3A_118 = arith.constant 0 : i32
        %dma_wait3A_119 = arith.constant 0 : i32
        %dma_wait3A_120 = tpu.memref_slice %arg9[%dma_wait3A_118, %dma_wait3A_119] : memref<10000x128xf32, #tpu.memory_space<vmem_shared>> -> memref<10000x128xf32, #tpu.memory_space<vmem_shared>>
        tpu.wait_indirect_dma semaphore(%arg10 : memref<!tpu.dma_semaphore, #tpu.memory_space<semaphore_mem>>) src(%dma_wait3A_114 : memref<125x128xf32, #tpu.memory_space<vmem>>) dst(%dma_wait3A_120 : memref<10000x128xf32, #tpu.memory_space<vmem_shared>>)
      } else {
      }
      %dma_start3A = arith.constant 0 : i32
      %dma_start3A_97 = arith.constant 0 : i32
      %dma_start3A_98 = arith.constant 0 : i32
      %dma_start3A_99 = tpu.memref_slice %arg8[%rem3A_91, %dma_start3A_97, %dma_start3A_98] : memref<2x125x128xf32, #tpu.memory_space<vmem>> -> memref<1x125x128xf32, #tpu.memory_space<vmem>>
      %dma_start3A_100 = tpu.memref_squeeze %dma_start3A_99 : memref<1x125x128xf32, #tpu.memory_space<vmem>> -> memref<125x128xf32, #tpu.memory_space<vmem>>
      %dma_start3A_101 = arith.constant 0 : i32
      %dma_start3A_102 = tpu.memref_slice %arg7[%scan3A_90, %dma_start3A, %dma_start3A_101] : memref<20x1x125xi32, #tpu.memory_space<vmem>> -> memref<1x1x125xi32, #tpu.memory_space<vmem>>
      %dma_start3A_103 = tpu.memref_squeeze %dma_start3A_102 : memref<1x1x125xi32, #tpu.memory_space<vmem>> -> memref<125xi32, #tpu.memory_space<vmem>>
      %dma_start3A_104 = arith.constant 0 : i32
      %dma_start3A_105 = arith.constant 0 : i32
      %dma_start3A_106 = tpu.memref_slice %arg9[%dma_start3A_104, %dma_start3A_105] : memref<10000x128xf32, #tpu.memory_space<vmem_shared>> -> memref<10000x128xf32, #tpu.memory_space<vmem_shared>>
      tpu.enqueue_indirect_dma source(%dma_start3A_100 : memref<125x128xf32, #tpu.memory_space<vmem>>) target(%dma_start3A_106 : memref<10000x128xf32, #tpu.memory_space<vmem_shared>>) offsets(%dma_start3A_103 : memref<125xi32, #tpu.memory_space<vmem>>) semaphore(%arg10 : memref<!tpu.dma_semaphore, #tpu.memory_space<semaphore_mem>>) {add = true}
    }
    %scan3A_28 = arith.constant 20 : i32
    %dma_wait3A_29 = arith.constant 1 : i32
    %dma_wait3A_30 = arith.constant 19 : i32
    %dma_wait3A_31 = arith.constant 0 : i32
    %dma_wait3A_32 = arith.constant 0 : i32
    %dma_wait3A_33 = arith.constant 0 : i32
    %dma_wait3A_34 = tpu.memref_slice %arg8[%dma_wait3A_29, %dma_wait3A_32, %dma_wait3A_33] : memref<2x125x128xf32, #tpu.memory_space<vmem>> -> memref<1x125x128xf32, #tpu.memory_space<vmem>>
    %dma_wait3A_35 = tpu.memref_squeeze %dma_wait3A_34 : memref<1x125x128xf32, #tpu.memory_space<vmem>> -> memref<125x128xf32, #tpu.memory_space<vmem>>
    %dma_wait3A_36 = arith.constant 0 : i32
    %dma_wait3A_37 = tpu.memref_slice %arg7[%dma_wait3A_30, %dma_wait3A_31, %dma_wait3A_36] : memref<20x1x125xi32, #tpu.memory_space<vmem>> -> memref<1x1x125xi32, #tpu.memory_space<vmem>>
    %dma_wait3A_38 = tpu.memref_squeeze %dma_wait3A_37 : memref<1x1x125xi32, #tpu.memory_space<vmem>> -> memref<125xi32, #tpu.memory_space<vmem>>
    %dma_wait3A_39 = arith.constant 0 : i32
    %dma_wait3A_40 = arith.constant 0 : i32
    %dma_wait3A_41 = tpu.memref_slice %arg9[%dma_wait3A_39, %dma_wait3A_40] : memref<10000x128xf32, #tpu.memory_space<vmem_shared>> -> memref<10000x128xf32, #tpu.memory_space<vmem_shared>>
    tpu.wait_indirect_dma semaphore(%arg10 : memref<!tpu.dma_semaphore, #tpu.memory_space<semaphore_mem>>) src(%dma_wait3A_35 : memref<125x128xf32, #tpu.memory_space<vmem>>) dst(%dma_wait3A_41 : memref<10000x128xf32, #tpu.memory_space<vmem_shared>>)
    %run_scoped3A_42 = arith.constant 0 : i32
    "tpu.region"() ({
      %run_scoped3A_90 = tpu.sem_alloc : memref<!tpu.dma_semaphore, #tpu.memory_space<semaphore_mem>>
      %dma_start3A = arith.constant 40 : i32
      %dma_start3A_91 = arith.constant 0 : i32
      %dma_start3A_92 = arith.constant 0 : i32
      %dma_start3A_93 = tpu.memref_slice %arg3[%run_scoped3A_42, %add3A, %dma_start3A, %dma_start3A_91, %dma_start3A_92] : memref<2x32x80x1x125xi32, #tpu.memory_space<hbm>> -> memref<1x1x20x1x125xi32, #tpu.memory_space<hbm>>
      %dma_start3A_94 = tpu.memref_squeeze %dma_start3A_93 : memref<1x1x20x1x125xi32, #tpu.memory_space<hbm>> -> memref<20x1x125xi32, #tpu.memory_space<hbm>>
      %dma_start3A_95 = arith.constant 40 : i32
      %dma_start3A_96 = arith.constant 0 : i32
      %dma_start3A_97 = arith.constant 0 : i32
      %dma_start3A_98 = tpu.memref_slice %arg3[%run_scoped3A_42, %add3A, %dma_start3A_95, %dma_start3A_96, %dma_start3A_97] : memref<2x32x80x1x125xi32, #tpu.memory_space<hbm>> -> memref<1x1x20x1x125xi32, #tpu.memory_space<hbm>>
      %dma_start3A_99 = tpu.memref_squeeze %dma_start3A_98 : memref<1x1x20x1x125xi32, #tpu.memory_space<hbm>> -> memref<20x1x125xi32, #tpu.memory_space<hbm>>
      tpu.enqueue_dma source(%dma_start3A_99 : memref<20x1x125xi32, #tpu.memory_space<hbm>>) target(%arg6 : memref<20x1x125xi32, #tpu.memory_space<vmem>>) target_semaphore(%run_scoped3A_90 : memref<!tpu.dma_semaphore, #tpu.memory_space<semaphore_mem>>)
      %dma_wait3A_100 = arith.constant 40 : i32
      %dma_wait3A_101 = arith.constant 0 : i32
      %dma_wait3A_102 = arith.constant 0 : i32
      %dma_wait3A_103 = tpu.memref_slice %arg3[%run_scoped3A_42, %add3A, %dma_wait3A_100, %dma_wait3A_101, %dma_wait3A_102] : memref<2x32x80x1x125xi32, #tpu.memory_space<hbm>> -> memref<1x1x20x1x125xi32, #tpu.memory_space<hbm>>
      %dma_wait3A_104 = tpu.memref_squeeze %dma_wait3A_103 : memref<1x1x20x1x125xi32, #tpu.memory_space<hbm>> -> memref<20x1x125xi32, #tpu.memory_space<hbm>>
      %dma_wait3A_105 = arith.constant 40 : i32
      %dma_wait3A_106 = arith.constant 0 : i32
      %dma_wait3A_107 = arith.constant 0 : i32
      %dma_wait3A_108 = tpu.memref_slice %arg3[%run_scoped3A_42, %add3A, %dma_wait3A_105, %dma_wait3A_106, %dma_wait3A_107] : memref<2x32x80x1x125xi32, #tpu.memory_space<hbm>> -> memref<1x1x20x1x125xi32, #tpu.memory_space<hbm>>
      %dma_wait3A_109 = tpu.memref_squeeze %dma_wait3A_108 : memref<1x1x20x1x125xi32, #tpu.memory_space<hbm>> -> memref<20x1x125xi32, #tpu.memory_space<hbm>>
      tpu.wait_dma2 semaphore(%run_scoped3A_90 : memref<!tpu.dma_semaphore, #tpu.memory_space<semaphore_mem>>) src(%dma_wait3A_109 : memref<20x1x125xi32, #tpu.memory_space<hbm>>) dst(%arg6 : memref<20x1x125xi32, #tpu.memory_space<vmem>>)
      tpu.yield
    }) : () -> ()
    %run_scoped3A_43 = arith.constant 1 : i32
    "tpu.region"() ({
      %run_scoped3A_90 = tpu.sem_alloc : memref<!tpu.dma_semaphore, #tpu.memory_space<semaphore_mem>>
      %dma_start3A = arith.constant 40 : i32
      %dma_start3A_91 = arith.constant 0 : i32
      %dma_start3A_92 = arith.constant 0 : i32
      %dma_start3A_93 = tpu.memref_slice %arg3[%run_scoped3A_43, %add3A, %dma_start3A, %dma_start3A_91, %dma_start3A_92] : memref<2x32x80x1x125xi32, #tpu.memory_space<hbm>> -> memref<1x1x20x1x125xi32, #tpu.memory_space<hbm>>
      %dma_start3A_94 = tpu.memref_squeeze %dma_start3A_93 : memref<1x1x20x1x125xi32, #tpu.memory_space<hbm>> -> memref<20x1x125xi32, #tpu.memory_space<hbm>>
      %dma_start3A_95 = arith.constant 40 : i32
      %dma_start3A_96 = arith.constant 0 : i32
      %dma_start3A_97 = arith.constant 0 : i32
      %dma_start3A_98 = tpu.memref_slice %arg3[%run_scoped3A_43, %add3A, %dma_start3A_95, %dma_start3A_96, %dma_start3A_97] : memref<2x32x80x1x125xi32, #tpu.memory_space<hbm>> -> memref<1x1x20x1x125xi32, #tpu.memory_space<hbm>>
      %dma_start3A_99 = tpu.memref_squeeze %dma_start3A_98 : memref<1x1x20x1x125xi32, #tpu.memory_space<hbm>> -> memref<20x1x125xi32, #tpu.memory_space<hbm>>
      tpu.enqueue_dma source(%dma_start3A_99 : memref<20x1x125xi32, #tpu.memory_space<hbm>>) target(%arg7 : memref<20x1x125xi32, #tpu.memory_space<vmem>>) target_semaphore(%run_scoped3A_90 : memref<!tpu.dma_semaphore, #tpu.memory_space<semaphore_mem>>)
      %dma_wait3A_100 = arith.constant 40 : i32
      %dma_wait3A_101 = arith.constant 0 : i32
      %dma_wait3A_102 = arith.constant 0 : i32
      %dma_wait3A_103 = tpu.memref_slice %arg3[%run_scoped3A_43, %add3A, %dma_wait3A_100, %dma_wait3A_101, %dma_wait3A_102] : memref<2x32x80x1x125xi32, #tpu.memory_space<hbm>> -> memref<1x1x20x1x125xi32, #tpu.memory_space<hbm>>
      %dma_wait3A_104 = tpu.memref_squeeze %dma_wait3A_103 : memref<1x1x20x1x125xi32, #tpu.memory_space<hbm>> -> memref<20x1x125xi32, #tpu.memory_space<hbm>>
      %dma_wait3A_105 = arith.constant 40 : i32
      %dma_wait3A_106 = arith.constant 0 : i32
      %dma_wait3A_107 = arith.constant 0 : i32
      %dma_wait3A_108 = tpu.memref_slice %arg3[%run_scoped3A_43, %add3A, %dma_wait3A_105, %dma_wait3A_106, %dma_wait3A_107] : memref<2x32x80x1x125xi32, #tpu.memory_space<hbm>> -> memref<1x1x20x1x125xi32, #tpu.memory_space<hbm>>
      %dma_wait3A_109 = tpu.memref_squeeze %dma_wait3A_108 : memref<1x1x20x1x125xi32, #tpu.memory_space<hbm>> -> memref<20x1x125xi32, #tpu.memory_space<hbm>>
      tpu.wait_dma2 semaphore(%run_scoped3A_90 : memref<!tpu.dma_semaphore, #tpu.memory_space<semaphore_mem>>) src(%dma_wait3A_109 : memref<20x1x125xi32, #tpu.memory_space<hbm>>) dst(%arg7 : memref<20x1x125xi32, #tpu.memory_space<vmem>>)
      tpu.yield
    }) : () -> ()
    %scan3A_44 = arith.constant 0 : i32
    %scan3A_45 = arith.constant 0 : i32
    %scan3A_46 = arith.constant 20 : i32
    %scan3A_47 = arith.addi %scan3A_45, %scan3A_46 : i32
    %scan3A_48 = arith.constant 1 : i32
    scf.for %scan3A_90 = %scan3A_45 to %scan3A_47 step %scan3A_48  : i32 {
      %rem3A = arith.constant 2 : i32
      %rem3A_91 = arith.remsi %scan3A_90, %rem3A : i32
      %run_scoped3A_92 = arith.constant 0 : i32
      "tpu.region"() ({
        %run_scoped3A_107 = tpu.sem_alloc : memref<!tpu.dma_semaphore, #tpu.memory_space<semaphore_mem>>
        %dma_start3A_108 = arith.constant 0 : i32
        %dma_start3A_109 = arith.constant 0 : i32
        %dma_start3A_110 = tpu.memref_slice %arg8[%rem3A_91, %dma_start3A_108, %dma_start3A_109] : memref<2x125x128xf32, #tpu.memory_space<vmem>> -> memref<1x125x128xf32, #tpu.memory_space<vmem>>
        %dma_start3A_111 = tpu.memref_squeeze %dma_start3A_110 : memref<1x125x128xf32, #tpu.memory_space<vmem>> -> memref<125x128xf32, #tpu.memory_space<vmem>>
        %dma_start3A_112 = arith.constant 0 : i32
        %dma_start3A_113 = tpu.memref_slice %arg6[%scan3A_90, %run_scoped3A_92, %dma_start3A_112] : memref<20x1x125xi32, #tpu.memory_space<vmem>> -> memref<1x1x125xi32, #tpu.memory_space<vmem>>
        %dma_start3A_114 = tpu.memref_squeeze %dma_start3A_113 : memref<1x1x125xi32, #tpu.memory_space<vmem>> -> memref<125xi32, #tpu.memory_space<vmem>>
        %dma_start3A_115 = arith.constant 0 : i32
        %dma_start3A_116 = arith.constant 0 : i32
        %dma_start3A_117 = tpu.memref_slice %arg2[%dma_start3A_115, %dma_start3A_116] : memref<10000x128xf32, #tpu.memory_space<hbm>> -> memref<10000x128xf32, #tpu.memory_space<hbm>>
        tpu.enqueue_indirect_dma source(%dma_start3A_117 : memref<10000x128xf32, #tpu.memory_space<hbm>>) target(%dma_start3A_111 : memref<125x128xf32, #tpu.memory_space<vmem>>) offsets(%dma_start3A_114 : memref<125xi32, #tpu.memory_space<vmem>>) semaphore(%run_scoped3A_107 : memref<!tpu.dma_semaphore, #tpu.memory_space<semaphore_mem>>)
        %dma_wait3A_118 = arith.constant 0 : i32
        %dma_wait3A_119 = arith.constant 0 : i32
        %dma_wait3A_120 = tpu.memref_slice %arg8[%rem3A_91, %dma_wait3A_118, %dma_wait3A_119] : memref<2x125x128xf32, #tpu.memory_space<vmem>> -> memref<1x125x128xf32, #tpu.memory_space<vmem>>
        %dma_wait3A_121 = tpu.memref_squeeze %dma_wait3A_120 : memref<1x125x128xf32, #tpu.memory_space<vmem>> -> memref<125x128xf32, #tpu.memory_space<vmem>>
        %dma_wait3A_122 = arith.constant 0 : i32
        %dma_wait3A_123 = tpu.memref_slice %arg6[%scan3A_90, %run_scoped3A_92, %dma_wait3A_122] : memref<20x1x125xi32, #tpu.memory_space<vmem>> -> memref<1x1x125xi32, #tpu.memory_space<vmem>>
        %dma_wait3A_124 = tpu.memref_squeeze %dma_wait3A_123 : memref<1x1x125xi32, #tpu.memory_space<vmem>> -> memref<125xi32, #tpu.memory_space<vmem>>
        %dma_wait3A_125 = arith.constant 0 : i32
        %dma_wait3A_126 = arith.constant 0 : i32
        %dma_wait3A_127 = tpu.memref_slice %arg2[%dma_wait3A_125, %dma_wait3A_126] : memref<10000x128xf32, #tpu.memory_space<hbm>> -> memref<10000x128xf32, #tpu.memory_space<hbm>>
        tpu.wait_indirect_dma semaphore(%run_scoped3A_107 : memref<!tpu.dma_semaphore, #tpu.memory_space<semaphore_mem>>) src(%dma_wait3A_127 : memref<10000x128xf32, #tpu.memory_space<hbm>>) dst(%dma_wait3A_121 : memref<125x128xf32, #tpu.memory_space<vmem>>)
        tpu.yield
      }) : () -> ()
      %gt3A = arith.constant 0 : i32
      %gt3A_93 = arith.cmpi sgt, %scan3A_90, %gt3A : i32
      %convert_element_type3A_94 = arith.extui %gt3A_93 : i1 to i32
      %cond3A_95 = arith.constant 0 : i32
      %cond3A_96 = arith.cmpi ne, %convert_element_type3A_94, %cond3A_95 : i32
      scf.if %cond3A_96 {
        %sub3A = arith.constant 1 : i32
        %sub3A_107 = arith.subi %sub3A, %rem3A_91 : i32
        %sub3A_108 = arith.constant 1 : i32
        %sub3A_109 = arith.subi %scan3A_90, %sub3A_108 : i32
        %dma_wait3A_110 = arith.constant 0 : i32
        %dma_wait3A_111 = arith.constant 0 : i32
        %dma_wait3A_112 = arith.constant 0 : i32
        %dma_wait3A_113 = tpu.memref_slice %arg8[%sub3A_107, %dma_wait3A_111, %dma_wait3A_112] : memref<2x125x128xf32, #tpu.memory_space<vmem>> -> memref<1x125x128xf32, #tpu.memory_space<vmem>>
        %dma_wait3A_114 = tpu.memref_squeeze %dma_wait3A_113 : memref<1x125x128xf32, #tpu.memory_space<vmem>> -> memref<125x128xf32, #tpu.memory_space<vmem>>
        %dma_wait3A_115 = arith.constant 0 : i32
        %dma_wait3A_116 = tpu.memref_slice %arg7[%sub3A_109, %dma_wait3A_110, %dma_wait3A_115] : memref<20x1x125xi32, #tpu.memory_space<vmem>> -> memref<1x1x125xi32, #tpu.memory_space<vmem>>
        %dma_wait3A_117 = tpu.memref_squeeze %dma_wait3A_116 : memref<1x1x125xi32, #tpu.memory_space<vmem>> -> memref<125xi32, #tpu.memory_space<vmem>>
        %dma_wait3A_118 = arith.constant 0 : i32
        %dma_wait3A_119 = arith.constant 0 : i32
        %dma_wait3A_120 = tpu.memref_slice %arg9[%dma_wait3A_118, %dma_wait3A_119] : memref<10000x128xf32, #tpu.memory_space<vmem_shared>> -> memref<10000x128xf32, #tpu.memory_space<vmem_shared>>
        tpu.wait_indirect_dma semaphore(%arg10 : memref<!tpu.dma_semaphore, #tpu.memory_space<semaphore_mem>>) src(%dma_wait3A_114 : memref<125x128xf32, #tpu.memory_space<vmem>>) dst(%dma_wait3A_120 : memref<10000x128xf32, #tpu.memory_space<vmem_shared>>)
      } else {
      }
      %dma_start3A = arith.constant 0 : i32
      %dma_start3A_97 = arith.constant 0 : i32
      %dma_start3A_98 = arith.constant 0 : i32
      %dma_start3A_99 = tpu.memref_slice %arg8[%rem3A_91, %dma_start3A_97, %dma_start3A_98] : memref<2x125x128xf32, #tpu.memory_space<vmem>> -> memref<1x125x128xf32, #tpu.memory_space<vmem>>
      %dma_start3A_100 = tpu.memref_squeeze %dma_start3A_99 : memref<1x125x128xf32, #tpu.memory_space<vmem>> -> memref<125x128xf32, #tpu.memory_space<vmem>>
      %dma_start3A_101 = arith.constant 0 : i32
      %dma_start3A_102 = tpu.memref_slice %arg7[%scan3A_90, %dma_start3A, %dma_start3A_101] : memref<20x1x125xi32, #tpu.memory_space<vmem>> -> memref<1x1x125xi32, #tpu.memory_space<vmem>>
      %dma_start3A_103 = tpu.memref_squeeze %dma_start3A_102 : memref<1x1x125xi32, #tpu.memory_space<vmem>> -> memref<125xi32, #tpu.memory_space<vmem>>
      %dma_start3A_104 = arith.constant 0 : i32
      %dma_start3A_105 = arith.constant 0 : i32
      %dma_start3A_106 = tpu.memref_slice %arg9[%dma_start3A_104, %dma_start3A_105] : memref<10000x128xf32, #tpu.memory_space<vmem_shared>> -> memref<10000x128xf32, #tpu.memory_space<vmem_shared>>
      tpu.enqueue_indirect_dma source(%dma_start3A_100 : memref<125x128xf32, #tpu.memory_space<vmem>>) target(%dma_start3A_106 : memref<10000x128xf32, #tpu.memory_space<vmem_shared>>) offsets(%dma_start3A_103 : memref<125xi32, #tpu.memory_space<vmem>>) semaphore(%arg10 : memref<!tpu.dma_semaphore, #tpu.memory_space<semaphore_mem>>) {add = true}
    }
    %scan3A_49 = arith.constant 20 : i32
    %dma_wait3A_50 = arith.constant 1 : i32
    %dma_wait3A_51 = arith.constant 19 : i32
    %dma_wait3A_52 = arith.constant 0 : i32
    %dma_wait3A_53 = arith.constant 0 : i32
    %dma_wait3A_54 = arith.constant 0 : i32
    %dma_wait3A_55 = tpu.memref_slice %arg8[%dma_wait3A_50, %dma_wait3A_53, %dma_wait3A_54] : memref<2x125x128xf32, #tpu.memory_space<vmem>> -> memref<1x125x128xf32, #tpu.memory_space<vmem>>
    %dma_wait3A_56 = tpu.memref_squeeze %dma_wait3A_55 : memref<1x125x128xf32, #tpu.memory_space<vmem>> -> memref<125x128xf32, #tpu.memory_space<vmem>>
    %dma_wait3A_57 = arith.constant 0 : i32
    %dma_wait3A_58 = tpu.memref_slice %arg7[%dma_wait3A_51, %dma_wait3A_52, %dma_wait3A_57] : memref<20x1x125xi32, #tpu.memory_space<vmem>> -> memref<1x1x125xi32, #tpu.memory_space<vmem>>
    %dma_wait3A_59 = tpu.memref_squeeze %dma_wait3A_58 : memref<1x1x125xi32, #tpu.memory_space<vmem>> -> memref<125xi32, #tpu.memory_space<vmem>>
    %dma_wait3A_60 = arith.constant 0 : i32
    %dma_wait3A_61 = arith.constant 0 : i32
    %dma_wait3A_62 = tpu.memref_slice %arg9[%dma_wait3A_60, %dma_wait3A_61] : memref<10000x128xf32, #tpu.memory_space<vmem_shared>> -> memref<10000x128xf32, #tpu.memory_space<vmem_shared>>
    tpu.wait_indirect_dma semaphore(%arg10 : memref<!tpu.dma_semaphore, #tpu.memory_space<semaphore_mem>>) src(%dma_wait3A_56 : memref<125x128xf32, #tpu.memory_space<vmem>>) dst(%dma_wait3A_62 : memref<10000x128xf32, #tpu.memory_space<vmem_shared>>)
    %run_scoped3A_63 = arith.constant 0 : i32
    "tpu.region"() ({
      %run_scoped3A_90 = tpu.sem_alloc : memref<!tpu.dma_semaphore, #tpu.memory_space<semaphore_mem>>
      %dma_start3A = arith.constant 60 : i32
      %dma_start3A_91 = arith.constant 0 : i32
      %dma_start3A_92 = arith.constant 0 : i32
      %dma_start3A_93 = tpu.memref_slice %arg3[%run_scoped3A_63, %add3A, %dma_start3A, %dma_start3A_91, %dma_start3A_92] : memref<2x32x80x1x125xi32, #tpu.memory_space<hbm>> -> memref<1x1x20x1x125xi32, #tpu.memory_space<hbm>>
      %dma_start3A_94 = tpu.memref_squeeze %dma_start3A_93 : memref<1x1x20x1x125xi32, #tpu.memory_space<hbm>> -> memref<20x1x125xi32, #tpu.memory_space<hbm>>
      %dma_start3A_95 = arith.constant 60 : i32
      %dma_start3A_96 = arith.constant 0 : i32
      %dma_start3A_97 = arith.constant 0 : i32
      %dma_start3A_98 = tpu.memref_slice %arg3[%run_scoped3A_63, %add3A, %dma_start3A_95, %dma_start3A_96, %dma_start3A_97] : memref<2x32x80x1x125xi32, #tpu.memory_space<hbm>> -> memref<1x1x20x1x125xi32, #tpu.memory_space<hbm>>
      %dma_start3A_99 = tpu.memref_squeeze %dma_start3A_98 : memref<1x1x20x1x125xi32, #tpu.memory_space<hbm>> -> memref<20x1x125xi32, #tpu.memory_space<hbm>>
      tpu.enqueue_dma source(%dma_start3A_99 : memref<20x1x125xi32, #tpu.memory_space<hbm>>) target(%arg6 : memref<20x1x125xi32, #tpu.memory_space<vmem>>) target_semaphore(%run_scoped3A_90 : memref<!tpu.dma_semaphore, #tpu.memory_space<semaphore_mem>>)
      %dma_wait3A_100 = arith.constant 60 : i32
      %dma_wait3A_101 = arith.constant 0 : i32
      %dma_wait3A_102 = arith.constant 0 : i32
      %dma_wait3A_103 = tpu.memref_slice %arg3[%run_scoped3A_63, %add3A, %dma_wait3A_100, %dma_wait3A_101, %dma_wait3A_102] : memref<2x32x80x1x125xi32, #tpu.memory_space<hbm>> -> memref<1x1x20x1x125xi32, #tpu.memory_space<hbm>>
      %dma_wait3A_104 = tpu.memref_squeeze %dma_wait3A_103 : memref<1x1x20x1x125xi32, #tpu.memory_space<hbm>> -> memref<20x1x125xi32, #tpu.memory_space<hbm>>
      %dma_wait3A_105 = arith.constant 60 : i32
      %dma_wait3A_106 = arith.constant 0 : i32
      %dma_wait3A_107 = arith.constant 0 : i32
      %dma_wait3A_108 = tpu.memref_slice %arg3[%run_scoped3A_63, %add3A, %dma_wait3A_105, %dma_wait3A_106, %dma_wait3A_107] : memref<2x32x80x1x125xi32, #tpu.memory_space<hbm>> -> memref<1x1x20x1x125xi32, #tpu.memory_space<hbm>>
      %dma_wait3A_109 = tpu.memref_squeeze %dma_wait3A_108 : memref<1x1x20x1x125xi32, #tpu.memory_space<hbm>> -> memref<20x1x125xi32, #tpu.memory_space<hbm>>
      tpu.wait_dma2 semaphore(%run_scoped3A_90 : memref<!tpu.dma_semaphore, #tpu.memory_space<semaphore_mem>>) src(%dma_wait3A_109 : memref<20x1x125xi32, #tpu.memory_space<hbm>>) dst(%arg6 : memref<20x1x125xi32, #tpu.memory_space<vmem>>)
      tpu.yield
    }) : () -> ()
    %run_scoped3A_64 = arith.constant 1 : i32
    "tpu.region"() ({
      %run_scoped3A_90 = tpu.sem_alloc : memref<!tpu.dma_semaphore, #tpu.memory_space<semaphore_mem>>
      %dma_start3A = arith.constant 60 : i32
      %dma_start3A_91 = arith.constant 0 : i32
      %dma_start3A_92 = arith.constant 0 : i32
      %dma_start3A_93 = tpu.memref_slice %arg3[%run_scoped3A_64, %add3A, %dma_start3A, %dma_start3A_91, %dma_start3A_92] : memref<2x32x80x1x125xi32, #tpu.memory_space<hbm>> -> memref<1x1x20x1x125xi32, #tpu.memory_space<hbm>>
      %dma_start3A_94 = tpu.memref_squeeze %dma_start3A_93 : memref<1x1x20x1x125xi32, #tpu.memory_space<hbm>> -> memref<20x1x125xi32, #tpu.memory_space<hbm>>
      %dma_start3A_95 = arith.constant 60 : i32
      %dma_start3A_96 = arith.constant 0 : i32
      %dma_start3A_97 = arith.constant 0 : i32
      %dma_start3A_98 = tpu.memref_slice %arg3[%run_scoped3A_64, %add3A, %dma_start3A_95, %dma_start3A_96, %dma_start3A_97] : memref<2x32x80x1x125xi32, #tpu.memory_space<hbm>> -> memref<1x1x20x1x125xi32, #tpu.memory_space<hbm>>
      %dma_start3A_99 = tpu.memref_squeeze %dma_start3A_98 : memref<1x1x20x1x125xi32, #tpu.memory_space<hbm>> -> memref<20x1x125xi32, #tpu.memory_space<hbm>>
      tpu.enqueue_dma source(%dma_start3A_99 : memref<20x1x125xi32, #tpu.memory_space<hbm>>) target(%arg7 : memref<20x1x125xi32, #tpu.memory_space<vmem>>) target_semaphore(%run_scoped3A_90 : memref<!tpu.dma_semaphore, #tpu.memory_space<semaphore_mem>>)
      %dma_wait3A_100 = arith.constant 60 : i32
      %dma_wait3A_101 = arith.constant 0 : i32
      %dma_wait3A_102 = arith.constant 0 : i32
      %dma_wait3A_103 = tpu.memref_slice %arg3[%run_scoped3A_64, %add3A, %dma_wait3A_100, %dma_wait3A_101, %dma_wait3A_102] : memref<2x32x80x1x125xi32, #tpu.memory_space<hbm>> -> memref<1x1x20x1x125xi32, #tpu.memory_space<hbm>>
      %dma_wait3A_104 = tpu.memref_squeeze %dma_wait3A_103 : memref<1x1x20x1x125xi32, #tpu.memory_space<hbm>> -> memref<20x1x125xi32, #tpu.memory_space<hbm>>
      %dma_wait3A_105 = arith.constant 60 : i32
      %dma_wait3A_106 = arith.constant 0 : i32
      %dma_wait3A_107 = arith.constant 0 : i32
      %dma_wait3A_108 = tpu.memref_slice %arg3[%run_scoped3A_64, %add3A, %dma_wait3A_105, %dma_wait3A_106, %dma_wait3A_107] : memref<2x32x80x1x125xi32, #tpu.memory_space<hbm>> -> memref<1x1x20x1x125xi32, #tpu.memory_space<hbm>>
      %dma_wait3A_109 = tpu.memref_squeeze %dma_wait3A_108 : memref<1x1x20x1x125xi32, #tpu.memory_space<hbm>> -> memref<20x1x125xi32, #tpu.memory_space<hbm>>
      tpu.wait_dma2 semaphore(%run_scoped3A_90 : memref<!tpu.dma_semaphore, #tpu.memory_space<semaphore_mem>>) src(%dma_wait3A_109 : memref<20x1x125xi32, #tpu.memory_space<hbm>>) dst(%arg7 : memref<20x1x125xi32, #tpu.memory_space<vmem>>)
      tpu.yield
    }) : () -> ()
    %scan3A_65 = arith.constant 0 : i32
    %scan3A_66 = arith.constant 0 : i32
    %scan3A_67 = arith.constant 20 : i32
    %scan3A_68 = arith.addi %scan3A_66, %scan3A_67 : i32
    %scan3A_69 = arith.constant 1 : i32
    scf.for %scan3A_90 = %scan3A_66 to %scan3A_68 step %scan3A_69  : i32 {
      %rem3A = arith.constant 2 : i32
      %rem3A_91 = arith.remsi %scan3A_90, %rem3A : i32
      %run_scoped3A_92 = arith.constant 0 : i32
      "tpu.region"() ({
        %run_scoped3A_107 = tpu.sem_alloc : memref<!tpu.dma_semaphore, #tpu.memory_space<semaphore_mem>>
        %dma_start3A_108 = arith.constant 0 : i32
        %dma_start3A_109 = arith.constant 0 : i32
        %dma_start3A_110 = tpu.memref_slice %arg8[%rem3A_91, %dma_start3A_108, %dma_start3A_109] : memref<2x125x128xf32, #tpu.memory_space<vmem>> -> memref<1x125x128xf32, #tpu.memory_space<vmem>>
        %dma_start3A_111 = tpu.memref_squeeze %dma_start3A_110 : memref<1x125x128xf32, #tpu.memory_space<vmem>> -> memref<125x128xf32, #tpu.memory_space<vmem>>
        %dma_start3A_112 = arith.constant 0 : i32
        %dma_start3A_113 = tpu.memref_slice %arg6[%scan3A_90, %run_scoped3A_92, %dma_start3A_112] : memref<20x1x125xi32, #tpu.memory_space<vmem>> -> memref<1x1x125xi32, #tpu.memory_space<vmem>>
        %dma_start3A_114 = tpu.memref_squeeze %dma_start3A_113 : memref<1x1x125xi32, #tpu.memory_space<vmem>> -> memref<125xi32, #tpu.memory_space<vmem>>
        %dma_start3A_115 = arith.constant 0 : i32
        %dma_start3A_116 = arith.constant 0 : i32
        %dma_start3A_117 = tpu.memref_slice %arg2[%dma_start3A_115, %dma_start3A_116] : memref<10000x128xf32, #tpu.memory_space<hbm>> -> memref<10000x128xf32, #tpu.memory_space<hbm>>
        tpu.enqueue_indirect_dma source(%dma_start3A_117 : memref<10000x128xf32, #tpu.memory_space<hbm>>) target(%dma_start3A_111 : memref<125x128xf32, #tpu.memory_space<vmem>>) offsets(%dma_start3A_114 : memref<125xi32, #tpu.memory_space<vmem>>) semaphore(%run_scoped3A_107 : memref<!tpu.dma_semaphore, #tpu.memory_space<semaphore_mem>>)
        %dma_wait3A_118 = arith.constant 0 : i32
        %dma_wait3A_119 = arith.constant 0 : i32
        %dma_wait3A_120 = tpu.memref_slice %arg8[%rem3A_91, %dma_wait3A_118, %dma_wait3A_119] : memref<2x125x128xf32, #tpu.memory_space<vmem>> -> memref<1x125x128xf32, #tpu.memory_space<vmem>>
        %dma_wait3A_121 = tpu.memref_squeeze %dma_wait3A_120 : memref<1x125x128xf32, #tpu.memory_space<vmem>> -> memref<125x128xf32, #tpu.memory_space<vmem>>
        %dma_wait3A_122 = arith.constant 0 : i32
        %dma_wait3A_123 = tpu.memref_slice %arg6[%scan3A_90, %run_scoped3A_92, %dma_wait3A_122] : memref<20x1x125xi32, #tpu.memory_space<vmem>> -> memref<1x1x125xi32, #tpu.memory_space<vmem>>
        %dma_wait3A_124 = tpu.memref_squeeze %dma_wait3A_123 : memref<1x1x125xi32, #tpu.memory_space<vmem>> -> memref<125xi32, #tpu.memory_space<vmem>>
        %dma_wait3A_125 = arith.constant 0 : i32
        %dma_wait3A_126 = arith.constant 0 : i32
        %dma_wait3A_127 = tpu.memref_slice %arg2[%dma_wait3A_125, %dma_wait3A_126] : memref<10000x128xf32, #tpu.memory_space<hbm>> -> memref<10000x128xf32, #tpu.memory_space<hbm>>
        tpu.wait_indirect_dma semaphore(%run_scoped3A_107 : memref<!tpu.dma_semaphore, #tpu.memory_space<semaphore_mem>>) src(%dma_wait3A_127 : memref<10000x128xf32, #tpu.memory_space<hbm>>) dst(%dma_wait3A_121 : memref<125x128xf32, #tpu.memory_space<vmem>>)
        tpu.yield
      }) : () -> ()
      %gt3A = arith.constant 0 : i32
      %gt3A_93 = arith.cmpi sgt, %scan3A_90, %gt3A : i32
      %convert_element_type3A_94 = arith.extui %gt3A_93 : i1 to i32
      %cond3A_95 = arith.constant 0 : i32
      %cond3A_96 = arith.cmpi ne, %convert_element_type3A_94, %cond3A_95 : i32
      scf.if %cond3A_96 {
        %sub3A = arith.constant 1 : i32
        %sub3A_107 = arith.subi %sub3A, %rem3A_91 : i32
        %sub3A_108 = arith.constant 1 : i32
        %sub3A_109 = arith.subi %scan3A_90, %sub3A_108 : i32
        %dma_wait3A_110 = arith.constant 0 : i32
        %dma_wait3A_111 = arith.constant 0 : i32
        %dma_wait3A_112 = arith.constant 0 : i32
        %dma_wait3A_113 = tpu.memref_slice %arg8[%sub3A_107, %dma_wait3A_111, %dma_wait3A_112] : memref<2x125x128xf32, #tpu.memory_space<vmem>> -> memref<1x125x128xf32, #tpu.memory_space<vmem>>
        %dma_wait3A_114 = tpu.memref_squeeze %dma_wait3A_113 : memref<1x125x128xf32, #tpu.memory_space<vmem>> -> memref<125x128xf32, #tpu.memory_space<vmem>>
        %dma_wait3A_115 = arith.constant 0 : i32
        %dma_wait3A_116 = tpu.memref_slice %arg7[%sub3A_109, %dma_wait3A_110, %dma_wait3A_115] : memref<20x1x125xi32, #tpu.memory_space<vmem>> -> memref<1x1x125xi32, #tpu.memory_space<vmem>>
        %dma_wait3A_117 = tpu.memref_squeeze %dma_wait3A_116 : memref<1x1x125xi32, #tpu.memory_space<vmem>> -> memref<125xi32, #tpu.memory_space<vmem>>
        %dma_wait3A_118 = arith.constant 0 : i32
        %dma_wait3A_119 = arith.constant 0 : i32
        %dma_wait3A_120 = tpu.memref_slice %arg9[%dma_wait3A_118, %dma_wait3A_119] : memref<10000x128xf32, #tpu.memory_space<vmem_shared>> -> memref<10000x128xf32, #tpu.memory_space<vmem_shared>>
        tpu.wait_indirect_dma semaphore(%arg10 : memref<!tpu.dma_semaphore, #tpu.memory_space<semaphore_mem>>) src(%dma_wait3A_114 : memref<125x128xf32, #tpu.memory_space<vmem>>) dst(%dma_wait3A_120 : memref<10000x128xf32, #tpu.memory_space<vmem_shared>>)
      } else {
      }
      %dma_start3A = arith.constant 0 : i32
      %dma_start3A_97 = arith.constant 0 : i32
      %dma_start3A_98 = arith.constant 0 : i32
      %dma_start3A_99 = tpu.memref_slice %arg8[%rem3A_91, %dma_start3A_97, %dma_start3A_98] : memref<2x125x128xf32, #tpu.memory_space<vmem>> -> memref<1x125x128xf32, #tpu.memory_space<vmem>>
      %dma_start3A_100 = tpu.memref_squeeze %dma_start3A_99 : memref<1x125x128xf32, #tpu.memory_space<vmem>> -> memref<125x128xf32, #tpu.memory_space<vmem>>
      %dma_start3A_101 = arith.constant 0 : i32
      %dma_start3A_102 = tpu.memref_slice %arg7[%scan3A_90, %dma_start3A, %dma_start3A_101] : memref<20x1x125xi32, #tpu.memory_space<vmem>> -> memref<1x1x125xi32, #tpu.memory_space<vmem>>
      %dma_start3A_103 = tpu.memref_squeeze %dma_start3A_102 : memref<1x1x125xi32, #tpu.memory_space<vmem>> -> memref<125xi32, #tpu.memory_space<vmem>>
      %dma_start3A_104 = arith.constant 0 : i32
      %dma_start3A_105 = arith.constant 0 : i32
      %dma_start3A_106 = tpu.memref_slice %arg9[%dma_start3A_104, %dma_start3A_105] : memref<10000x128xf32, #tpu.memory_space<vmem_shared>> -> memref<10000x128xf32, #tpu.memory_space<vmem_shared>>
      tpu.enqueue_indirect_dma source(%dma_start3A_100 : memref<125x128xf32, #tpu.memory_space<vmem>>) target(%dma_start3A_106 : memref<10000x128xf32, #tpu.memory_space<vmem_shared>>) offsets(%dma_start3A_103 : memref<125xi32, #tpu.memory_space<vmem>>) semaphore(%arg10 : memref<!tpu.dma_semaphore, #tpu.memory_space<semaphore_mem>>) {add = true}
    }
    %scan3A_70 = arith.constant 20 : i32
    %dma_wait3A_71 = arith.constant 1 : i32
    %dma_wait3A_72 = arith.constant 19 : i32
    %dma_wait3A_73 = arith.constant 0 : i32
    %dma_wait3A_74 = arith.constant 0 : i32
    %dma_wait3A_75 = arith.constant 0 : i32
    %dma_wait3A_76 = tpu.memref_slice %arg8[%dma_wait3A_71, %dma_wait3A_74, %dma_wait3A_75] : memref<2x125x128xf32, #tpu.memory_space<vmem>> -> memref<1x125x128xf32, #tpu.memory_space<vmem>>
    %dma_wait3A_77 = tpu.memref_squeeze %dma_wait3A_76 : memref<1x125x128xf32, #tpu.memory_space<vmem>> -> memref<125x128xf32, #tpu.memory_space<vmem>>
    %dma_wait3A_78 = arith.constant 0 : i32
    %dma_wait3A_79 = tpu.memref_slice %arg7[%dma_wait3A_72, %dma_wait3A_73, %dma_wait3A_78] : memref<20x1x125xi32, #tpu.memory_space<vmem>> -> memref<1x1x125xi32, #tpu.memory_space<vmem>>
    %dma_wait3A_80 = tpu.memref_squeeze %dma_wait3A_79 : memref<1x1x125xi32, #tpu.memory_space<vmem>> -> memref<125xi32, #tpu.memory_space<vmem>>
    %dma_wait3A_81 = arith.constant 0 : i32
    %dma_wait3A_82 = arith.constant 0 : i32
    %dma_wait3A_83 = tpu.memref_slice %arg9[%dma_wait3A_81, %dma_wait3A_82] : memref<10000x128xf32, #tpu.memory_space<vmem_shared>> -> memref<10000x128xf32, #tpu.memory_space<vmem_shared>>
    tpu.wait_indirect_dma semaphore(%arg10 : memref<!tpu.dma_semaphore, #tpu.memory_space<semaphore_mem>>) src(%dma_wait3A_77 : memref<125x128xf32, #tpu.memory_space<vmem>>) dst(%dma_wait3A_83 : memref<10000x128xf32, #tpu.memory_space<vmem_shared>>)
    %barrier3A_84 = arith.constant 0 : index
    tpu.barrier barrier_id(%barrier3A_84)
    %lt3A_85 = arith.constant 10 : i32
    %lt3A_86 = arith.cmpi slt, %arg1, %lt3A_85 : i32
    %convert_element_type3A_87 = arith.extui %lt3A_86 : i1 to i32
    %cond3A_88 = arith.constant 0 : i32
    %cond3A_89 = arith.cmpi ne, %convert_element_type3A_87, %cond3A_88 : i32
    scf.if %cond3A_89 {
      %mul3A_90 = arith.constant 1000 : i32
      %mul3A_91 = arith.muli %arg1, %mul3A_90 : i32
      %mul3A_92 = arith.constant 1000 : i32
      %mul3A_93 = arith.muli %arg1, %mul3A_92 : i32
      "tpu.region"() ({
        %run_scoped3A_94 = tpu.sem_alloc : memref<!tpu.dma_semaphore, #tpu.memory_space<semaphore_mem>>
        %dma_start3A = arith.constant 0 : i32
        %dma_start3A_95 = arith.constant 0 : i32
        %dma_start3A_96 = tpu.memref_slice %arg5[%arg0, %dma_start3A, %dma_start3A_95] : memref<2x10000x128xf32, #tpu.memory_space<hbm>> -> memref<1x10000x128xf32, #tpu.memory_space<hbm>>
        %dma_start3A_97 = tpu.memref_squeeze %dma_start3A_96 : memref<1x10000x128xf32, #tpu.memory_space<hbm>> -> memref<10000x128xf32, #tpu.memory_space<hbm>>
        %dma_start3A_98 = arith.constant 0 : i32
        %dma_start3A_99 = tpu.memref_slice %dma_start3A_97[%mul3A_93, %dma_start3A_98] : memref<10000x128xf32, #tpu.memory_space<hbm>> -> memref<1000x128xf32, #tpu.memory_space<hbm>>
        %dma_start3A_100 = arith.constant 0 : i32
        %dma_start3A_101 = tpu.memref_slice %arg9[%mul3A_91, %dma_start3A_100] : memref<10000x128xf32, #tpu.memory_space<vmem_shared>> -> memref<1000x128xf32, #tpu.memory_space<vmem_shared>>
        tpu.enqueue_dma source(%dma_start3A_101 : memref<1000x128xf32, #tpu.memory_space<vmem_shared>>) target(%dma_start3A_99 : memref<1000x128xf32, #tpu.memory_space<hbm>>) target_semaphore(%run_scoped3A_94 : memref<!tpu.dma_semaphore, #tpu.memory_space<semaphore_mem>>)
        %dma_wait3A_102 = arith.constant 0 : i32
        %dma_wait3A_103 = arith.constant 0 : i32
        %dma_wait3A_104 = tpu.memref_slice %arg5[%arg0, %dma_wait3A_102, %dma_wait3A_103] : memref<2x10000x128xf32, #tpu.memory_space<hbm>> -> memref<1x10000x128xf32, #tpu.memory_space<hbm>>
        %dma_wait3A_105 = tpu.memref_squeeze %dma_wait3A_104 : memref<1x10000x128xf32, #tpu.memory_space<hbm>> -> memref<10000x128xf32, #tpu.memory_space<hbm>>
        %dma_wait3A_106 = arith.constant 0 : i32
        %dma_wait3A_107 = tpu.memref_slice %dma_wait3A_105[%mul3A_93, %dma_wait3A_106] : memref<10000x128xf32, #tpu.memory_space<hbm>> -> memref<1000x128xf32, #tpu.memory_space<hbm>>
        %dma_wait3A_108 = arith.constant 0 : i32
        %dma_wait3A_109 = tpu.memref_slice %arg9[%mul3A_91, %dma_wait3A_108] : memref<10000x128xf32, #tpu.memory_space<vmem_shared>> -> memref<1000x128xf32, #tpu.memory_space<vmem_shared>>
        tpu.wait_dma2 semaphore(%run_scoped3A_94 : memref<!tpu.dma_semaphore, #tpu.memory_space<semaphore_mem>>) src(%dma_wait3A_109 : memref<1000x128xf32, #tpu.memory_space<vmem_shared>>) dst(%dma_wait3A_107 : memref<1000x128xf32, #tpu.memory_space<hbm>>)
        tpu.yield
      }) : () -> ()
    } else {
    }
    return
  }
}

#map = affine_map<(d0, d1) -> (0, 0)>
#map1 = affine_map<(d0, d1) -> (0, 0, 0, 0, 0)>
#map2 = affine_map<(d0, d1) -> (0, 0, 0)>
module attributes {stable_mosaic.version = 14 : i64} {
  func.func @_edge_body(%arg0: i32, %arg1: i32, %arg2: memref<10000x128xf32, #tpu.memory_space<hbm>>, %arg3: memref<2x32x80x1x125xi32, #tpu.memory_space<hbm>>, %arg4: memref<1000x128xf32, #tpu.memory_space<hbm>>, %arg5: memref<2x10000x128xf32, #tpu.memory_space<hbm>>, %arg6: memref<20x1x125xi32, #tpu.memory_space<vmem>>, %arg7: memref<20x1x125xi32, #tpu.memory_space<vmem>>, %arg8: memref<2x125x128xf32, #tpu.memory_space<vmem>>, %arg9: memref<10000x128xf32, #tpu.memory_space<vmem_shared>>, %arg10: memref<!tpu.dma_semaphore, #tpu.memory_space<semaphore_mem>>) attributes {dimension_semantics = [#tpu.dimension_semantics<core_parallel>, #tpu.dimension_semantics<subcore_parallel>], iteration_bounds = array<i64: 2, 16>, scalar_prefetch = 0 : i64, scratch_operands = 5 : i64, tpu.core_type = #tpu.core_type<sc_vector_subcore>, window_params = [{transform_indices = #map}, {transform_indices = #map1}, {transform_indices = #map}, {transform_indices = #map2}]} {
    %mul3A = arith.constant 16 : i32
    %mul3A_0 = arith.muli %arg0, %mul3A : i32
    %add3A = arith.addi %mul3A_0, %arg1 : i32
    %lt3A = arith.constant 10 : i32
    %lt3A_1 = arith.cmpi slt, %arg1, %lt3A : i32
    %convert_element_type3A = arith.extui %lt3A_1 : i1 to i32
    %cond3A = arith.constant 0 : i32
    %cond3A_2 = arith.cmpi ne, %convert_element_type3A, %cond3A : i32
    scf.if %cond3A_2 {
      %mul3A_90 = arith.constant 1000 : i32
      %mul3A_91 = arith.muli %arg1, %mul3A_90 : i32
      "tpu.region"() ({
        %run_scoped3A_92 = tpu.sem_alloc : memref<!tpu.dma_semaphore, #tpu.memory_space<semaphore_mem>>
        %dma_start3A = arith.constant 0 : i32
        %dma_start3A_93 = tpu.memref_slice %arg9[%mul3A_91, %dma_start3A] : memref<10000x128xf32, #tpu.memory_space<vmem_shared>> -> memref<1000x128xf32, #tpu.memory_space<vmem_shared>>
        tpu.enqueue_dma source(%arg4 : memref<1000x128xf32, #tpu.memory_space<hbm>>) target(%dma_start3A_93 : memref<1000x128xf32, #tpu.memory_space<vmem_shared>>) target_semaphore(%run_scoped3A_92 : memref<!tpu.dma_semaphore, #tpu.memory_space<semaphore_mem>>)
        %dma_wait3A_94 = arith.constant 0 : i32
        %dma_wait3A_95 = tpu.memref_slice %arg9[%mul3A_91, %dma_wait3A_94] : memref<10000x128xf32, #tpu.memory_space<vmem_shared>> -> memref<1000x128xf32, #tpu.memory_space<vmem_shared>>
        tpu.wait_dma2 semaphore(%run_scoped3A_92 : memref<!tpu.dma_semaphore, #tpu.memory_space<semaphore_mem>>) src(%arg4 : memref<1000x128xf32, #tpu.memory_space<hbm>>) dst(%dma_wait3A_95 : memref<1000x128xf32, #tpu.memory_space<vmem_shared>>)
        tpu.yield
      }) : () -> ()
    } else {
    }
    %barrier3A = arith.constant 0 : index
    tpu.barrier barrier_id(%barrier3A)
    %run_scoped3A = arith.constant 0 : i32
    "tpu.region"() ({
      %run_scoped3A_90 = tpu.sem_alloc : memref<!tpu.dma_semaphore, #tpu.memory_space<semaphore_mem>>
      %dma_start3A = arith.constant 0 : i32
      %dma_start3A_91 = arith.constant 0 : i32
      %dma_start3A_92 = arith.constant 0 : i32
      %dma_start3A_93 = tpu.memref_slice %arg3[%run_scoped3A, %add3A, %dma_start3A, %dma_start3A_91, %dma_start3A_92] : memref<2x32x80x1x125xi32, #tpu.memory_space<hbm>> -> memref<1x1x20x1x125xi32, #tpu.memory_space<hbm>>
      %dma_start3A_94 = tpu.memref_squeeze %dma_start3A_93 : memref<1x1x20x1x125xi32, #tpu.memory_space<hbm>> -> memref<20x1x125xi32, #tpu.memory_space<hbm>>
      %dma_start3A_95 = arith.constant 0 : i32
      %dma_start3A_96 = arith.constant 0 : i32
      %dma_start3A_97 = arith.constant 0 : i32
      %dma_start3A_98 = tpu.memref_slice %arg3[%run_scoped3A, %add3A, %dma_start3A_95, %dma_start3A_96, %dma_start3A_97] : memref<2x32x80x1x125xi32, #tpu.memory_space<hbm>> -> memref<1x1x20x1x125xi32, #tpu.memory_space<hbm>>
      %dma_start3A_99 = tpu.memref_squeeze %dma_start3A_98 : memref<1x1x20x1x125xi32, #tpu.memory_space<hbm>> -> memref<20x1x125xi32, #tpu.memory_space<hbm>>
      tpu.enqueue_dma source(%dma_start3A_99 : memref<20x1x125xi32, #tpu.memory_space<hbm>>) target(%arg6 : memref<20x1x125xi32, #tpu.memory_space<vmem>>) target_semaphore(%run_scoped3A_90 : memref<!tpu.dma_semaphore, #tpu.memory_space<semaphore_mem>>)
      %dma_wait3A_100 = arith.constant 0 : i32
      %dma_wait3A_101 = arith.constant 0 : i32
      %dma_wait3A_102 = arith.constant 0 : i32
      %dma_wait3A_103 = tpu.memref_slice %arg3[%run_scoped3A, %add3A, %dma_wait3A_100, %dma_wait3A_101, %dma_wait3A_102] : memref<2x32x80x1x125xi32, #tpu.memory_space<hbm>> -> memref<1x1x20x1x125xi32, #tpu.memory_space<hbm>>
      %dma_wait3A_104 = tpu.memref_squeeze %dma_wait3A_103 : memref<1x1x20x1x125xi32, #tpu.memory_space<hbm>> -> memref<20x1x125xi32, #tpu.memory_space<hbm>>
      %dma_wait3A_105 = arith.constant 0 : i32
      %dma_wait3A_106 = arith.constant 0 : i32
      %dma_wait3A_107 = arith.constant 0 : i32
      %dma_wait3A_108 = tpu.memref_slice %arg3[%run_scoped3A, %add3A, %dma_wait3A_105, %dma_wait3A_106, %dma_wait3A_107] : memref<2x32x80x1x125xi32, #tpu.memory_space<hbm>> -> memref<1x1x20x1x125xi32, #tpu.memory_space<hbm>>
      %dma_wait3A_109 = tpu.memref_squeeze %dma_wait3A_108 : memref<1x1x20x1x125xi32, #tpu.memory_space<hbm>> -> memref<20x1x125xi32, #tpu.memory_space<hbm>>
      tpu.wait_dma2 semaphore(%run_scoped3A_90 : memref<!tpu.dma_semaphore, #tpu.memory_space<semaphore_mem>>) src(%dma_wait3A_109 : memref<20x1x125xi32, #tpu.memory_space<hbm>>) dst(%arg6 : memref<20x1x125xi32, #tpu.memory_space<vmem>>)
      tpu.yield
    }) : () -> ()
    %run_scoped3A_3 = arith.constant 1 : i32
    "tpu.region"() ({
      %run_scoped3A_90 = tpu.sem_alloc : memref<!tpu.dma_semaphore, #tpu.memory_space<semaphore_mem>>
      %dma_start3A = arith.constant 0 : i32
      %dma_start3A_91 = arith.constant 0 : i32
      %dma_start3A_92 = arith.constant 0 : i32
      %dma_start3A_93 = tpu.memref_slice %arg3[%run_scoped3A_3, %add3A, %dma_start3A, %dma_start3A_91, %dma_start3A_92] : memref<2x32x80x1x125xi32, #tpu.memory_space<hbm>> -> memref<1x1x20x1x125xi32, #tpu.memory_space<hbm>>
      %dma_start3A_94 = tpu.memref_squeeze %dma_start3A_93 : memref<1x1x20x1x125xi32, #tpu.memory_space<hbm>> -> memref<20x1x125xi32, #tpu.memory_space<hbm>>
      %dma_start3A_95 = arith.constant 0 : i32
      %dma_start3A_96 = arith.constant 0 : i32
      %dma_start3A_97 = arith.constant 0 : i32
      %dma_start3A_98 = tpu.memref_slice %arg3[%run_scoped3A_3, %add3A, %dma_start3A_95, %dma_start3A_96, %dma_start3A_97] : memref<2x32x80x1x125xi32, #tpu.memory_space<hbm>> -> memref<1x1x20x1x125xi32, #tpu.memory_space<hbm>>
      %dma_start3A_99 = tpu.memref_squeeze %dma_start3A_98 : memref<1x1x20x1x125xi32, #tpu.memory_space<hbm>> -> memref<20x1x125xi32, #tpu.memory_space<hbm>>
      tpu.enqueue_dma source(%dma_start3A_99 : memref<20x1x125xi32, #tpu.memory_space<hbm>>) target(%arg7 : memref<20x1x125xi32, #tpu.memory_space<vmem>>) target_semaphore(%run_scoped3A_90 : memref<!tpu.dma_semaphore, #tpu.memory_space<semaphore_mem>>)
      %dma_wait3A_100 = arith.constant 0 : i32
      %dma_wait3A_101 = arith.constant 0 : i32
      %dma_wait3A_102 = arith.constant 0 : i32
      %dma_wait3A_103 = tpu.memref_slice %arg3[%run_scoped3A_3, %add3A, %dma_wait3A_100, %dma_wait3A_101, %dma_wait3A_102] : memref<2x32x80x1x125xi32, #tpu.memory_space<hbm>> -> memref<1x1x20x1x125xi32, #tpu.memory_space<hbm>>
      %dma_wait3A_104 = tpu.memref_squeeze %dma_wait3A_103 : memref<1x1x20x1x125xi32, #tpu.memory_space<hbm>> -> memref<20x1x125xi32, #tpu.memory_space<hbm>>
      %dma_wait3A_105 = arith.constant 0 : i32
      %dma_wait3A_106 = arith.constant 0 : i32
      %dma_wait3A_107 = arith.constant 0 : i32
      %dma_wait3A_108 = tpu.memref_slice %arg3[%run_scoped3A_3, %add3A, %dma_wait3A_105, %dma_wait3A_106, %dma_wait3A_107] : memref<2x32x80x1x125xi32, #tpu.memory_space<hbm>> -> memref<1x1x20x1x125xi32, #tpu.memory_space<hbm>>
      %dma_wait3A_109 = tpu.memref_squeeze %dma_wait3A_108 : memref<1x1x20x1x125xi32, #tpu.memory_space<hbm>> -> memref<20x1x125xi32, #tpu.memory_space<hbm>>
      tpu.wait_dma2 semaphore(%run_scoped3A_90 : memref<!tpu.dma_semaphore, #tpu.memory_space<semaphore_mem>>) src(%dma_wait3A_109 : memref<20x1x125xi32, #tpu.memory_space<hbm>>) dst(%arg7 : memref<20x1x125xi32, #tpu.memory_space<vmem>>)
      tpu.yield
    }) : () -> ()
    %scan3A = arith.constant 0 : i32
    %scan3A_4 = arith.constant 0 : i32
    %scan3A_5 = arith.constant 20 : i32
    %scan3A_6 = arith.addi %scan3A_4, %scan3A_5 : i32
    %scan3A_7 = arith.constant 1 : i32
    scf.for %scan3A_90 = %scan3A_4 to %scan3A_6 step %scan3A_7  : i32 {
      %rem3A = arith.constant 2 : i32
      %rem3A_91 = arith.remsi %scan3A_90, %rem3A : i32
      %run_scoped3A_92 = arith.constant 0 : i32
      "tpu.region"() ({
        %run_scoped3A_107 = tpu.sem_alloc : memref<!tpu.dma_semaphore, #tpu.memory_space<semaphore_mem>>
        %dma_start3A_108 = arith.constant 0 : i32
        %dma_start3A_109 = arith.constant 0 : i32
        %dma_start3A_110 = tpu.memref_slice %arg8[%rem3A_91, %dma_start3A_108, %dma_start3A_109] : memref<2x125x128xf32, #tpu.memory_space<vmem>> -> memref<1x125x128xf32, #tpu.memory_space<vmem>>
        %dma_start3A_111 = tpu.memref_squeeze %dma_start3A_110 : memref<1x125x128xf32, #tpu.memory_space<vmem>> -> memref<125x128xf32, #tpu.memory_space<vmem>>
        %dma_start3A_112 = arith.constant 0 : i32
        %dma_start3A_113 = tpu.memref_slice %arg6[%scan3A_90, %run_scoped3A_92, %dma_start3A_112] : memref<20x1x125xi32, #tpu.memory_space<vmem>> -> memref<1x1x125xi32, #tpu.memory_space<vmem>>
        %dma_start3A_114 = tpu.memref_squeeze %dma_start3A_113 : memref<1x1x125xi32, #tpu.memory_space<vmem>> -> memref<125xi32, #tpu.memory_space<vmem>>
        %dma_start3A_115 = arith.constant 0 : i32
        %dma_start3A_116 = arith.constant 0 : i32
        %dma_start3A_117 = tpu.memref_slice %arg2[%dma_start3A_115, %dma_start3A_116] : memref<10000x128xf32, #tpu.memory_space<hbm>> -> memref<10000x128xf32, #tpu.memory_space<hbm>>
        tpu.enqueue_indirect_dma source(%dma_start3A_117 : memref<10000x128xf32, #tpu.memory_space<hbm>>) target(%dma_start3A_111 : memref<125x128xf32, #tpu.memory_space<vmem>>) offsets(%dma_start3A_114 : memref<125xi32, #tpu.memory_space<vmem>>) semaphore(%run_scoped3A_107 : memref<!tpu.dma_semaphore, #tpu.memory_space<semaphore_mem>>)
        %dma_wait3A_118 = arith.constant 0 : i32
        %dma_wait3A_119 = arith.constant 0 : i32
        %dma_wait3A_120 = tpu.memref_slice %arg8[%rem3A_91, %dma_wait3A_118, %dma_wait3A_119] : memref<2x125x128xf32, #tpu.memory_space<vmem>> -> memref<1x125x128xf32, #tpu.memory_space<vmem>>
        %dma_wait3A_121 = tpu.memref_squeeze %dma_wait3A_120 : memref<1x125x128xf32, #tpu.memory_space<vmem>> -> memref<125x128xf32, #tpu.memory_space<vmem>>
        %dma_wait3A_122 = arith.constant 0 : i32
        %dma_wait3A_123 = tpu.memref_slice %arg6[%scan3A_90, %run_scoped3A_92, %dma_wait3A_122] : memref<20x1x125xi32, #tpu.memory_space<vmem>> -> memref<1x1x125xi32, #tpu.memory_space<vmem>>
        %dma_wait3A_124 = tpu.memref_squeeze %dma_wait3A_123 : memref<1x1x125xi32, #tpu.memory_space<vmem>> -> memref<125xi32, #tpu.memory_space<vmem>>
        %dma_wait3A_125 = arith.constant 0 : i32
        %dma_wait3A_126 = arith.constant 0 : i32
        %dma_wait3A_127 = tpu.memref_slice %arg2[%dma_wait3A_125, %dma_wait3A_126] : memref<10000x128xf32, #tpu.memory_space<hbm>> -> memref<10000x128xf32, #tpu.memory_space<hbm>>
        tpu.wait_indirect_dma semaphore(%run_scoped3A_107 : memref<!tpu.dma_semaphore, #tpu.memory_space<semaphore_mem>>) src(%dma_wait3A_127 : memref<10000x128xf32, #tpu.memory_space<hbm>>) dst(%dma_wait3A_121 : memref<125x128xf32, #tpu.memory_space<vmem>>)
        tpu.yield
      }) : () -> ()
      %gt3A = arith.constant 0 : i32
      %gt3A_93 = arith.cmpi sgt, %scan3A_90, %gt3A : i32
      %convert_element_type3A_94 = arith.extui %gt3A_93 : i1 to i32
      %cond3A_95 = arith.constant 0 : i32
      %cond3A_96 = arith.cmpi ne, %convert_element_type3A_94, %cond3A_95 : i32
      scf.if %cond3A_96 {
        %sub3A = arith.constant 1 : i32
        %sub3A_107 = arith.subi %sub3A, %rem3A_91 : i32
        %sub3A_108 = arith.constant 1 : i32
        %sub3A_109 = arith.subi %scan3A_90, %sub3A_108 : i32
        %dma_wait3A_110 = arith.constant 0 : i32
        %dma_wait3A_111 = arith.constant 0 : i32
        %dma_wait3A_112 = arith.constant 0 : i32
        %dma_wait3A_113 = tpu.memref_slice %arg8[%sub3A_107, %dma_wait3A_111, %dma_wait3A_112] : memref<2x125x128xf32, #tpu.memory_space<vmem>> -> memref<1x125x128xf32, #tpu.memory_space<vmem>>
        %dma_wait3A_114 = tpu.memref_squeeze %dma_wait3A_113 : memref<1x125x128xf32, #tpu.memory_space<vmem>> -> memref<125x128xf32, #tpu.memory_space<vmem>>
        %dma_wait3A_115 = arith.constant 0 : i32
        %dma_wait3A_116 = tpu.memref_slice %arg7[%sub3A_109, %dma_wait3A_110, %dma_wait3A_115] : memref<20x1x125xi32, #tpu.memory_space<vmem>> -> memref<1x1x125xi32, #tpu.memory_space<vmem>>
        %dma_wait3A_117 = tpu.memref_squeeze %dma_wait3A_116 : memref<1x1x125xi32, #tpu.memory_space<vmem>> -> memref<125xi32, #tpu.memory_space<vmem>>
        %dma_wait3A_118 = arith.constant 0 : i32
        %dma_wait3A_119 = arith.constant 0 : i32
        %dma_wait3A_120 = tpu.memref_slice %arg9[%dma_wait3A_118, %dma_wait3A_119] : memref<10000x128xf32, #tpu.memory_space<vmem_shared>> -> memref<10000x128xf32, #tpu.memory_space<vmem_shared>>
        tpu.wait_indirect_dma semaphore(%arg10 : memref<!tpu.dma_semaphore, #tpu.memory_space<semaphore_mem>>) src(%dma_wait3A_114 : memref<125x128xf32, #tpu.memory_space<vmem>>) dst(%dma_wait3A_120 : memref<10000x128xf32, #tpu.memory_space<vmem_shared>>)
      } else {
      }
      %dma_start3A = arith.constant 0 : i32
      %dma_start3A_97 = arith.constant 0 : i32
      %dma_start3A_98 = arith.constant 0 : i32
      %dma_start3A_99 = tpu.memref_slice %arg8[%rem3A_91, %dma_start3A_97, %dma_start3A_98] : memref<2x125x128xf32, #tpu.memory_space<vmem>> -> memref<1x125x128xf32, #tpu.memory_space<vmem>>
      %dma_start3A_100 = tpu.memref_squeeze %dma_start3A_99 : memref<1x125x128xf32, #tpu.memory_space<vmem>> -> memref<125x128xf32, #tpu.memory_space<vmem>>
      %dma_start3A_101 = arith.constant 0 : i32
      %dma_start3A_102 = tpu.memref_slice %arg7[%scan3A_90, %dma_start3A, %dma_start3A_101] : memref<20x1x125xi32, #tpu.memory_space<vmem>> -> memref<1x1x125xi32, #tpu.memory_space<vmem>>
      %dma_start3A_103 = tpu.memref_squeeze %dma_start3A_102 : memref<1x1x125xi32, #tpu.memory_space<vmem>> -> memref<125xi32, #tpu.memory_space<vmem>>
      %dma_start3A_104 = arith.constant 0 : i32
      %dma_start3A_105 = arith.constant 0 : i32
      %dma_start3A_106 = tpu.memref_slice %arg9[%dma_start3A_104, %dma_start3A_105] : memref<10000x128xf32, #tpu.memory_space<vmem_shared>> -> memref<10000x128xf32, #tpu.memory_space<vmem_shared>>
      tpu.enqueue_indirect_dma source(%dma_start3A_100 : memref<125x128xf32, #tpu.memory_space<vmem>>) target(%dma_start3A_106 : memref<10000x128xf32, #tpu.memory_space<vmem_shared>>) offsets(%dma_start3A_103 : memref<125xi32, #tpu.memory_space<vmem>>) semaphore(%arg10 : memref<!tpu.dma_semaphore, #tpu.memory_space<semaphore_mem>>) {add = true}
    }
    %scan3A_8 = arith.constant 20 : i32
    %dma_wait3A = arith.constant 1 : i32
    %dma_wait3A_9 = arith.constant 19 : i32
    %dma_wait3A_10 = arith.constant 0 : i32
    %dma_wait3A_11 = arith.constant 0 : i32
    %dma_wait3A_12 = arith.constant 0 : i32
    %dma_wait3A_13 = tpu.memref_slice %arg8[%dma_wait3A, %dma_wait3A_11, %dma_wait3A_12] : memref<2x125x128xf32, #tpu.memory_space<vmem>> -> memref<1x125x128xf32, #tpu.memory_space<vmem>>
    %dma_wait3A_14 = tpu.memref_squeeze %dma_wait3A_13 : memref<1x125x128xf32, #tpu.memory_space<vmem>> -> memref<125x128xf32, #tpu.memory_space<vmem>>
    %dma_wait3A_15 = arith.constant 0 : i32
    %dma_wait3A_16 = tpu.memref_slice %arg7[%dma_wait3A_9, %dma_wait3A_10, %dma_wait3A_15] : memref<20x1x125xi32, #tpu.memory_space<vmem>> -> memref<1x1x125xi32, #tpu.memory_space<vmem>>
    %dma_wait3A_17 = tpu.memref_squeeze %dma_wait3A_16 : memref<1x1x125xi32, #tpu.memory_space<vmem>> -> memref<125xi32, #tpu.memory_space<vmem>>
    %dma_wait3A_18 = arith.constant 0 : i32
    %dma_wait3A_19 = arith.constant 0 : i32
    %dma_wait3A_20 = tpu.memref_slice %arg9[%dma_wait3A_18, %dma_wait3A_19] : memref<10000x128xf32, #tpu.memory_space<vmem_shared>> -> memref<10000x128xf32, #tpu.memory_space<vmem_shared>>
    tpu.wait_indirect_dma semaphore(%arg10 : memref<!tpu.dma_semaphore, #tpu.memory_space<semaphore_mem>>) src(%dma_wait3A_14 : memref<125x128xf32, #tpu.memory_space<vmem>>) dst(%dma_wait3A_20 : memref<10000x128xf32, #tpu.memory_space<vmem_shared>>)
    %run_scoped3A_21 = arith.constant 0 : i32
    "tpu.region"() ({
      %run_scoped3A_90 = tpu.sem_alloc : memref<!tpu.dma_semaphore, #tpu.memory_space<semaphore_mem>>
      %dma_start3A = arith.constant 20 : i32
      %dma_start3A_91 = arith.constant 0 : i32
      %dma_start3A_92 = arith.constant 0 : i32
      %dma_start3A_93 = tpu.memref_slice %arg3[%run_scoped3A_21, %add3A, %dma_start3A, %dma_start3A_91, %dma_start3A_92] : memref<2x32x80x1x125xi32, #tpu.memory_space<hbm>> -> memref<1x1x20x1x125xi32, #tpu.memory_space<hbm>>
      %dma_start3A_94 = tpu.memref_squeeze %dma_start3A_93 : memref<1x1x20x1x125xi32, #tpu.memory_space<hbm>> -> memref<20x1x125xi32, #tpu.memory_space<hbm>>
      %dma_start3A_95 = arith.constant 20 : i32
      %dma_start3A_96 = arith.constant 0 : i32
      %dma_start3A_97 = arith.constant 0 : i32
      %dma_start3A_98 = tpu.memref_slice %arg3[%run_scoped3A_21, %add3A, %dma_start3A_95, %dma_start3A_96, %dma_start3A_97] : memref<2x32x80x1x125xi32, #tpu.memory_space<hbm>> -> memref<1x1x20x1x125xi32, #tpu.memory_space<hbm>>
      %dma_start3A_99 = tpu.memref_squeeze %dma_start3A_98 : memref<1x1x20x1x125xi32, #tpu.memory_space<hbm>> -> memref<20x1x125xi32, #tpu.memory_space<hbm>>
      tpu.enqueue_dma source(%dma_start3A_99 : memref<20x1x125xi32, #tpu.memory_space<hbm>>) target(%arg6 : memref<20x1x125xi32, #tpu.memory_space<vmem>>) target_semaphore(%run_scoped3A_90 : memref<!tpu.dma_semaphore, #tpu.memory_space<semaphore_mem>>)
      %dma_wait3A_100 = arith.constant 20 : i32
      %dma_wait3A_101 = arith.constant 0 : i32
      %dma_wait3A_102 = arith.constant 0 : i32
      %dma_wait3A_103 = tpu.memref_slice %arg3[%run_scoped3A_21, %add3A, %dma_wait3A_100, %dma_wait3A_101, %dma_wait3A_102] : memref<2x32x80x1x125xi32, #tpu.memory_space<hbm>> -> memref<1x1x20x1x125xi32, #tpu.memory_space<hbm>>
      %dma_wait3A_104 = tpu.memref_squeeze %dma_wait3A_103 : memref<1x1x20x1x125xi32, #tpu.memory_space<hbm>> -> memref<20x1x125xi32, #tpu.memory_space<hbm>>
      %dma_wait3A_105 = arith.constant 20 : i32
      %dma_wait3A_106 = arith.constant 0 : i32
      %dma_wait3A_107 = arith.constant 0 : i32
      %dma_wait3A_108 = tpu.memref_slice %arg3[%run_scoped3A_21, %add3A, %dma_wait3A_105, %dma_wait3A_106, %dma_wait3A_107] : memref<2x32x80x1x125xi32, #tpu.memory_space<hbm>> -> memref<1x1x20x1x125xi32, #tpu.memory_space<hbm>>
      %dma_wait3A_109 = tpu.memref_squeeze %dma_wait3A_108 : memref<1x1x20x1x125xi32, #tpu.memory_space<hbm>> -> memref<20x1x125xi32, #tpu.memory_space<hbm>>
      tpu.wait_dma2 semaphore(%run_scoped3A_90 : memref<!tpu.dma_semaphore, #tpu.memory_space<semaphore_mem>>) src(%dma_wait3A_109 : memref<20x1x125xi32, #tpu.memory_space<hbm>>) dst(%arg6 : memref<20x1x125xi32, #tpu.memory_space<vmem>>)
      tpu.yield
    }) : () -> ()
    %run_scoped3A_22 = arith.constant 1 : i32
    "tpu.region"() ({
      %run_scoped3A_90 = tpu.sem_alloc : memref<!tpu.dma_semaphore, #tpu.memory_space<semaphore_mem>>
      %dma_start3A = arith.constant 20 : i32
      %dma_start3A_91 = arith.constant 0 : i32
      %dma_start3A_92 = arith.constant 0 : i32
      %dma_start3A_93 = tpu.memref_slice %arg3[%run_scoped3A_22, %add3A, %dma_start3A, %dma_start3A_91, %dma_start3A_92] : memref<2x32x80x1x125xi32, #tpu.memory_space<hbm>> -> memref<1x1x20x1x125xi32, #tpu.memory_space<hbm>>
      %dma_start3A_94 = tpu.memref_squeeze %dma_start3A_93 : memref<1x1x20x1x125xi32, #tpu.memory_space<hbm>> -> memref<20x1x125xi32, #tpu.memory_space<hbm>>
      %dma_start3A_95 = arith.constant 20 : i32
      %dma_start3A_96 = arith.constant 0 : i32
      %dma_start3A_97 = arith.constant 0 : i32
      %dma_start3A_98 = tpu.memref_slice %arg3[%run_scoped3A_22, %add3A, %dma_start3A_95, %dma_start3A_96, %dma_start3A_97] : memref<2x32x80x1x125xi32, #tpu.memory_space<hbm>> -> memref<1x1x20x1x125xi32, #tpu.memory_space<hbm>>
      %dma_start3A_99 = tpu.memref_squeeze %dma_start3A_98 : memref<1x1x20x1x125xi32, #tpu.memory_space<hbm>> -> memref<20x1x125xi32, #tpu.memory_space<hbm>>
      tpu.enqueue_dma source(%dma_start3A_99 : memref<20x1x125xi32, #tpu.memory_space<hbm>>) target(%arg7 : memref<20x1x125xi32, #tpu.memory_space<vmem>>) target_semaphore(%run_scoped3A_90 : memref<!tpu.dma_semaphore, #tpu.memory_space<semaphore_mem>>)
      %dma_wait3A_100 = arith.constant 20 : i32
      %dma_wait3A_101 = arith.constant 0 : i32
      %dma_wait3A_102 = arith.constant 0 : i32
      %dma_wait3A_103 = tpu.memref_slice %arg3[%run_scoped3A_22, %add3A, %dma_wait3A_100, %dma_wait3A_101, %dma_wait3A_102] : memref<2x32x80x1x125xi32, #tpu.memory_space<hbm>> -> memref<1x1x20x1x125xi32, #tpu.memory_space<hbm>>
      %dma_wait3A_104 = tpu.memref_squeeze %dma_wait3A_103 : memref<1x1x20x1x125xi32, #tpu.memory_space<hbm>> -> memref<20x1x125xi32, #tpu.memory_space<hbm>>
      %dma_wait3A_105 = arith.constant 20 : i32
      %dma_wait3A_106 = arith.constant 0 : i32
      %dma_wait3A_107 = arith.constant 0 : i32
      %dma_wait3A_108 = tpu.memref_slice %arg3[%run_scoped3A_22, %add3A, %dma_wait3A_105, %dma_wait3A_106, %dma_wait3A_107] : memref<2x32x80x1x125xi32, #tpu.memory_space<hbm>> -> memref<1x1x20x1x125xi32, #tpu.memory_space<hbm>>
      %dma_wait3A_109 = tpu.memref_squeeze %dma_wait3A_108 : memref<1x1x20x1x125xi32, #tpu.memory_space<hbm>> -> memref<20x1x125xi32, #tpu.memory_space<hbm>>
      tpu.wait_dma2 semaphore(%run_scoped3A_90 : memref<!tpu.dma_semaphore, #tpu.memory_space<semaphore_mem>>) src(%dma_wait3A_109 : memref<20x1x125xi32, #tpu.memory_space<hbm>>) dst(%arg7 : memref<20x1x125xi32, #tpu.memory_space<vmem>>)
      tpu.yield
    }) : () -> ()
    %scan3A_23 = arith.constant 0 : i32
    %scan3A_24 = arith.constant 0 : i32
    %scan3A_25 = arith.constant 20 : i32
    %scan3A_26 = arith.addi %scan3A_24, %scan3A_25 : i32
    %scan3A_27 = arith.constant 1 : i32
    scf.for %scan3A_90 = %scan3A_24 to %scan3A_26 step %scan3A_27  : i32 {
      %rem3A = arith.constant 2 : i32
      %rem3A_91 = arith.remsi %scan3A_90, %rem3A : i32
      %run_scoped3A_92 = arith.constant 0 : i32
      "tpu.region"() ({
        %run_scoped3A_107 = tpu.sem_alloc : memref<!tpu.dma_semaphore, #tpu.memory_space<semaphore_mem>>
        %dma_start3A_108 = arith.constant 0 : i32
        %dma_start3A_109 = arith.constant 0 : i32
        %dma_start3A_110 = tpu.memref_slice %arg8[%rem3A_91, %dma_start3A_108, %dma_start3A_109] : memref<2x125x128xf32, #tpu.memory_space<vmem>> -> memref<1x125x128xf32, #tpu.memory_space<vmem>>
        %dma_start3A_111 = tpu.memref_squeeze %dma_start3A_110 : memref<1x125x128xf32, #tpu.memory_space<vmem>> -> memref<125x128xf32, #tpu.memory_space<vmem>>
        %dma_start3A_112 = arith.constant 0 : i32
        %dma_start3A_113 = tpu.memref_slice %arg6[%scan3A_90, %run_scoped3A_92, %dma_start3A_112] : memref<20x1x125xi32, #tpu.memory_space<vmem>> -> memref<1x1x125xi32, #tpu.memory_space<vmem>>
        %dma_start3A_114 = tpu.memref_squeeze %dma_start3A_113 : memref<1x1x125xi32, #tpu.memory_space<vmem>> -> memref<125xi32, #tpu.memory_space<vmem>>
        %dma_start3A_115 = arith.constant 0 : i32
        %dma_start3A_116 = arith.constant 0 : i32
        %dma_start3A_117 = tpu.memref_slice %arg2[%dma_start3A_115, %dma_start3A_116] : memref<10000x128xf32, #tpu.memory_space<hbm>> -> memref<10000x128xf32, #tpu.memory_space<hbm>>
        tpu.enqueue_indirect_dma source(%dma_start3A_117 : memref<10000x128xf32, #tpu.memory_space<hbm>>) target(%dma_start3A_111 : memref<125x128xf32, #tpu.memory_space<vmem>>) offsets(%dma_start3A_114 : memref<125xi32, #tpu.memory_space<vmem>>) semaphore(%run_scoped3A_107 : memref<!tpu.dma_semaphore, #tpu.memory_space<semaphore_mem>>)
        %dma_wait3A_118 = arith.constant 0 : i32
        %dma_wait3A_119 = arith.constant 0 : i32
        %dma_wait3A_120 = tpu.memref_slice %arg8[%rem3A_91, %dma_wait3A_118, %dma_wait3A_119] : memref<2x125x128xf32, #tpu.memory_space<vmem>> -> memref<1x125x128xf32, #tpu.memory_space<vmem>>
        %dma_wait3A_121 = tpu.memref_squeeze %dma_wait3A_120 : memref<1x125x128xf32, #tpu.memory_space<vmem>> -> memref<125x128xf32, #tpu.memory_space<vmem>>
        %dma_wait3A_122 = arith.constant 0 : i32
        %dma_wait3A_123 = tpu.memref_slice %arg6[%scan3A_90, %run_scoped3A_92, %dma_wait3A_122] : memref<20x1x125xi32, #tpu.memory_space<vmem>> -> memref<1x1x125xi32, #tpu.memory_space<vmem>>
        %dma_wait3A_124 = tpu.memref_squeeze %dma_wait3A_123 : memref<1x1x125xi32, #tpu.memory_space<vmem>> -> memref<125xi32, #tpu.memory_space<vmem>>
        %dma_wait3A_125 = arith.constant 0 : i32
        %dma_wait3A_126 = arith.constant 0 : i32
        %dma_wait3A_127 = tpu.memref_slice %arg2[%dma_wait3A_125, %dma_wait3A_126] : memref<10000x128xf32, #tpu.memory_space<hbm>> -> memref<10000x128xf32, #tpu.memory_space<hbm>>
        tpu.wait_indirect_dma semaphore(%run_scoped3A_107 : memref<!tpu.dma_semaphore, #tpu.memory_space<semaphore_mem>>) src(%dma_wait3A_127 : memref<10000x128xf32, #tpu.memory_space<hbm>>) dst(%dma_wait3A_121 : memref<125x128xf32, #tpu.memory_space<vmem>>)
        tpu.yield
      }) : () -> ()
      %gt3A = arith.constant 0 : i32
      %gt3A_93 = arith.cmpi sgt, %scan3A_90, %gt3A : i32
      %convert_element_type3A_94 = arith.extui %gt3A_93 : i1 to i32
      %cond3A_95 = arith.constant 0 : i32
      %cond3A_96 = arith.cmpi ne, %convert_element_type3A_94, %cond3A_95 : i32
      scf.if %cond3A_96 {
        %sub3A = arith.constant 1 : i32
        %sub3A_107 = arith.subi %sub3A, %rem3A_91 : i32
        %sub3A_108 = arith.constant 1 : i32
        %sub3A_109 = arith.subi %scan3A_90, %sub3A_108 : i32
        %dma_wait3A_110 = arith.constant 0 : i32
        %dma_wait3A_111 = arith.constant 0 : i32
        %dma_wait3A_112 = arith.constant 0 : i32
        %dma_wait3A_113 = tpu.memref_slice %arg8[%sub3A_107, %dma_wait3A_111, %dma_wait3A_112] : memref<2x125x128xf32, #tpu.memory_space<vmem>> -> memref<1x125x128xf32, #tpu.memory_space<vmem>>
        %dma_wait3A_114 = tpu.memref_squeeze %dma_wait3A_113 : memref<1x125x128xf32, #tpu.memory_space<vmem>> -> memref<125x128xf32, #tpu.memory_space<vmem>>
        %dma_wait3A_115 = arith.constant 0 : i32
        %dma_wait3A_116 = tpu.memref_slice %arg7[%sub3A_109, %dma_wait3A_110, %dma_wait3A_115] : memref<20x1x125xi32, #tpu.memory_space<vmem>> -> memref<1x1x125xi32, #tpu.memory_space<vmem>>
        %dma_wait3A_117 = tpu.memref_squeeze %dma_wait3A_116 : memref<1x1x125xi32, #tpu.memory_space<vmem>> -> memref<125xi32, #tpu.memory_space<vmem>>
        %dma_wait3A_118 = arith.constant 0 : i32
        %dma_wait3A_119 = arith.constant 0 : i32
        %dma_wait3A_120 = tpu.memref_slice %arg9[%dma_wait3A_118, %dma_wait3A_119] : memref<10000x128xf32, #tpu.memory_space<vmem_shared>> -> memref<10000x128xf32, #tpu.memory_space<vmem_shared>>
        tpu.wait_indirect_dma semaphore(%arg10 : memref<!tpu.dma_semaphore, #tpu.memory_space<semaphore_mem>>) src(%dma_wait3A_114 : memref<125x128xf32, #tpu.memory_space<vmem>>) dst(%dma_wait3A_120 : memref<10000x128xf32, #tpu.memory_space<vmem_shared>>)
      } else {
      }
      %dma_start3A = arith.constant 0 : i32
      %dma_start3A_97 = arith.constant 0 : i32
      %dma_start3A_98 = arith.constant 0 : i32
      %dma_start3A_99 = tpu.memref_slice %arg8[%rem3A_91, %dma_start3A_97, %dma_start3A_98] : memref<2x125x128xf32, #tpu.memory_space<vmem>> -> memref<1x125x128xf32, #tpu.memory_space<vmem>>
      %dma_start3A_100 = tpu.memref_squeeze %dma_start3A_99 : memref<1x125x128xf32, #tpu.memory_space<vmem>> -> memref<125x128xf32, #tpu.memory_space<vmem>>
      %dma_start3A_101 = arith.constant 0 : i32
      %dma_start3A_102 = tpu.memref_slice %arg7[%scan3A_90, %dma_start3A, %dma_start3A_101] : memref<20x1x125xi32, #tpu.memory_space<vmem>> -> memref<1x1x125xi32, #tpu.memory_space<vmem>>
      %dma_start3A_103 = tpu.memref_squeeze %dma_start3A_102 : memref<1x1x125xi32, #tpu.memory_space<vmem>> -> memref<125xi32, #tpu.memory_space<vmem>>
      %dma_start3A_104 = arith.constant 0 : i32
      %dma_start3A_105 = arith.constant 0 : i32
      %dma_start3A_106 = tpu.memref_slice %arg9[%dma_start3A_104, %dma_start3A_105] : memref<10000x128xf32, #tpu.memory_space<vmem_shared>> -> memref<10000x128xf32, #tpu.memory_space<vmem_shared>>
      tpu.enqueue_indirect_dma source(%dma_start3A_100 : memref<125x128xf32, #tpu.memory_space<vmem>>) target(%dma_start3A_106 : memref<10000x128xf32, #tpu.memory_space<vmem_shared>>) offsets(%dma_start3A_103 : memref<125xi32, #tpu.memory_space<vmem>>) semaphore(%arg10 : memref<!tpu.dma_semaphore, #tpu.memory_space<semaphore_mem>>) {add = true}
    }
    %scan3A_28 = arith.constant 20 : i32
    %dma_wait3A_29 = arith.constant 1 : i32
    %dma_wait3A_30 = arith.constant 19 : i32
    %dma_wait3A_31 = arith.constant 0 : i32
    %dma_wait3A_32 = arith.constant 0 : i32
    %dma_wait3A_33 = arith.constant 0 : i32
    %dma_wait3A_34 = tpu.memref_slice %arg8[%dma_wait3A_29, %dma_wait3A_32, %dma_wait3A_33] : memref<2x125x128xf32, #tpu.memory_space<vmem>> -> memref<1x125x128xf32, #tpu.memory_space<vmem>>
    %dma_wait3A_35 = tpu.memref_squeeze %dma_wait3A_34 : memref<1x125x128xf32, #tpu.memory_space<vmem>> -> memref<125x128xf32, #tpu.memory_space<vmem>>
    %dma_wait3A_36 = arith.constant 0 : i32
    %dma_wait3A_37 = tpu.memref_slice %arg7[%dma_wait3A_30, %dma_wait3A_31, %dma_wait3A_36] : memref<20x1x125xi32, #tpu.memory_space<vmem>> -> memref<1x1x125xi32, #tpu.memory_space<vmem>>
    %dma_wait3A_38 = tpu.memref_squeeze %dma_wait3A_37 : memref<1x1x125xi32, #tpu.memory_space<vmem>> -> memref<125xi32, #tpu.memory_space<vmem>>
    %dma_wait3A_39 = arith.constant 0 : i32
    %dma_wait3A_40 = arith.constant 0 : i32
    %dma_wait3A_41 = tpu.memref_slice %arg9[%dma_wait3A_39, %dma_wait3A_40] : memref<10000x128xf32, #tpu.memory_space<vmem_shared>> -> memref<10000x128xf32, #tpu.memory_space<vmem_shared>>
    tpu.wait_indirect_dma semaphore(%arg10 : memref<!tpu.dma_semaphore, #tpu.memory_space<semaphore_mem>>) src(%dma_wait3A_35 : memref<125x128xf32, #tpu.memory_space<vmem>>) dst(%dma_wait3A_41 : memref<10000x128xf32, #tpu.memory_space<vmem_shared>>)
    %run_scoped3A_42 = arith.constant 0 : i32
    "tpu.region"() ({
      %run_scoped3A_90 = tpu.sem_alloc : memref<!tpu.dma_semaphore, #tpu.memory_space<semaphore_mem>>
      %dma_start3A = arith.constant 40 : i32
      %dma_start3A_91 = arith.constant 0 : i32
      %dma_start3A_92 = arith.constant 0 : i32
      %dma_start3A_93 = tpu.memref_slice %arg3[%run_scoped3A_42, %add3A, %dma_start3A, %dma_start3A_91, %dma_start3A_92] : memref<2x32x80x1x125xi32, #tpu.memory_space<hbm>> -> memref<1x1x20x1x125xi32, #tpu.memory_space<hbm>>
      %dma_start3A_94 = tpu.memref_squeeze %dma_start3A_93 : memref<1x1x20x1x125xi32, #tpu.memory_space<hbm>> -> memref<20x1x125xi32, #tpu.memory_space<hbm>>
      %dma_start3A_95 = arith.constant 40 : i32
      %dma_start3A_96 = arith.constant 0 : i32
      %dma_start3A_97 = arith.constant 0 : i32
      %dma_start3A_98 = tpu.memref_slice %arg3[%run_scoped3A_42, %add3A, %dma_start3A_95, %dma_start3A_96, %dma_start3A_97] : memref<2x32x80x1x125xi32, #tpu.memory_space<hbm>> -> memref<1x1x20x1x125xi32, #tpu.memory_space<hbm>>
      %dma_start3A_99 = tpu.memref_squeeze %dma_start3A_98 : memref<1x1x20x1x125xi32, #tpu.memory_space<hbm>> -> memref<20x1x125xi32, #tpu.memory_space<hbm>>
      tpu.enqueue_dma source(%dma_start3A_99 : memref<20x1x125xi32, #tpu.memory_space<hbm>>) target(%arg6 : memref<20x1x125xi32, #tpu.memory_space<vmem>>) target_semaphore(%run_scoped3A_90 : memref<!tpu.dma_semaphore, #tpu.memory_space<semaphore_mem>>)
      %dma_wait3A_100 = arith.constant 40 : i32
      %dma_wait3A_101 = arith.constant 0 : i32
      %dma_wait3A_102 = arith.constant 0 : i32
      %dma_wait3A_103 = tpu.memref_slice %arg3[%run_scoped3A_42, %add3A, %dma_wait3A_100, %dma_wait3A_101, %dma_wait3A_102] : memref<2x32x80x1x125xi32, #tpu.memory_space<hbm>> -> memref<1x1x20x1x125xi32, #tpu.memory_space<hbm>>
      %dma_wait3A_104 = tpu.memref_squeeze %dma_wait3A_103 : memref<1x1x20x1x125xi32, #tpu.memory_space<hbm>> -> memref<20x1x125xi32, #tpu.memory_space<hbm>>
      %dma_wait3A_105 = arith.constant 40 : i32
      %dma_wait3A_106 = arith.constant 0 : i32
      %dma_wait3A_107 = arith.constant 0 : i32
      %dma_wait3A_108 = tpu.memref_slice %arg3[%run_scoped3A_42, %add3A, %dma_wait3A_105, %dma_wait3A_106, %dma_wait3A_107] : memref<2x32x80x1x125xi32, #tpu.memory_space<hbm>> -> memref<1x1x20x1x125xi32, #tpu.memory_space<hbm>>
      %dma_wait3A_109 = tpu.memref_squeeze %dma_wait3A_108 : memref<1x1x20x1x125xi32, #tpu.memory_space<hbm>> -> memref<20x1x125xi32, #tpu.memory_space<hbm>>
      tpu.wait_dma2 semaphore(%run_scoped3A_90 : memref<!tpu.dma_semaphore, #tpu.memory_space<semaphore_mem>>) src(%dma_wait3A_109 : memref<20x1x125xi32, #tpu.memory_space<hbm>>) dst(%arg6 : memref<20x1x125xi32, #tpu.memory_space<vmem>>)
      tpu.yield
    }) : () -> ()
    %run_scoped3A_43 = arith.constant 1 : i32
    "tpu.region"() ({
      %run_scoped3A_90 = tpu.sem_alloc : memref<!tpu.dma_semaphore, #tpu.memory_space<semaphore_mem>>
      %dma_start3A = arith.constant 40 : i32
      %dma_start3A_91 = arith.constant 0 : i32
      %dma_start3A_92 = arith.constant 0 : i32
      %dma_start3A_93 = tpu.memref_slice %arg3[%run_scoped3A_43, %add3A, %dma_start3A, %dma_start3A_91, %dma_start3A_92] : memref<2x32x80x1x125xi32, #tpu.memory_space<hbm>> -> memref<1x1x20x1x125xi32, #tpu.memory_space<hbm>>
      %dma_start3A_94 = tpu.memref_squeeze %dma_start3A_93 : memref<1x1x20x1x125xi32, #tpu.memory_space<hbm>> -> memref<20x1x125xi32, #tpu.memory_space<hbm>>
      %dma_start3A_95 = arith.constant 40 : i32
      %dma_start3A_96 = arith.constant 0 : i32
      %dma_start3A_97 = arith.constant 0 : i32
      %dma_start3A_98 = tpu.memref_slice %arg3[%run_scoped3A_43, %add3A, %dma_start3A_95, %dma_start3A_96, %dma_start3A_97] : memref<2x32x80x1x125xi32, #tpu.memory_space<hbm>> -> memref<1x1x20x1x125xi32, #tpu.memory_space<hbm>>
      %dma_start3A_99 = tpu.memref_squeeze %dma_start3A_98 : memref<1x1x20x1x125xi32, #tpu.memory_space<hbm>> -> memref<20x1x125xi32, #tpu.memory_space<hbm>>
      tpu.enqueue_dma source(%dma_start3A_99 : memref<20x1x125xi32, #tpu.memory_space<hbm>>) target(%arg7 : memref<20x1x125xi32, #tpu.memory_space<vmem>>) target_semaphore(%run_scoped3A_90 : memref<!tpu.dma_semaphore, #tpu.memory_space<semaphore_mem>>)
      %dma_wait3A_100 = arith.constant 40 : i32
      %dma_wait3A_101 = arith.constant 0 : i32
      %dma_wait3A_102 = arith.constant 0 : i32
      %dma_wait3A_103 = tpu.memref_slice %arg3[%run_scoped3A_43, %add3A, %dma_wait3A_100, %dma_wait3A_101, %dma_wait3A_102] : memref<2x32x80x1x125xi32, #tpu.memory_space<hbm>> -> memref<1x1x20x1x125xi32, #tpu.memory_space<hbm>>
      %dma_wait3A_104 = tpu.memref_squeeze %dma_wait3A_103 : memref<1x1x20x1x125xi32, #tpu.memory_space<hbm>> -> memref<20x1x125xi32, #tpu.memory_space<hbm>>
      %dma_wait3A_105 = arith.constant 40 : i32
      %dma_wait3A_106 = arith.constant 0 : i32
      %dma_wait3A_107 = arith.constant 0 : i32
      %dma_wait3A_108 = tpu.memref_slice %arg3[%run_scoped3A_43, %add3A, %dma_wait3A_105, %dma_wait3A_106, %dma_wait3A_107] : memref<2x32x80x1x125xi32, #tpu.memory_space<hbm>> -> memref<1x1x20x1x125xi32, #tpu.memory_space<hbm>>
      %dma_wait3A_109 = tpu.memref_squeeze %dma_wait3A_108 : memref<1x1x20x1x125xi32, #tpu.memory_space<hbm>> -> memref<20x1x125xi32, #tpu.memory_space<hbm>>
      tpu.wait_dma2 semaphore(%run_scoped3A_90 : memref<!tpu.dma_semaphore, #tpu.memory_space<semaphore_mem>>) src(%dma_wait3A_109 : memref<20x1x125xi32, #tpu.memory_space<hbm>>) dst(%arg7 : memref<20x1x125xi32, #tpu.memory_space<vmem>>)
      tpu.yield
    }) : () -> ()
    %scan3A_44 = arith.constant 0 : i32
    %scan3A_45 = arith.constant 0 : i32
    %scan3A_46 = arith.constant 20 : i32
    %scan3A_47 = arith.addi %scan3A_45, %scan3A_46 : i32
    %scan3A_48 = arith.constant 1 : i32
    scf.for %scan3A_90 = %scan3A_45 to %scan3A_47 step %scan3A_48  : i32 {
      %rem3A = arith.constant 2 : i32
      %rem3A_91 = arith.remsi %scan3A_90, %rem3A : i32
      %run_scoped3A_92 = arith.constant 0 : i32
      "tpu.region"() ({
        %run_scoped3A_107 = tpu.sem_alloc : memref<!tpu.dma_semaphore, #tpu.memory_space<semaphore_mem>>
        %dma_start3A_108 = arith.constant 0 : i32
        %dma_start3A_109 = arith.constant 0 : i32
        %dma_start3A_110 = tpu.memref_slice %arg8[%rem3A_91, %dma_start3A_108, %dma_start3A_109] : memref<2x125x128xf32, #tpu.memory_space<vmem>> -> memref<1x125x128xf32, #tpu.memory_space<vmem>>
        %dma_start3A_111 = tpu.memref_squeeze %dma_start3A_110 : memref<1x125x128xf32, #tpu.memory_space<vmem>> -> memref<125x128xf32, #tpu.memory_space<vmem>>
        %dma_start3A_112 = arith.constant 0 : i32
        %dma_start3A_113 = tpu.memref_slice %arg6[%scan3A_90, %run_scoped3A_92, %dma_start3A_112] : memref<20x1x125xi32, #tpu.memory_space<vmem>> -> memref<1x1x125xi32, #tpu.memory_space<vmem>>
        %dma_start3A_114 = tpu.memref_squeeze %dma_start3A_113 : memref<1x1x125xi32, #tpu.memory_space<vmem>> -> memref<125xi32, #tpu.memory_space<vmem>>
        %dma_start3A_115 = arith.constant 0 : i32
        %dma_start3A_116 = arith.constant 0 : i32
        %dma_start3A_117 = tpu.memref_slice %arg2[%dma_start3A_115, %dma_start3A_116] : memref<10000x128xf32, #tpu.memory_space<hbm>> -> memref<10000x128xf32, #tpu.memory_space<hbm>>
        tpu.enqueue_indirect_dma source(%dma_start3A_117 : memref<10000x128xf32, #tpu.memory_space<hbm>>) target(%dma_start3A_111 : memref<125x128xf32, #tpu.memory_space<vmem>>) offsets(%dma_start3A_114 : memref<125xi32, #tpu.memory_space<vmem>>) semaphore(%run_scoped3A_107 : memref<!tpu.dma_semaphore, #tpu.memory_space<semaphore_mem>>)
        %dma_wait3A_118 = arith.constant 0 : i32
        %dma_wait3A_119 = arith.constant 0 : i32
        %dma_wait3A_120 = tpu.memref_slice %arg8[%rem3A_91, %dma_wait3A_118, %dma_wait3A_119] : memref<2x125x128xf32, #tpu.memory_space<vmem>> -> memref<1x125x128xf32, #tpu.memory_space<vmem>>
        %dma_wait3A_121 = tpu.memref_squeeze %dma_wait3A_120 : memref<1x125x128xf32, #tpu.memory_space<vmem>> -> memref<125x128xf32, #tpu.memory_space<vmem>>
        %dma_wait3A_122 = arith.constant 0 : i32
        %dma_wait3A_123 = tpu.memref_slice %arg6[%scan3A_90, %run_scoped3A_92, %dma_wait3A_122] : memref<20x1x125xi32, #tpu.memory_space<vmem>> -> memref<1x1x125xi32, #tpu.memory_space<vmem>>
        %dma_wait3A_124 = tpu.memref_squeeze %dma_wait3A_123 : memref<1x1x125xi32, #tpu.memory_space<vmem>> -> memref<125xi32, #tpu.memory_space<vmem>>
        %dma_wait3A_125 = arith.constant 0 : i32
        %dma_wait3A_126 = arith.constant 0 : i32
        %dma_wait3A_127 = tpu.memref_slice %arg2[%dma_wait3A_125, %dma_wait3A_126] : memref<10000x128xf32, #tpu.memory_space<hbm>> -> memref<10000x128xf32, #tpu.memory_space<hbm>>
        tpu.wait_indirect_dma semaphore(%run_scoped3A_107 : memref<!tpu.dma_semaphore, #tpu.memory_space<semaphore_mem>>) src(%dma_wait3A_127 : memref<10000x128xf32, #tpu.memory_space<hbm>>) dst(%dma_wait3A_121 : memref<125x128xf32, #tpu.memory_space<vmem>>)
        tpu.yield
      }) : () -> ()
      %gt3A = arith.constant 0 : i32
      %gt3A_93 = arith.cmpi sgt, %scan3A_90, %gt3A : i32
      %convert_element_type3A_94 = arith.extui %gt3A_93 : i1 to i32
      %cond3A_95 = arith.constant 0 : i32
      %cond3A_96 = arith.cmpi ne, %convert_element_type3A_94, %cond3A_95 : i32
      scf.if %cond3A_96 {
        %sub3A = arith.constant 1 : i32
        %sub3A_107 = arith.subi %sub3A, %rem3A_91 : i32
        %sub3A_108 = arith.constant 1 : i32
        %sub3A_109 = arith.subi %scan3A_90, %sub3A_108 : i32
        %dma_wait3A_110 = arith.constant 0 : i32
        %dma_wait3A_111 = arith.constant 0 : i32
        %dma_wait3A_112 = arith.constant 0 : i32
        %dma_wait3A_113 = tpu.memref_slice %arg8[%sub3A_107, %dma_wait3A_111, %dma_wait3A_112] : memref<2x125x128xf32, #tpu.memory_space<vmem>> -> memref<1x125x128xf32, #tpu.memory_space<vmem>>
        %dma_wait3A_114 = tpu.memref_squeeze %dma_wait3A_113 : memref<1x125x128xf32, #tpu.memory_space<vmem>> -> memref<125x128xf32, #tpu.memory_space<vmem>>
        %dma_wait3A_115 = arith.constant 0 : i32
        %dma_wait3A_116 = tpu.memref_slice %arg7[%sub3A_109, %dma_wait3A_110, %dma_wait3A_115] : memref<20x1x125xi32, #tpu.memory_space<vmem>> -> memref<1x1x125xi32, #tpu.memory_space<vmem>>
        %dma_wait3A_117 = tpu.memref_squeeze %dma_wait3A_116 : memref<1x1x125xi32, #tpu.memory_space<vmem>> -> memref<125xi32, #tpu.memory_space<vmem>>
        %dma_wait3A_118 = arith.constant 0 : i32
        %dma_wait3A_119 = arith.constant 0 : i32
        %dma_wait3A_120 = tpu.memref_slice %arg9[%dma_wait3A_118, %dma_wait3A_119] : memref<10000x128xf32, #tpu.memory_space<vmem_shared>> -> memref<10000x128xf32, #tpu.memory_space<vmem_shared>>
        tpu.wait_indirect_dma semaphore(%arg10 : memref<!tpu.dma_semaphore, #tpu.memory_space<semaphore_mem>>) src(%dma_wait3A_114 : memref<125x128xf32, #tpu.memory_space<vmem>>) dst(%dma_wait3A_120 : memref<10000x128xf32, #tpu.memory_space<vmem_shared>>)
      } else {
      }
      %dma_start3A = arith.constant 0 : i32
      %dma_start3A_97 = arith.constant 0 : i32
      %dma_start3A_98 = arith.constant 0 : i32
      %dma_start3A_99 = tpu.memref_slice %arg8[%rem3A_91, %dma_start3A_97, %dma_start3A_98] : memref<2x125x128xf32, #tpu.memory_space<vmem>> -> memref<1x125x128xf32, #tpu.memory_space<vmem>>
      %dma_start3A_100 = tpu.memref_squeeze %dma_start3A_99 : memref<1x125x128xf32, #tpu.memory_space<vmem>> -> memref<125x128xf32, #tpu.memory_space<vmem>>
      %dma_start3A_101 = arith.constant 0 : i32
      %dma_start3A_102 = tpu.memref_slice %arg7[%scan3A_90, %dma_start3A, %dma_start3A_101] : memref<20x1x125xi32, #tpu.memory_space<vmem>> -> memref<1x1x125xi32, #tpu.memory_space<vmem>>
      %dma_start3A_103 = tpu.memref_squeeze %dma_start3A_102 : memref<1x1x125xi32, #tpu.memory_space<vmem>> -> memref<125xi32, #tpu.memory_space<vmem>>
      %dma_start3A_104 = arith.constant 0 : i32
      %dma_start3A_105 = arith.constant 0 : i32
      %dma_start3A_106 = tpu.memref_slice %arg9[%dma_start3A_104, %dma_start3A_105] : memref<10000x128xf32, #tpu.memory_space<vmem_shared>> -> memref<10000x128xf32, #tpu.memory_space<vmem_shared>>
      tpu.enqueue_indirect_dma source(%dma_start3A_100 : memref<125x128xf32, #tpu.memory_space<vmem>>) target(%dma_start3A_106 : memref<10000x128xf32, #tpu.memory_space<vmem_shared>>) offsets(%dma_start3A_103 : memref<125xi32, #tpu.memory_space<vmem>>) semaphore(%arg10 : memref<!tpu.dma_semaphore, #tpu.memory_space<semaphore_mem>>) {add = true}
    }
    %scan3A_49 = arith.constant 20 : i32
    %dma_wait3A_50 = arith.constant 1 : i32
    %dma_wait3A_51 = arith.constant 19 : i32
    %dma_wait3A_52 = arith.constant 0 : i32
    %dma_wait3A_53 = arith.constant 0 : i32
    %dma_wait3A_54 = arith.constant 0 : i32
    %dma_wait3A_55 = tpu.memref_slice %arg8[%dma_wait3A_50, %dma_wait3A_53, %dma_wait3A_54] : memref<2x125x128xf32, #tpu.memory_space<vmem>> -> memref<1x125x128xf32, #tpu.memory_space<vmem>>
    %dma_wait3A_56 = tpu.memref_squeeze %dma_wait3A_55 : memref<1x125x128xf32, #tpu.memory_space<vmem>> -> memref<125x128xf32, #tpu.memory_space<vmem>>
    %dma_wait3A_57 = arith.constant 0 : i32
    %dma_wait3A_58 = tpu.memref_slice %arg7[%dma_wait3A_51, %dma_wait3A_52, %dma_wait3A_57] : memref<20x1x125xi32, #tpu.memory_space<vmem>> -> memref<1x1x125xi32, #tpu.memory_space<vmem>>
    %dma_wait3A_59 = tpu.memref_squeeze %dma_wait3A_58 : memref<1x1x125xi32, #tpu.memory_space<vmem>> -> memref<125xi32, #tpu.memory_space<vmem>>
    %dma_wait3A_60 = arith.constant 0 : i32
    %dma_wait3A_61 = arith.constant 0 : i32
    %dma_wait3A_62 = tpu.memref_slice %arg9[%dma_wait3A_60, %dma_wait3A_61] : memref<10000x128xf32, #tpu.memory_space<vmem_shared>> -> memref<10000x128xf32, #tpu.memory_space<vmem_shared>>
    tpu.wait_indirect_dma semaphore(%arg10 : memref<!tpu.dma_semaphore, #tpu.memory_space<semaphore_mem>>) src(%dma_wait3A_56 : memref<125x128xf32, #tpu.memory_space<vmem>>) dst(%dma_wait3A_62 : memref<10000x128xf32, #tpu.memory_space<vmem_shared>>)
    %run_scoped3A_63 = arith.constant 0 : i32
    "tpu.region"() ({
      %run_scoped3A_90 = tpu.sem_alloc : memref<!tpu.dma_semaphore, #tpu.memory_space<semaphore_mem>>
      %dma_start3A = arith.constant 60 : i32
      %dma_start3A_91 = arith.constant 0 : i32
      %dma_start3A_92 = arith.constant 0 : i32
      %dma_start3A_93 = tpu.memref_slice %arg3[%run_scoped3A_63, %add3A, %dma_start3A, %dma_start3A_91, %dma_start3A_92] : memref<2x32x80x1x125xi32, #tpu.memory_space<hbm>> -> memref<1x1x20x1x125xi32, #tpu.memory_space<hbm>>
      %dma_start3A_94 = tpu.memref_squeeze %dma_start3A_93 : memref<1x1x20x1x125xi32, #tpu.memory_space<hbm>> -> memref<20x1x125xi32, #tpu.memory_space<hbm>>
      %dma_start3A_95 = arith.constant 60 : i32
      %dma_start3A_96 = arith.constant 0 : i32
      %dma_start3A_97 = arith.constant 0 : i32
      %dma_start3A_98 = tpu.memref_slice %arg3[%run_scoped3A_63, %add3A, %dma_start3A_95, %dma_start3A_96, %dma_start3A_97] : memref<2x32x80x1x125xi32, #tpu.memory_space<hbm>> -> memref<1x1x20x1x125xi32, #tpu.memory_space<hbm>>
      %dma_start3A_99 = tpu.memref_squeeze %dma_start3A_98 : memref<1x1x20x1x125xi32, #tpu.memory_space<hbm>> -> memref<20x1x125xi32, #tpu.memory_space<hbm>>
      tpu.enqueue_dma source(%dma_start3A_99 : memref<20x1x125xi32, #tpu.memory_space<hbm>>) target(%arg6 : memref<20x1x125xi32, #tpu.memory_space<vmem>>) target_semaphore(%run_scoped3A_90 : memref<!tpu.dma_semaphore, #tpu.memory_space<semaphore_mem>>)
      %dma_wait3A_100 = arith.constant 60 : i32
      %dma_wait3A_101 = arith.constant 0 : i32
      %dma_wait3A_102 = arith.constant 0 : i32
      %dma_wait3A_103 = tpu.memref_slice %arg3[%run_scoped3A_63, %add3A, %dma_wait3A_100, %dma_wait3A_101, %dma_wait3A_102] : memref<2x32x80x1x125xi32, #tpu.memory_space<hbm>> -> memref<1x1x20x1x125xi32, #tpu.memory_space<hbm>>
      %dma_wait3A_104 = tpu.memref_squeeze %dma_wait3A_103 : memref<1x1x20x1x125xi32, #tpu.memory_space<hbm>> -> memref<20x1x125xi32, #tpu.memory_space<hbm>>
      %dma_wait3A_105 = arith.constant 60 : i32
      %dma_wait3A_106 = arith.constant 0 : i32
      %dma_wait3A_107 = arith.constant 0 : i32
      %dma_wait3A_108 = tpu.memref_slice %arg3[%run_scoped3A_63, %add3A, %dma_wait3A_105, %dma_wait3A_106, %dma_wait3A_107] : memref<2x32x80x1x125xi32, #tpu.memory_space<hbm>> -> memref<1x1x20x1x125xi32, #tpu.memory_space<hbm>>
      %dma_wait3A_109 = tpu.memref_squeeze %dma_wait3A_108 : memref<1x1x20x1x125xi32, #tpu.memory_space<hbm>> -> memref<20x1x125xi32, #tpu.memory_space<hbm>>
      tpu.wait_dma2 semaphore(%run_scoped3A_90 : memref<!tpu.dma_semaphore, #tpu.memory_space<semaphore_mem>>) src(%dma_wait3A_109 : memref<20x1x125xi32, #tpu.memory_space<hbm>>) dst(%arg6 : memref<20x1x125xi32, #tpu.memory_space<vmem>>)
      tpu.yield
    }) : () -> ()
    %run_scoped3A_64 = arith.constant 1 : i32
    "tpu.region"() ({
      %run_scoped3A_90 = tpu.sem_alloc : memref<!tpu.dma_semaphore, #tpu.memory_space<semaphore_mem>>
      %dma_start3A = arith.constant 60 : i32
      %dma_start3A_91 = arith.constant 0 : i32
      %dma_start3A_92 = arith.constant 0 : i32
      %dma_start3A_93 = tpu.memref_slice %arg3[%run_scoped3A_64, %add3A, %dma_start3A, %dma_start3A_91, %dma_start3A_92] : memref<2x32x80x1x125xi32, #tpu.memory_space<hbm>> -> memref<1x1x20x1x125xi32, #tpu.memory_space<hbm>>
      %dma_start3A_94 = tpu.memref_squeeze %dma_start3A_93 : memref<1x1x20x1x125xi32, #tpu.memory_space<hbm>> -> memref<20x1x125xi32, #tpu.memory_space<hbm>>
      %dma_start3A_95 = arith.constant 60 : i32
      %dma_start3A_96 = arith.constant 0 : i32
      %dma_start3A_97 = arith.constant 0 : i32
      %dma_start3A_98 = tpu.memref_slice %arg3[%run_scoped3A_64, %add3A, %dma_start3A_95, %dma_start3A_96, %dma_start3A_97] : memref<2x32x80x1x125xi32, #tpu.memory_space<hbm>> -> memref<1x1x20x1x125xi32, #tpu.memory_space<hbm>>
      %dma_start3A_99 = tpu.memref_squeeze %dma_start3A_98 : memref<1x1x20x1x125xi32, #tpu.memory_space<hbm>> -> memref<20x1x125xi32, #tpu.memory_space<hbm>>
      tpu.enqueue_dma source(%dma_start3A_99 : memref<20x1x125xi32, #tpu.memory_space<hbm>>) target(%arg7 : memref<20x1x125xi32, #tpu.memory_space<vmem>>) target_semaphore(%run_scoped3A_90 : memref<!tpu.dma_semaphore, #tpu.memory_space<semaphore_mem>>)
      %dma_wait3A_100 = arith.constant 60 : i32
      %dma_wait3A_101 = arith.constant 0 : i32
      %dma_wait3A_102 = arith.constant 0 : i32
      %dma_wait3A_103 = tpu.memref_slice %arg3[%run_scoped3A_64, %add3A, %dma_wait3A_100, %dma_wait3A_101, %dma_wait3A_102] : memref<2x32x80x1x125xi32, #tpu.memory_space<hbm>> -> memref<1x1x20x1x125xi32, #tpu.memory_space<hbm>>
      %dma_wait3A_104 = tpu.memref_squeeze %dma_wait3A_103 : memref<1x1x20x1x125xi32, #tpu.memory_space<hbm>> -> memref<20x1x125xi32, #tpu.memory_space<hbm>>
      %dma_wait3A_105 = arith.constant 60 : i32
      %dma_wait3A_106 = arith.constant 0 : i32
      %dma_wait3A_107 = arith.constant 0 : i32
      %dma_wait3A_108 = tpu.memref_slice %arg3[%run_scoped3A_64, %add3A, %dma_wait3A_105, %dma_wait3A_106, %dma_wait3A_107] : memref<2x32x80x1x125xi32, #tpu.memory_space<hbm>> -> memref<1x1x20x1x125xi32, #tpu.memory_space<hbm>>
      %dma_wait3A_109 = tpu.memref_squeeze %dma_wait3A_108 : memref<1x1x20x1x125xi32, #tpu.memory_space<hbm>> -> memref<20x1x125xi32, #tpu.memory_space<hbm>>
      tpu.wait_dma2 semaphore(%run_scoped3A_90 : memref<!tpu.dma_semaphore, #tpu.memory_space<semaphore_mem>>) src(%dma_wait3A_109 : memref<20x1x125xi32, #tpu.memory_space<hbm>>) dst(%arg7 : memref<20x1x125xi32, #tpu.memory_space<vmem>>)
      tpu.yield
    }) : () -> ()
    %scan3A_65 = arith.constant 0 : i32
    %scan3A_66 = arith.constant 0 : i32
    %scan3A_67 = arith.constant 20 : i32
    %scan3A_68 = arith.addi %scan3A_66, %scan3A_67 : i32
    %scan3A_69 = arith.constant 1 : i32
    scf.for %scan3A_90 = %scan3A_66 to %scan3A_68 step %scan3A_69  : i32 {
      %rem3A = arith.constant 2 : i32
      %rem3A_91 = arith.remsi %scan3A_90, %rem3A : i32
      %run_scoped3A_92 = arith.constant 0 : i32
      "tpu.region"() ({
        %run_scoped3A_107 = tpu.sem_alloc : memref<!tpu.dma_semaphore, #tpu.memory_space<semaphore_mem>>
        %dma_start3A_108 = arith.constant 0 : i32
        %dma_start3A_109 = arith.constant 0 : i32
        %dma_start3A_110 = tpu.memref_slice %arg8[%rem3A_91, %dma_start3A_108, %dma_start3A_109] : memref<2x125x128xf32, #tpu.memory_space<vmem>> -> memref<1x125x128xf32, #tpu.memory_space<vmem>>
        %dma_start3A_111 = tpu.memref_squeeze %dma_start3A_110 : memref<1x125x128xf32, #tpu.memory_space<vmem>> -> memref<125x128xf32, #tpu.memory_space<vmem>>
        %dma_start3A_112 = arith.constant 0 : i32
        %dma_start3A_113 = tpu.memref_slice %arg6[%scan3A_90, %run_scoped3A_92, %dma_start3A_112] : memref<20x1x125xi32, #tpu.memory_space<vmem>> -> memref<1x1x125xi32, #tpu.memory_space<vmem>>
        %dma_start3A_114 = tpu.memref_squeeze %dma_start3A_113 : memref<1x1x125xi32, #tpu.memory_space<vmem>> -> memref<125xi32, #tpu.memory_space<vmem>>
        %dma_start3A_115 = arith.constant 0 : i32
        %dma_start3A_116 = arith.constant 0 : i32
        %dma_start3A_117 = tpu.memref_slice %arg2[%dma_start3A_115, %dma_start3A_116] : memref<10000x128xf32, #tpu.memory_space<hbm>> -> memref<10000x128xf32, #tpu.memory_space<hbm>>
        tpu.enqueue_indirect_dma source(%dma_start3A_117 : memref<10000x128xf32, #tpu.memory_space<hbm>>) target(%dma_start3A_111 : memref<125x128xf32, #tpu.memory_space<vmem>>) offsets(%dma_start3A_114 : memref<125xi32, #tpu.memory_space<vmem>>) semaphore(%run_scoped3A_107 : memref<!tpu.dma_semaphore, #tpu.memory_space<semaphore_mem>>)
        %dma_wait3A_118 = arith.constant 0 : i32
        %dma_wait3A_119 = arith.constant 0 : i32
        %dma_wait3A_120 = tpu.memref_slice %arg8[%rem3A_91, %dma_wait3A_118, %dma_wait3A_119] : memref<2x125x128xf32, #tpu.memory_space<vmem>> -> memref<1x125x128xf32, #tpu.memory_space<vmem>>
        %dma_wait3A_121 = tpu.memref_squeeze %dma_wait3A_120 : memref<1x125x128xf32, #tpu.memory_space<vmem>> -> memref<125x128xf32, #tpu.memory_space<vmem>>
        %dma_wait3A_122 = arith.constant 0 : i32
        %dma_wait3A_123 = tpu.memref_slice %arg6[%scan3A_90, %run_scoped3A_92, %dma_wait3A_122] : memref<20x1x125xi32, #tpu.memory_space<vmem>> -> memref<1x1x125xi32, #tpu.memory_space<vmem>>
        %dma_wait3A_124 = tpu.memref_squeeze %dma_wait3A_123 : memref<1x1x125xi32, #tpu.memory_space<vmem>> -> memref<125xi32, #tpu.memory_space<vmem>>
        %dma_wait3A_125 = arith.constant 0 : i32
        %dma_wait3A_126 = arith.constant 0 : i32
        %dma_wait3A_127 = tpu.memref_slice %arg2[%dma_wait3A_125, %dma_wait3A_126] : memref<10000x128xf32, #tpu.memory_space<hbm>> -> memref<10000x128xf32, #tpu.memory_space<hbm>>
        tpu.wait_indirect_dma semaphore(%run_scoped3A_107 : memref<!tpu.dma_semaphore, #tpu.memory_space<semaphore_mem>>) src(%dma_wait3A_127 : memref<10000x128xf32, #tpu.memory_space<hbm>>) dst(%dma_wait3A_121 : memref<125x128xf32, #tpu.memory_space<vmem>>)
        tpu.yield
      }) : () -> ()
      %gt3A = arith.constant 0 : i32
      %gt3A_93 = arith.cmpi sgt, %scan3A_90, %gt3A : i32
      %convert_element_type3A_94 = arith.extui %gt3A_93 : i1 to i32
      %cond3A_95 = arith.constant 0 : i32
      %cond3A_96 = arith.cmpi ne, %convert_element_type3A_94, %cond3A_95 : i32
      scf.if %cond3A_96 {
        %sub3A = arith.constant 1 : i32
        %sub3A_107 = arith.subi %sub3A, %rem3A_91 : i32
        %sub3A_108 = arith.constant 1 : i32
        %sub3A_109 = arith.subi %scan3A_90, %sub3A_108 : i32
        %dma_wait3A_110 = arith.constant 0 : i32
        %dma_wait3A_111 = arith.constant 0 : i32
        %dma_wait3A_112 = arith.constant 0 : i32
        %dma_wait3A_113 = tpu.memref_slice %arg8[%sub3A_107, %dma_wait3A_111, %dma_wait3A_112] : memref<2x125x128xf32, #tpu.memory_space<vmem>> -> memref<1x125x128xf32, #tpu.memory_space<vmem>>
        %dma_wait3A_114 = tpu.memref_squeeze %dma_wait3A_113 : memref<1x125x128xf32, #tpu.memory_space<vmem>> -> memref<125x128xf32, #tpu.memory_space<vmem>>
        %dma_wait3A_115 = arith.constant 0 : i32
        %dma_wait3A_116 = tpu.memref_slice %arg7[%sub3A_109, %dma_wait3A_110, %dma_wait3A_115] : memref<20x1x125xi32, #tpu.memory_space<vmem>> -> memref<1x1x125xi32, #tpu.memory_space<vmem>>
        %dma_wait3A_117 = tpu.memref_squeeze %dma_wait3A_116 : memref<1x1x125xi32, #tpu.memory_space<vmem>> -> memref<125xi32, #tpu.memory_space<vmem>>
        %dma_wait3A_118 = arith.constant 0 : i32
        %dma_wait3A_119 = arith.constant 0 : i32
        %dma_wait3A_120 = tpu.memref_slice %arg9[%dma_wait3A_118, %dma_wait3A_119] : memref<10000x128xf32, #tpu.memory_space<vmem_shared>> -> memref<10000x128xf32, #tpu.memory_space<vmem_shared>>
        tpu.wait_indirect_dma semaphore(%arg10 : memref<!tpu.dma_semaphore, #tpu.memory_space<semaphore_mem>>) src(%dma_wait3A_114 : memref<125x128xf32, #tpu.memory_space<vmem>>) dst(%dma_wait3A_120 : memref<10000x128xf32, #tpu.memory_space<vmem_shared>>)
      } else {
      }
      %dma_start3A = arith.constant 0 : i32
      %dma_start3A_97 = arith.constant 0 : i32
      %dma_start3A_98 = arith.constant 0 : i32
      %dma_start3A_99 = tpu.memref_slice %arg8[%rem3A_91, %dma_start3A_97, %dma_start3A_98] : memref<2x125x128xf32, #tpu.memory_space<vmem>> -> memref<1x125x128xf32, #tpu.memory_space<vmem>>
      %dma_start3A_100 = tpu.memref_squeeze %dma_start3A_99 : memref<1x125x128xf32, #tpu.memory_space<vmem>> -> memref<125x128xf32, #tpu.memory_space<vmem>>
      %dma_start3A_101 = arith.constant 0 : i32
      %dma_start3A_102 = tpu.memref_slice %arg7[%scan3A_90, %dma_start3A, %dma_start3A_101] : memref<20x1x125xi32, #tpu.memory_space<vmem>> -> memref<1x1x125xi32, #tpu.memory_space<vmem>>
      %dma_start3A_103 = tpu.memref_squeeze %dma_start3A_102 : memref<1x1x125xi32, #tpu.memory_space<vmem>> -> memref<125xi32, #tpu.memory_space<vmem>>
      %dma_start3A_104 = arith.constant 0 : i32
      %dma_start3A_105 = arith.constant 0 : i32
      %dma_start3A_106 = tpu.memref_slice %arg9[%dma_start3A_104, %dma_start3A_105] : memref<10000x128xf32, #tpu.memory_space<vmem_shared>> -> memref<10000x128xf32, #tpu.memory_space<vmem_shared>>
      tpu.enqueue_indirect_dma source(%dma_start3A_100 : memref<125x128xf32, #tpu.memory_space<vmem>>) target(%dma_start3A_106 : memref<10000x128xf32, #tpu.memory_space<vmem_shared>>) offsets(%dma_start3A_103 : memref<125xi32, #tpu.memory_space<vmem>>) semaphore(%arg10 : memref<!tpu.dma_semaphore, #tpu.memory_space<semaphore_mem>>) {add = true}
    }
    %scan3A_70 = arith.constant 20 : i32
    %dma_wait3A_71 = arith.constant 1 : i32
    %dma_wait3A_72 = arith.constant 19 : i32
    %dma_wait3A_73 = arith.constant 0 : i32
    %dma_wait3A_74 = arith.constant 0 : i32
    %dma_wait3A_75 = arith.constant 0 : i32
    %dma_wait3A_76 = tpu.memref_slice %arg8[%dma_wait3A_71, %dma_wait3A_74, %dma_wait3A_75] : memref<2x125x128xf32, #tpu.memory_space<vmem>> -> memref<1x125x128xf32, #tpu.memory_space<vmem>>
    %dma_wait3A_77 = tpu.memref_squeeze %dma_wait3A_76 : memref<1x125x128xf32, #tpu.memory_space<vmem>> -> memref<125x128xf32, #tpu.memory_space<vmem>>
    %dma_wait3A_78 = arith.constant 0 : i32
    %dma_wait3A_79 = tpu.memref_slice %arg7[%dma_wait3A_72, %dma_wait3A_73, %dma_wait3A_78] : memref<20x1x125xi32, #tpu.memory_space<vmem>> -> memref<1x1x125xi32, #tpu.memory_space<vmem>>
    %dma_wait3A_80 = tpu.memref_squeeze %dma_wait3A_79 : memref<1x1x125xi32, #tpu.memory_space<vmem>> -> memref<125xi32, #tpu.memory_space<vmem>>
    %dma_wait3A_81 = arith.constant 0 : i32
    %dma_wait3A_82 = arith.constant 0 : i32
    %dma_wait3A_83 = tpu.memref_slice %arg9[%dma_wait3A_81, %dma_wait3A_82] : memref<10000x128xf32, #tpu.memory_space<vmem_shared>> -> memref<10000x128xf32, #tpu.memory_space<vmem_shared>>
    tpu.wait_indirect_dma semaphore(%arg10 : memref<!tpu.dma_semaphore, #tpu.memory_space<semaphore_mem>>) src(%dma_wait3A_77 : memref<125x128xf32, #tpu.memory_space<vmem>>) dst(%dma_wait3A_83 : memref<10000x128xf32, #tpu.memory_space<vmem_shared>>)
    %barrier3A_84 = arith.constant 0 : index
    tpu.barrier barrier_id(%barrier3A_84)
    %lt3A_85 = arith.constant 10 : i32
    %lt3A_86 = arith.cmpi slt, %arg1, %lt3A_85 : i32
    %convert_element_type3A_87 = arith.extui %lt3A_86 : i1 to i32
    %cond3A_88 = arith.constant 0 : i32
    %cond3A_89 = arith.cmpi ne, %convert_element_type3A_87, %cond3A_88 : i32
    scf.if %cond3A_89 {
      %mul3A_90 = arith.constant 1000 : i32
      %mul3A_91 = arith.muli %arg1, %mul3A_90 : i32
      %mul3A_92 = arith.constant 1000 : i32
      %mul3A_93 = arith.muli %arg1, %mul3A_92 : i32
      "tpu.region"() ({
        %run_scoped3A_94 = tpu.sem_alloc : memref<!tpu.dma_semaphore, #tpu.memory_space<semaphore_mem>>
        %dma_start3A = arith.constant 0 : i32
        %dma_start3A_95 = arith.constant 0 : i32
        %dma_start3A_96 = tpu.memref_slice %arg5[%arg0, %dma_start3A, %dma_start3A_95] : memref<2x10000x128xf32, #tpu.memory_space<hbm>> -> memref<1x10000x128xf32, #tpu.memory_space<hbm>>
        %dma_start3A_97 = tpu.memref_squeeze %dma_start3A_96 : memref<1x10000x128xf32, #tpu.memory_space<hbm>> -> memref<10000x128xf32, #tpu.memory_space<hbm>>
        %dma_start3A_98 = arith.constant 0 : i32
        %dma_start3A_99 = tpu.memref_slice %dma_start3A_97[%mul3A_93, %dma_start3A_98] : memref<10000x128xf32, #tpu.memory_space<hbm>> -> memref<1000x128xf32, #tpu.memory_space<hbm>>
        %dma_start3A_100 = arith.constant 0 : i32
        %dma_start3A_101 = tpu.memref_slice %arg9[%mul3A_91, %dma_start3A_100] : memref<10000x128xf32, #tpu.memory_space<vmem_shared>> -> memref<1000x128xf32, #tpu.memory_space<vmem_shared>>
        tpu.enqueue_dma source(%dma_start3A_101 : memref<1000x128xf32, #tpu.memory_space<vmem_shared>>) target(%dma_start3A_99 : memref<1000x128xf32, #tpu.memory_space<hbm>>) target_semaphore(%run_scoped3A_94 : memref<!tpu.dma_semaphore, #tpu.memory_space<semaphore_mem>>)
        %dma_wait3A_102 = arith.constant 0 : i32
        %dma_wait3A_103 = arith.constant 0 : i32
        %dma_wait3A_104 = tpu.memref_slice %arg5[%arg0, %dma_wait3A_102, %dma_wait3A_103] : memref<2x10000x128xf32, #tpu.memory_space<hbm>> -> memref<1x10000x128xf32, #tpu.memory_space<hbm>>
        %dma_wait3A_105 = tpu.memref_squeeze %dma_wait3A_104 : memref<1x10000x128xf32, #tpu.memory_space<hbm>> -> memref<10000x128xf32, #tpu.memory_space<hbm>>
        %dma_wait3A_106 = arith.constant 0 : i32
        %dma_wait3A_107 = tpu.memref_slice %dma_wait3A_105[%mul3A_93, %dma_wait3A_106] : memref<10000x128xf32, #tpu.memory_space<hbm>> -> memref<1000x128xf32, #tpu.memory_space<hbm>>
        %dma_wait3A_108 = arith.constant 0 : i32
        %dma_wait3A_109 = tpu.memref_slice %arg9[%mul3A_91, %dma_wait3A_108] : memref<10000x128xf32, #tpu.memory_space<vmem_shared>> -> memref<1000x128xf32, #tpu.memory_space<vmem_shared>>
        tpu.wait_dma2 semaphore(%run_scoped3A_94 : memref<!tpu.dma_semaphore, #tpu.memory_space<semaphore_mem>>) src(%dma_wait3A_109 : memref<1000x128xf32, #tpu.memory_space<vmem_shared>>) dst(%dma_wait3A_107 : memref<1000x128xf32, #tpu.memory_space<hbm>>)
        tpu.yield
      }) : () -> ()
    } else {
    }
    return
  }
}

module attributes {stable_mosaic.version = 14 : i64} {
  func.func @_mm1_body(%arg0: i32, %arg1: memref<2000x128xf32, #tpu.memory_space<vmem>>, %arg2: memref<128x128xf32, #tpu.memory_space<vmem>>, %arg3: memref<2000x128xf32, #tpu.memory_space<vmem>>, %arg4: memref<1x128xf32, #tpu.memory_space<vmem>>) attributes {dimension_semantics = [#tpu.dimension_semantics<arbitrary>], iteration_bounds = array<i64: 5>, scalar_prefetch = 0 : i64, scratch_operands = 0 : i64, tpu.core_type = #tpu.core_type<tc>, window_params = [{transform_indices = @transform_0, window_bounds = array<i64: 2000, 128>}, {pipeline_mode = #tpu.pipeline_mode<synchronous>, transform_indices = @transform_1, window_bounds = array<i64: 128, 128>}, {transform_indices = @transform_2, window_bounds = array<i64: 2000, 128>}, {pipeline_mode = #tpu.pipeline_mode<synchronous>, transform_indices = @transform_3, window_bounds = array<i64: 1, 128>}]} {
    %get3A = arith.constant 0 : index
    %get3A_0 = arith.constant 0 : index
    %get3A_1 = vector.load %arg1[%get3A, %get3A_0] : memref<2000x128xf32, #tpu.memory_space<vmem>>, vector<2000x128xf32>
    %eq3A = arith.constant 0 : i32
    %eq3A_2 = arith.cmpi eq, %arg0, %eq3A : i32
    %convert_element_type3A = arith.extui %eq3A_2 : i1 to i32
    %cond3A = arith.constant 0 : i32
    %cond3A_3 = arith.cmpi ne, %convert_element_type3A, %cond3A : i32
    scf.if %cond3A_3 {
      %broadcast_in_dim3A_17 = arith.constant 0.000000e+00 : f32
      %broadcast_in_dim3A_18 = vector.broadcast %broadcast_in_dim3A_17 : f32 to vector<1x128xf32>
      %swap3A_19 = arith.constant 0 : index
      %swap3A_20 = arith.constant 0 : index
      %swap3A_21 = vector.load %arg4[%swap3A_19, %swap3A_20] : memref<1x128xf32, #tpu.memory_space<vmem>>, vector<1x128xf32>
      tpu.vector_store %arg4[%swap3A_19, %swap3A_20], %broadcast_in_dim3A_18 {strides = array<i32>} : memref<1x128xf32, #tpu.memory_space<vmem>>, vector<1x128xf32>,
    } else {
    }
    %get3A_4 = arith.constant 0 : index
    %get3A_5 = arith.constant 0 : index
    %get3A_6 = vector.load %arg4[%get3A_4, %get3A_5] : memref<1x128xf32, #tpu.memory_space<vmem>>, vector<1x128xf32>
    %reduce_sum3A = arith.constant dense<0.000000e+00> : vector<128xf32>
    %reduce_sum3A_7 = vector.multi_reduction <add>, %get3A_1, %reduce_sum3A [0] : vector<2000x128xf32> to vector<128xf32>
    %broadcast_in_dim3A = vector.shape_cast %reduce_sum3A_7 : vector<128xf32> to vector<1x128xf32>
    %add3A = arith.addf %get3A_6, %broadcast_in_dim3A : vector<1x128xf32>
    %swap3A = arith.constant 0 : index
    %swap3A_8 = arith.constant 0 : index
    %swap3A_9 = vector.load %arg4[%swap3A, %swap3A_8] : memref<1x128xf32, #tpu.memory_space<vmem>>, vector<1x128xf32>
    tpu.vector_store %arg4[%swap3A, %swap3A_8], %add3A {strides = array<i32>} : memref<1x128xf32, #tpu.memory_space<vmem>>, vector<1x128xf32>,
    %get3A_10 = arith.constant 0 : index
    %get3A_11 = arith.constant 0 : index
    %get3A_12 = vector.load %arg2[%get3A_10, %get3A_11] : memref<128x128xf32, #tpu.memory_space<vmem>>, vector<128x128xf32>
    %dot_general3A = arith.constant dense<0.000000e+00> : vector<2000x128xf32>
    %dot_general3A_13 = tpu.matmul %get3A_1, %get3A_12, %dot_general3A {dimension_numbers = #tpu.dot_dimension_numbers<[1], [0], [0], [1], [0, 0, 1, 1], [], []>, precision = #tpu.contract_precision<fp32>, transpose_lhs_hint = false} : vector<2000x128xf32>, vector<128x128xf32>, vector<2000x128xf32> -> vector<2000x128xf32>
    %swap3A_14 = arith.constant 0 : index
    %swap3A_15 = arith.constant 0 : index
    %swap3A_16 = vector.load %arg3[%swap3A_14, %swap3A_15] : memref<2000x128xf32, #tpu.memory_space<vmem>>, vector<2000x128xf32>
    tpu.vector_store %arg3[%swap3A_14, %swap3A_15], %dot_general3A_13 {strides = array<i32>} : memref<2000x128xf32, #tpu.memory_space<vmem>>, vector<2000x128xf32>,
    return
  }
  func.func @transform_0(%arg0: i32) -> (i32, i32) {
    %c0_i32 = arith.constant 0 : i32
    %c0_i32_0 = arith.constant 0 : i32
    return %arg0, %c0_i32 : i32, i32
  }
  func.func @transform_1(%arg0: i32) -> (i32, i32) {
    %c0_i32 = arith.constant 0 : i32
    %c0_i32_0 = arith.constant 0 : i32
    %c0_i32_1 = arith.constant 0 : i32
    return %c0_i32, %c0_i32_0 : i32, i32
  }
  func.func @transform_2(%arg0: i32) -> (i32, i32) {
    %c0_i32 = arith.constant 0 : i32
    %c0_i32_0 = arith.constant 0 : i32
    return %arg0, %c0_i32 : i32, i32
  }
  func.func @transform_3(%arg0: i32) -> (i32, i32) {
    %c0_i32 = arith.constant 0 : i32
    %c0_i32_0 = arith.constant 0 : i32
    %c0_i32_1 = arith.constant 0 : i32
    return %c0_i32, %c0_i32_0 : i32, i32
  }
}

module attributes {stable_mosaic.version = 14 : i64} {
  func.func @_scale_body(%arg0: i32, %arg1: memref<2000x128xf32, #tpu.memory_space<vmem>>, %arg2: memref<1x2000x8xf32, #tpu.memory_space<vmem>>, %arg3: memref<2000x128xf32, #tpu.memory_space<vmem>>) attributes {dimension_semantics = [#tpu.dimension_semantics<arbitrary>], iteration_bounds = array<i64: 5>, scalar_prefetch = 0 : i64, scratch_operands = 0 : i64, tpu.core_type = #tpu.core_type<tc>, window_params = [{transform_indices = @transform_0, window_bounds = array<i64: 2000, 128>}, {transform_indices = @transform_1, window_bounds = array<i64: 1, 2000, 8>}, {transform_indices = @transform_2, window_bounds = array<i64: 2000, 128>}]} {
    %get3A = arith.constant 0 : index
    %get3A_0 = arith.constant 0 : index
    %get3A_1 = arith.constant 0 : index
    %get3A_2 = vector.load %arg2[%get3A, %get3A_0, %get3A_1] : memref<1x2000x8xf32, #tpu.memory_space<vmem>>, vector<1x2000x8xf32>
    %get3A_3 = vector.shape_cast %get3A_2 : vector<1x2000x8xf32> to vector<2000x8xf32>
    %reduce_sum3A = arith.constant dense<0.000000e+00> : vector<2000xf32>
    %reduce_sum3A_4 = vector.multi_reduction <add>, %get3A_3, %reduce_sum3A [1] : vector<2000x8xf32> to vector<2000xf32>
    %broadcast_in_dim3A = vector.shape_cast %reduce_sum3A_4 : vector<2000xf32> to vector<2000x1xf32>
    %gt3A = arith.constant 0.000000e+00 : f32
    %gt3A_5 = vector.broadcast %gt3A : f32 to vector<2000x1xf32>
    %gt3A_6 = arith.cmpf ogt, %broadcast_in_dim3A, %gt3A_5 : vector<2000x1xf32>
    %max3A = arith.constant 1.000000e+00 : f32
    %max3A_7 = vector.broadcast %max3A : f32 to vector<2000x1xf32>
    %max3A_8 = arith.maximumf %broadcast_in_dim3A, %max3A_7 : vector<2000x1xf32>
    %rsqrt3A = math.rsqrt %max3A_8 : vector<2000x1xf32>
    %jit3A = arith.constant 0.000000e+00 : f32
    %broadcast_in_dim3A_9 = vector.broadcast %jit3A : f32 to vector<2000x1xf32>
    %select_n3A = arith.select %gt3A_6, %rsqrt3A, %broadcast_in_dim3A_9 : vector<2000x1xi1>, vector<2000x1xf32>
    %get3A_10 = arith.constant 0 : index
    %get3A_11 = arith.constant 0 : index
    %get3A_12 = vector.load %arg1[%get3A_10, %get3A_11] : memref<2000x128xf32, #tpu.memory_space<vmem>>, vector<2000x128xf32>
    %mul3A = vector.broadcast %select_n3A : vector<2000x1xf32> to vector<2000x128xf32>
    %mul3A_13 = arith.mulf %get3A_12, %mul3A : vector<2000x128xf32>
    %swap3A = arith.constant 0 : index
    %swap3A_14 = arith.constant 0 : index
    %swap3A_15 = vector.load %arg3[%swap3A, %swap3A_14] : memref<2000x128xf32, #tpu.memory_space<vmem>>, vector<2000x128xf32>
    tpu.vector_store %arg3[%swap3A, %swap3A_14], %mul3A_13 {strides = array<i32>} : memref<2000x128xf32, #tpu.memory_space<vmem>>, vector<2000x128xf32>,
    return
  }
  func.func @transform_0(%arg0: i32) -> (i32, i32) {
    %c0_i32 = arith.constant 0 : i32
    %c0_i32_0 = arith.constant 0 : i32
    return %arg0, %c0_i32 : i32, i32
  }
  func.func @transform_1(%arg0: i32) -> (i32, i32, i32) {
    %c0_i32 = arith.constant 0 : i32
    %c0_i32_0 = arith.constant 0 : i32
    %c0_i32_1 = arith.constant 0 : i32
    return %c0_i32, %arg0, %c0_i32_0 : i32, i32, i32
  }
  func.func @transform_2(%arg0: i32) -> (i32, i32) {
    %c0_i32 = arith.constant 0 : i32
    %c0_i32_0 = arith.constant 0 : i32
    return %arg0, %c0_i32 : i32, i32
  }
}

module attributes {stable_mosaic.version = 14 : i64} {
  func.func @_l2_body(%arg0: i32, %arg1: memref<2x2000x128xf32, #tpu.memory_space<vmem>>, %arg2: memref<1x2000x8xf32, #tpu.memory_space<vmem>>, %arg3: memref<1x128xf32, #tpu.memory_space<vmem>>, %arg4: memref<1x128xf32, #tpu.memory_space<vmem>>, %arg5: memref<1x128xf32, #tpu.memory_space<vmem>>, %arg6: memref<1x2000x8xf32, #tpu.memory_space<vmem>>, %arg7: memref<128x128xf32, #tpu.memory_space<vmem>>, %arg8: memref<2000x128xf32, #tpu.memory_space<vmem>>, %arg9: memref<1x128xf32, #tpu.memory_space<vmem>>, %arg10: memref<1x128xf32, #tpu.memory_space<vmem>>, %arg11: memref<1x128xf32, #tpu.memory_space<vmem>>, %arg12: memref<10000x128xf32, #tpu.memory_space<vmem>>) attributes {dimension_semantics = [#tpu.dimension_semantics<arbitrary>], iteration_bounds = array<i64: 10>, scalar_prefetch = 0 : i64, scratch_operands = 3 : i64, tpu.core_type = #tpu.core_type<tc>, window_params = [{transform_indices = @transform_0, window_bounds = array<i64: 2, 2000, 128>}, {transform_indices = @transform_1, window_bounds = array<i64: 1, 2000, 8>}, {pipeline_mode = #tpu.pipeline_mode<synchronous>, transform_indices = @transform_2, window_bounds = array<i64: 1, 128>}, {pipeline_mode = #tpu.pipeline_mode<synchronous>, transform_indices = @transform_3, window_bounds = array<i64: 1, 128>}, {pipeline_mode = #tpu.pipeline_mode<synchronous>, transform_indices = @transform_4, window_bounds = array<i64: 1, 128>}, {transform_indices = @transform_5, window_bounds = array<i64: 1, 2000, 8>}, {pipeline_mode = #tpu.pipeline_mode<synchronous>, transform_indices = @transform_6, window_bounds = array<i64: 128, 128>}, {transform_indices = @transform_7, window_bounds = array<i64: 2000, 128>}, {pipeline_mode = #tpu.pipeline_mode<synchronous>, transform_indices = @transform_8, window_bounds = array<i64: 1, 128>}]} {
    %eq3A = arith.constant 0 : i32
    %eq3A_0 = arith.cmpi eq, %arg0, %eq3A : i32
    %convert_element_type3A = arith.extui %eq3A_0 : i1 to i32
    %cond3A = arith.constant 0 : i32
    %cond3A_1 = arith.cmpi ne, %convert_element_type3A, %cond3A : i32
    scf.if %cond3A_1 {
      %broadcast_in_dim3A = arith.constant 0.000000e+00 : f32
      %broadcast_in_dim3A_10 = vector.broadcast %broadcast_in_dim3A : f32 to vector<1x128xf32>
      %swap3A = arith.constant 0 : index
      %swap3A_11 = arith.constant 0 : index
      %swap3A_12 = vector.load %arg10[%swap3A, %swap3A_11] : memref<1x128xf32, #tpu.memory_space<vmem>>, vector<1x128xf32>
      tpu.vector_store %arg10[%swap3A, %swap3A_11], %broadcast_in_dim3A_10 {strides = array<i32>} : memref<1x128xf32, #tpu.memory_space<vmem>>, vector<1x128xf32>,
      %broadcast_in_dim3A_13 = arith.constant 0.000000e+00 : f32
      %broadcast_in_dim3A_14 = vector.broadcast %broadcast_in_dim3A_13 : f32 to vector<1x128xf32>
      %swap3A_15 = arith.constant 0 : index
      %swap3A_16 = arith.constant 0 : index
      %swap3A_17 = vector.load %arg11[%swap3A_15, %swap3A_16] : memref<1x128xf32, #tpu.memory_space<vmem>>, vector<1x128xf32>
      tpu.vector_store %arg11[%swap3A_15, %swap3A_16], %broadcast_in_dim3A_14 {strides = array<i32>} : memref<1x128xf32, #tpu.memory_space<vmem>>, vector<1x128xf32>,
      %broadcast_in_dim3A_18 = arith.constant 0.000000e+00 : f32
      %broadcast_in_dim3A_19 = vector.broadcast %broadcast_in_dim3A_18 : f32 to vector<1x128xf32>
      %swap3A_20 = arith.constant 0 : index
      %swap3A_21 = arith.constant 0 : index
      %swap3A_22 = vector.load %arg9[%swap3A_20, %swap3A_21] : memref<1x128xf32, #tpu.memory_space<vmem>>, vector<1x128xf32>
      tpu.vector_store %arg9[%swap3A_20, %swap3A_21], %broadcast_in_dim3A_19 {strides = array<i32>} : memref<1x128xf32, #tpu.memory_space<vmem>>, vector<1x128xf32>,
    } else {
    }
    %lt3A = arith.constant 5 : i32
    %lt3A_2 = arith.cmpi slt, %arg0, %lt3A : i32
    %convert_element_type3A_3 = arith.extui %lt3A_2 : i1 to i32
    %cond3A_4 = arith.constant 0 : i32
    %cond3A_5 = arith.cmpi ne, %convert_element_type3A_3, %cond3A_4 : i32
    scf.if %cond3A_5 {
      %get3A = arith.constant 0 : index
      %get3A_10 = arith.constant 0 : index
      %get3A_11 = arith.constant 0 : index
      %get3A_12 = vector.load %arg1[%get3A, %get3A_10, %get3A_11] : memref<2x2000x128xf32, #tpu.memory_space<vmem>>, vector<1x2000x128xf32>
      %get3A_13 = vector.shape_cast %get3A_12 : vector<1x2000x128xf32> to vector<2000x128xf32>
      %get3A_14 = arith.constant 1 : index
      %get3A_15 = arith.constant 0 : index
      %get3A_16 = arith.constant 0 : index
      %get3A_17 = vector.load %arg1[%get3A_14, %get3A_15, %get3A_16] : memref<2x2000x128xf32, #tpu.memory_space<vmem>>, vector<1x2000x128xf32>
      %get3A_18 = vector.shape_cast %get3A_17 : vector<1x2000x128xf32> to vector<2000x128xf32>
      %add3A = arith.addf %get3A_13, %get3A_18 : vector<2000x128xf32>
      %get3A_19 = arith.constant 0 : index
      %get3A_20 = arith.constant 0 : index
      %get3A_21 = arith.constant 0 : index
      %get3A_22 = vector.load %arg2[%get3A_19, %get3A_20, %get3A_21] : memref<1x2000x8xf32, #tpu.memory_space<vmem>>, vector<1x2000x8xf32>
      %get3A_23 = vector.shape_cast %get3A_22 : vector<1x2000x8xf32> to vector<2000x8xf32>
      %reduce_sum3A = arith.constant dense<0.000000e+00> : vector<2000xf32>
      %reduce_sum3A_24 = vector.multi_reduction <add>, %get3A_23, %reduce_sum3A [1] : vector<2000x8xf32> to vector<2000xf32>
      %broadcast_in_dim3A = vector.shape_cast %reduce_sum3A_24 : vector<2000xf32> to vector<2000x1xf32>
      %gt3A = arith.constant 0.000000e+00 : f32
      %gt3A_25 = vector.broadcast %gt3A : f32 to vector<2000x1xf32>
      %gt3A_26 = arith.cmpf ogt, %broadcast_in_dim3A, %gt3A_25 : vector<2000x1xf32>
      %max3A = arith.constant 1.000000e+00 : f32
      %max3A_27 = vector.broadcast %max3A : f32 to vector<2000x1xf32>
      %max3A_28 = arith.maximumf %broadcast_in_dim3A, %max3A_27 : vector<2000x1xf32>
      %rsqrt3A = math.rsqrt %max3A_28 : vector<2000x1xf32>
      %jit3A = arith.constant 0.000000e+00 : f32
      %broadcast_in_dim3A_29 = vector.broadcast %jit3A : f32 to vector<2000x1xf32>
      %select_n3A = arith.select %gt3A_26, %rsqrt3A, %broadcast_in_dim3A_29 : vector<2000x1xi1>, vector<2000x1xf32>
      %mul3A = vector.broadcast %select_n3A : vector<2000x1xf32> to vector<2000x128xf32>
      %mul3A_30 = arith.mulf %add3A, %mul3A : vector<2000x128xf32>
      %get3A_31 = arith.constant 0 : index
      %get3A_32 = arith.constant 0 : index
      %get3A_33 = vector.load %arg3[%get3A_31, %get3A_32] : memref<1x128xf32, #tpu.memory_space<vmem>>, vector<1x128xf32>
      %add3A_34 = vector.broadcast %get3A_33 : vector<1x128xf32> to vector<2000x128xf32>
      %add3A_35 = arith.addf %mul3A_30, %add3A_34 : vector<2000x128xf32>
      %rem3A = arith.constant 5 : i32
      %rem3A_36 = arith.remsi %arg0, %rem3A : i32
      %mul3A_37 = arith.constant 2000 : i32
      %mul3A_38 = arith.muli %rem3A_36, %mul3A_37 : i32
      %swap3A = arith.index_cast %mul3A_38 : i32 to index
      %swap3A_39 = arith.constant 0 : index
      %swap3A_40 = vector.load %arg12[%swap3A, %swap3A_39] : memref<10000x128xf32, #tpu.memory_space<vmem>>, vector<2000x128xf32>
      tpu.vector_store %arg12[%swap3A, %swap3A_39], %add3A_35 {strides = array<i32>} : memref<10000x128xf32, #tpu.memory_space<vmem>>, vector<2000x128xf32>,
      %get3A_41 = arith.constant 0 : index
      %get3A_42 = arith.constant 0 : index
      %get3A_43 = vector.load %arg10[%get3A_41, %get3A_42] : memref<1x128xf32, #tpu.memory_space<vmem>>, vector<1x128xf32>
      %reduce_sum3A_44 = arith.constant dense<0.000000e+00> : vector<128xf32>
      %reduce_sum3A_45 = vector.multi_reduction <add>, %add3A_35, %reduce_sum3A_44 [0] : vector<2000x128xf32> to vector<128xf32>
      %broadcast_in_dim3A_46 = vector.shape_cast %reduce_sum3A_45 : vector<128xf32> to vector<1x128xf32>
      %add3A_47 = arith.addf %get3A_43, %broadcast_in_dim3A_46 : vector<1x128xf32>
      %swap3A_48 = arith.constant 0 : index
      %swap3A_49 = arith.constant 0 : index
      %swap3A_50 = vector.load %arg10[%swap3A_48, %swap3A_49] : memref<1x128xf32, #tpu.memory_space<vmem>>, vector<1x128xf32>
      tpu.vector_store %arg10[%swap3A_48, %swap3A_49], %add3A_47 {strides = array<i32>} : memref<1x128xf32, #tpu.memory_space<vmem>>, vector<1x128xf32>,
      %get3A_51 = arith.constant 0 : index
      %get3A_52 = arith.constant 0 : index
      %get3A_53 = vector.load %arg11[%get3A_51, %get3A_52] : memref<1x128xf32, #tpu.memory_space<vmem>>, vector<1x128xf32>
      %mul3A_54 = arith.mulf %add3A_35, %add3A_35 : vector<2000x128xf32>
      %reduce_sum3A_55 = arith.constant dense<0.000000e+00> : vector<128xf32>
      %reduce_sum3A_56 = vector.multi_reduction <add>, %mul3A_54, %reduce_sum3A_55 [0] : vector<2000x128xf32> to vector<128xf32>
      %broadcast_in_dim3A_57 = vector.shape_cast %reduce_sum3A_56 : vector<128xf32> to vector<1x128xf32>
      %add3A_58 = arith.addf %get3A_53, %broadcast_in_dim3A_57 : vector<1x128xf32>
      %swap3A_59 = arith.constant 0 : index
      %swap3A_60 = arith.constant 0 : index
      %swap3A_61 = vector.load %arg11[%swap3A_59, %swap3A_60] : memref<1x128xf32, #tpu.memory_space<vmem>>, vector<1x128xf32>
      tpu.vector_store %arg11[%swap3A_59, %swap3A_60], %add3A_58 {strides = array<i32>} : memref<1x128xf32, #tpu.memory_space<vmem>>, vector<1x128xf32>,
    } else {
    }
    %ge3A = arith.constant 5 : i32
    %ge3A_6 = arith.cmpi sge, %arg0, %ge3A : i32
    %convert_element_type3A_7 = arith.extui %ge3A_6 : i1 to i32
    %cond3A_8 = arith.constant 0 : i32
    %cond3A_9 = arith.cmpi ne, %convert_element_type3A_7, %cond3A_8 : i32
    scf.if %cond3A_9 {
      %rem3A = arith.constant 5 : i32
      %rem3A_10 = arith.remsi %arg0, %rem3A : i32
      %mul3A = arith.constant 2000 : i32
      %mul3A_11 = arith.muli %rem3A_10, %mul3A : i32
      %get3A = arith.index_cast %mul3A_11 : i32 to index
      %get3A_12 = arith.constant 0 : index
      %get3A_13 = vector.load %arg12[%get3A, %get3A_12] : memref<10000x128xf32, #tpu.memory_space<vmem>>, vector<2000x128xf32>
      %get3A_14 = arith.constant 0 : index
      %get3A_15 = arith.constant 0 : index
      %get3A_16 = vector.load %arg10[%get3A_14, %get3A_15] : memref<1x128xf32, #tpu.memory_space<vmem>>, vector<1x128xf32>
      %get3A_17 = arith.constant 0 : index
      %get3A_18 = arith.constant 0 : index
      %get3A_19 = vector.load %arg11[%get3A_17, %get3A_18] : memref<1x128xf32, #tpu.memory_space<vmem>>, vector<1x128xf32>
      %get3A_20 = arith.constant 0 : index
      %get3A_21 = arith.constant 0 : index
      %get3A_22 = vector.load %arg4[%get3A_20, %get3A_21] : memref<1x128xf32, #tpu.memory_space<vmem>>, vector<1x128xf32>
      %get3A_23 = arith.constant 0 : index
      %get3A_24 = arith.constant 0 : index
      %get3A_25 = vector.load %arg5[%get3A_23, %get3A_24] : memref<1x128xf32, #tpu.memory_space<vmem>>, vector<1x128xf32>
      %mul3A_26 = arith.constant 9.99999974E-5 : f32
      %mul3A_27 = vector.broadcast %mul3A_26 : f32 to vector<1x128xf32>
      %mul3A_28 = arith.mulf %get3A_16, %mul3A_27 : vector<1x128xf32>
      %mul3A_29 = arith.constant 9.99999974E-5 : f32
      %mul3A_30 = vector.broadcast %mul3A_29 : f32 to vector<1x128xf32>
      %mul3A_31 = arith.mulf %get3A_19, %mul3A_30 : vector<1x128xf32>
      %mul3A_32 = arith.mulf %mul3A_28, %mul3A_28 : vector<1x128xf32>
      %sub3A = arith.subf %mul3A_31, %mul3A_32 : vector<1x128xf32>
      %max3A = arith.constant 0.000000e+00 : f32
      %max3A_33 = vector.broadcast %max3A : f32 to vector<1x128xf32>
      %max3A_34 = arith.maximumf %sub3A, %max3A_33 : vector<1x128xf32>
      %add3A = arith.constant 9.99999974E-6 : f32
      %add3A_35 = vector.broadcast %add3A : f32 to vector<1x128xf32>
      %add3A_36 = arith.addf %max3A_34, %add3A_35 : vector<1x128xf32>
      %rsqrt3A = math.rsqrt %add3A_36 : vector<1x128xf32>
      %sub3A_37 = vector.broadcast %mul3A_28 : vector<1x128xf32> to vector<2000x128xf32>
      %sub3A_38 = arith.subf %get3A_13, %sub3A_37 : vector<2000x128xf32>
      %mul3A_39 = vector.broadcast %rsqrt3A : vector<1x128xf32> to vector<2000x128xf32>
      %mul3A_40 = arith.mulf %sub3A_38, %mul3A_39 : vector<2000x128xf32>
      %mul3A_41 = vector.broadcast %get3A_22 : vector<1x128xf32> to vector<2000x128xf32>
      %mul3A_42 = arith.mulf %mul3A_40, %mul3A_41 : vector<2000x128xf32>
      %add3A_43 = vector.broadcast %get3A_25 : vector<1x128xf32> to vector<2000x128xf32>
      %add3A_44 = arith.addf %mul3A_42, %add3A_43 : vector<2000x128xf32>
      %max3A_45 = arith.constant 0.000000e+00 : f32
      %max3A_46 = vector.broadcast %max3A_45 : f32 to vector<2000x128xf32>
      %max3A_47 = arith.maximumf %add3A_44, %max3A_46 : vector<2000x128xf32>
      %get3A_48 = arith.constant 0 : index
      %get3A_49 = arith.constant 0 : index
      %get3A_50 = vector.load %arg9[%get3A_48, %get3A_49] : memref<1x128xf32, #tpu.memory_space<vmem>>, vector<1x128xf32>
      %reduce_sum3A = arith.constant dense<0.000000e+00> : vector<128xf32>
      %reduce_sum3A_51 = vector.multi_reduction <add>, %max3A_47, %reduce_sum3A [0] : vector<2000x128xf32> to vector<128xf32>
      %broadcast_in_dim3A = vector.shape_cast %reduce_sum3A_51 : vector<128xf32> to vector<1x128xf32>
      %add3A_52 = arith.addf %get3A_50, %broadcast_in_dim3A : vector<1x128xf32>
      %swap3A = arith.constant 0 : index
      %swap3A_53 = arith.constant 0 : index
      %swap3A_54 = vector.load %arg9[%swap3A, %swap3A_53] : memref<1x128xf32, #tpu.memory_space<vmem>>, vector<1x128xf32>
      tpu.vector_store %arg9[%swap3A, %swap3A_53], %add3A_52 {strides = array<i32>} : memref<1x128xf32, #tpu.memory_space<vmem>>, vector<1x128xf32>,
      %get3A_55 = arith.constant 0 : index
      %get3A_56 = arith.constant 0 : index
      %get3A_57 = arith.constant 0 : index
      %get3A_58 = vector.load %arg6[%get3A_55, %get3A_56, %get3A_57] : memref<1x2000x8xf32, #tpu.memory_space<vmem>>, vector<1x2000x8xf32>
      %get3A_59 = vector.shape_cast %get3A_58 : vector<1x2000x8xf32> to vector<2000x8xf32>
      %reduce_sum3A_60 = arith.constant dense<0.000000e+00> : vector<2000xf32>
      %reduce_sum3A_61 = vector.multi_reduction <add>, %get3A_59, %reduce_sum3A_60 [1] : vector<2000x8xf32> to vector<2000xf32>
      %broadcast_in_dim3A_62 = vector.shape_cast %reduce_sum3A_61 : vector<2000xf32> to vector<2000x1xf32>
      %gt3A = arith.constant 0.000000e+00 : f32
      %gt3A_63 = vector.broadcast %gt3A : f32 to vector<2000x1xf32>
      %gt3A_64 = arith.cmpf ogt, %broadcast_in_dim3A_62, %gt3A_63 : vector<2000x1xf32>
      %max3A_65 = arith.constant 1.000000e+00 : f32
      %max3A_66 = vector.broadcast %max3A_65 : f32 to vector<2000x1xf32>
      %max3A_67 = arith.maximumf %broadcast_in_dim3A_62, %max3A_66 : vector<2000x1xf32>
      %rsqrt3A_68 = math.rsqrt %max3A_67 : vector<2000x1xf32>
      %jit3A = arith.constant 0.000000e+00 : f32
      %broadcast_in_dim3A_69 = vector.broadcast %jit3A : f32 to vector<2000x1xf32>
      %select_n3A = arith.select %gt3A_64, %rsqrt3A_68, %broadcast_in_dim3A_69 : vector<2000x1xi1>, vector<2000x1xf32>
      %mul3A_70 = vector.broadcast %select_n3A : vector<2000x1xf32> to vector<2000x128xf32>
      %mul3A_71 = arith.mulf %max3A_47, %mul3A_70 : vector<2000x128xf32>
      %get3A_72 = arith.constant 0 : index
      %get3A_73 = arith.constant 0 : index
      %get3A_74 = vector.load %arg7[%get3A_72, %get3A_73] : memref<128x128xf32, #tpu.memory_space<vmem>>, vector<128x128xf32>
      %dot_general3A = arith.constant dense<0.000000e+00> : vector<2000x128xf32>
      %dot_general3A_75 = tpu.matmul %mul3A_71, %get3A_74, %dot_general3A {dimension_numbers = #tpu.dot_dimension_numbers<[1], [0], [0], [1], [0, 0, 1, 1], [], []>, precision = #tpu.contract_precision<fp32>, transpose_lhs_hint = false} : vector<2000x128xf32>, vector<128x128xf32>, vector<2000x128xf32> -> vector<2000x128xf32>
      %swap3A_76 = arith.constant 0 : index
      %swap3A_77 = arith.constant 0 : index
      %swap3A_78 = vector.load %arg8[%swap3A_76, %swap3A_77] : memref<2000x128xf32, #tpu.memory_space<vmem>>, vector<2000x128xf32>
      tpu.vector_store %arg8[%swap3A_76, %swap3A_77], %dot_general3A_75 {strides = array<i32>} : memref<2000x128xf32, #tpu.memory_space<vmem>>, vector<2000x128xf32>,
    } else {
    }
    return
  }
  func.func @transform_0(%arg0: i32) -> (i32, i32, i32) {
    %min3A = arith.constant 4 : i32
    %min3A_0 = arith.minsi %arg0, %min3A : i32
    %c0_i32 = arith.constant 0 : i32
    %c0_i32_1 = arith.constant 0 : i32
    %c0_i32_2 = arith.constant 0 : i32
    return %c0_i32, %min3A_0, %c0_i32_1 : i32, i32, i32
  }
  func.func @transform_1(%arg0: i32) -> (i32, i32, i32) {
    %min3A = arith.constant 4 : i32
    %min3A_0 = arith.minsi %arg0, %min3A : i32
    %c1_i32 = arith.constant 1 : i32
    %c0_i32 = arith.constant 0 : i32
    %c0_i32_1 = arith.constant 0 : i32
    return %c1_i32, %min3A_0, %c0_i32 : i32, i32, i32
  }
  func.func @transform_2(%arg0: i32) -> (i32, i32) {
    %c0_i32 = arith.constant 0 : i32
    %c0_i32_0 = arith.constant 0 : i32
    %c0_i32_1 = arith.constant 0 : i32
    return %c0_i32, %c0_i32_0 : i32, i32
  }
  func.func @transform_3(%arg0: i32) -> (i32, i32) {
    %c0_i32 = arith.constant 0 : i32
    %c0_i32_0 = arith.constant 0 : i32
    %c0_i32_1 = arith.constant 0 : i32
    return %c0_i32, %c0_i32_0 : i32, i32
  }
  func.func @transform_4(%arg0: i32) -> (i32, i32) {
    %c0_i32 = arith.constant 0 : i32
    %c0_i32_0 = arith.constant 0 : i32
    %c0_i32_1 = arith.constant 0 : i32
    return %c0_i32, %c0_i32_0 : i32, i32
  }
  func.func @transform_5(%arg0: i32) -> (i32, i32, i32) {
    %sub3A = arith.constant 5 : i32
    %sub3A_0 = arith.subi %arg0, %sub3A : i32
    %max3A = arith.constant 0 : i32
    %max3A_1 = arith.maxsi %sub3A_0, %max3A : i32
    %c0_i32 = arith.constant 0 : i32
    %c0_i32_2 = arith.constant 0 : i32
    %c0_i32_3 = arith.constant 0 : i32
    return %c0_i32, %max3A_1, %c0_i32_2 : i32, i32, i32
  }
  func.func @transform_6(%arg0: i32) -> (i32, i32) {
    %c0_i32 = arith.constant 0 : i32
    %c0_i32_0 = arith.constant 0 : i32
    %c0_i32_1 = arith.constant 0 : i32
    return %c0_i32, %c0_i32_0 : i32, i32
  }
  func.func @transform_7(%arg0: i32) -> (i32, i32) {
    %rem3A = arith.constant 5 : i32
    %rem3A_0 = arith.remsi %arg0, %rem3A : i32
    %c0_i32 = arith.constant 0 : i32
    %c0_i32_1 = arith.constant 0 : i32
    return %rem3A_0, %c0_i32 : i32, i32
  }
  func.func @transform_8(%arg0: i32) -> (i32, i32) {
    %c0_i32 = arith.constant 0 : i32
    %c0_i32_0 = arith.constant 0 : i32
    %c0_i32_1 = arith.constant 0 : i32
    return %c0_i32, %c0_i32_0 : i32, i32
  }
}

module attributes {stable_mosaic.version = 14 : i64} {
  func.func @_fin_body(%arg0: i32, %arg1: memref<2x2000x128xf32, #tpu.memory_space<vmem>>, %arg2: memref<1x2000x8xf32, #tpu.memory_space<vmem>>, %arg3: memref<1x128xf32, #tpu.memory_space<vmem>>, %arg4: memref<1x128xf32, #tpu.memory_space<vmem>>, %arg5: memref<1x128xf32, #tpu.memory_space<vmem>>, %arg6: memref<1x128xf32, #tpu.memory_space<vmem>>, %arg7: memref<1x128xf32, #tpu.memory_space<vmem>>, %arg8: memref<128x64xf32, #tpu.memory_space<vmem>>, %arg9: memref<128x64xf32, #tpu.memory_space<vmem>>, %arg10: memref<128x64xf32, #tpu.memory_space<vmem>>, %arg11: memref<1x64xf32, #tpu.memory_space<vmem>>, %arg12: memref<1x64xf32, #tpu.memory_space<vmem>>, %arg13: memref<1x64xf32, #tpu.memory_space<vmem>>, %arg14: memref<1x64xf32, #tpu.memory_space<vmem>>, %arg15: memref<3x128xf32, #tpu.memory_space<vmem>>, %arg16: memref<1x128xf32, #tpu.memory_space<vmem>>, %arg17: memref<1x128xf32, #tpu.memory_space<vmem>>, %arg18: memref<1x128xf32, #tpu.memory_space<vmem>>, %arg19: memref<10000x128xf32, #tpu.memory_space<vmem>>) attributes {dimension_semantics = [#tpu.dimension_semantics<arbitrary>], iteration_bounds = array<i64: 10>, scalar_prefetch = 0 : i64, scratch_operands = 4 : i64, tpu.core_type = #tpu.core_type<tc>, window_params = [{transform_indices = @transform_0, window_bounds = array<i64: 2, 2000, 128>}, {transform_indices = @transform_1, window_bounds = array<i64: 1, 2000, 8>}, {pipeline_mode = #tpu.pipeline_mode<synchronous>, transform_indices = @transform_2, window_bounds = array<i64: 1, 128>}, {pipeline_mode = #tpu.pipeline_mode<synchronous>, transform_indices = @transform_3, window_bounds = array<i64: 1, 128>}, {pipeline_mode = #tpu.pipeline_mode<synchronous>, transform_indices = @transform_4, window_bounds = array<i64: 1, 128>}, {pipeline_mode = #tpu.pipeline_mode<synchronous>, transform_indices = @transform_5, window_bounds = array<i64: 1, 128>}, {pipeline_mode = #tpu.pipeline_mode<synchronous>, transform_indices = @transform_6, window_bounds = array<i64: 1, 128>}, {pipeline_mode = #tpu.pipeline_mode<synchronous>, transform_indices = @transform_7, window_bounds = array<i64: 128, 64>}, {pipeline_mode = #tpu.pipeline_mode<synchronous>, transform_indices = @transform_8, window_bounds = array<i64: 128, 64>}, {pipeline_mode = #tpu.pipeline_mode<synchronous>, transform_indices = @transform_9, window_bounds = array<i64: 128, 64>}, {pipeline_mode = #tpu.pipeline_mode<synchronous>, transform_indices = @transform_10, window_bounds = array<i64: 1, 64>}, {pipeline_mode = #tpu.pipeline_mode<synchronous>, transform_indices = @transform_11, window_bounds = array<i64: 1, 64>}, {pipeline_mode = #tpu.pipeline_mode<synchronous>, transform_indices = @transform_12, window_bounds = array<i64: 1, 64>}, {pipeline_mode = #tpu.pipeline_mode<synchronous>, transform_indices = @transform_13, window_bounds = array<i64: 1, 64>}, {pipeline_mode = #tpu.pipeline_mode<synchronous>, transform_indices = @transform_14, window_bounds = array<i64: 3, 128>}]} {
    %eq3A = arith.constant 0 : i32
    %eq3A_0 = arith.cmpi eq, %arg0, %eq3A : i32
    %convert_element_type3A = arith.extui %eq3A_0 : i1 to i32
    %cond3A = arith.constant 0 : i32
    %cond3A_1 = arith.cmpi ne, %convert_element_type3A, %cond3A : i32
    scf.if %cond3A_1 {
      %broadcast_in_dim3A = arith.constant 0.000000e+00 : f32
      %broadcast_in_dim3A_15 = vector.broadcast %broadcast_in_dim3A : f32 to vector<1x128xf32>
      %swap3A = arith.constant 0 : index
      %swap3A_16 = arith.constant 0 : index
      %swap3A_17 = vector.load %arg16[%swap3A, %swap3A_16] : memref<1x128xf32, #tpu.memory_space<vmem>>, vector<1x128xf32>
      tpu.vector_store %arg16[%swap3A, %swap3A_16], %broadcast_in_dim3A_15 {strides = array<i32>} : memref<1x128xf32, #tpu.memory_space<vmem>>, vector<1x128xf32>,
      %broadcast_in_dim3A_18 = arith.constant 0.000000e+00 : f32
      %broadcast_in_dim3A_19 = vector.broadcast %broadcast_in_dim3A_18 : f32 to vector<1x128xf32>
      %swap3A_20 = arith.constant 0 : index
      %swap3A_21 = arith.constant 0 : index
      %swap3A_22 = vector.load %arg17[%swap3A_20, %swap3A_21] : memref<1x128xf32, #tpu.memory_space<vmem>>, vector<1x128xf32>
      tpu.vector_store %arg17[%swap3A_20, %swap3A_21], %broadcast_in_dim3A_19 {strides = array<i32>} : memref<1x128xf32, #tpu.memory_space<vmem>>, vector<1x128xf32>,
      %broadcast_in_dim3A_23 = arith.constant 0.000000e+00 : f32
      %broadcast_in_dim3A_24 = vector.broadcast %broadcast_in_dim3A_23 : f32 to vector<1x128xf32>
      %swap3A_25 = arith.constant 0 : index
      %swap3A_26 = arith.constant 0 : index
      %swap3A_27 = vector.load %arg18[%swap3A_25, %swap3A_26] : memref<1x128xf32, #tpu.memory_space<vmem>>, vector<1x128xf32>
      tpu.vector_store %arg18[%swap3A_25, %swap3A_26], %broadcast_in_dim3A_24 {strides = array<i32>} : memref<1x128xf32, #tpu.memory_space<vmem>>, vector<1x128xf32>,
    } else {
    }
    %lt3A = arith.constant 5 : i32
    %lt3A_2 = arith.cmpi slt, %arg0, %lt3A : i32
    %convert_element_type3A_3 = arith.extui %lt3A_2 : i1 to i32
    %cond3A_4 = arith.constant 0 : i32
    %cond3A_5 = arith.cmpi ne, %convert_element_type3A_3, %cond3A_4 : i32
    scf.if %cond3A_5 {
      %get3A = arith.constant 0 : index
      %get3A_15 = arith.constant 0 : index
      %get3A_16 = arith.constant 0 : index
      %get3A_17 = vector.load %arg1[%get3A, %get3A_15, %get3A_16] : memref<2x2000x128xf32, #tpu.memory_space<vmem>>, vector<1x2000x128xf32>
      %get3A_18 = vector.shape_cast %get3A_17 : vector<1x2000x128xf32> to vector<2000x128xf32>
      %get3A_19 = arith.constant 1 : index
      %get3A_20 = arith.constant 0 : index
      %get3A_21 = arith.constant 0 : index
      %get3A_22 = vector.load %arg1[%get3A_19, %get3A_20, %get3A_21] : memref<2x2000x128xf32, #tpu.memory_space<vmem>>, vector<1x2000x128xf32>
      %get3A_23 = vector.shape_cast %get3A_22 : vector<1x2000x128xf32> to vector<2000x128xf32>
      %add3A = arith.addf %get3A_18, %get3A_23 : vector<2000x128xf32>
      %get3A_24 = arith.constant 0 : index
      %get3A_25 = arith.constant 0 : index
      %get3A_26 = arith.constant 0 : index
      %get3A_27 = vector.load %arg2[%get3A_24, %get3A_25, %get3A_26] : memref<1x2000x8xf32, #tpu.memory_space<vmem>>, vector<1x2000x8xf32>
      %get3A_28 = vector.shape_cast %get3A_27 : vector<1x2000x8xf32> to vector<2000x8xf32>
      %reduce_sum3A = arith.constant dense<0.000000e+00> : vector<2000xf32>
      %reduce_sum3A_29 = vector.multi_reduction <add>, %get3A_28, %reduce_sum3A [1] : vector<2000x8xf32> to vector<2000xf32>
      %broadcast_in_dim3A = vector.shape_cast %reduce_sum3A_29 : vector<2000xf32> to vector<2000x1xf32>
      %gt3A = arith.constant 0.000000e+00 : f32
      %gt3A_30 = vector.broadcast %gt3A : f32 to vector<2000x1xf32>
      %gt3A_31 = arith.cmpf ogt, %broadcast_in_dim3A, %gt3A_30 : vector<2000x1xf32>
      %max3A = arith.constant 1.000000e+00 : f32
      %max3A_32 = vector.broadcast %max3A : f32 to vector<2000x1xf32>
      %max3A_33 = arith.maximumf %broadcast_in_dim3A, %max3A_32 : vector<2000x1xf32>
      %rsqrt3A = math.rsqrt %max3A_33 : vector<2000x1xf32>
      %jit3A = arith.constant 0.000000e+00 : f32
      %broadcast_in_dim3A_34 = vector.broadcast %jit3A : f32 to vector<2000x1xf32>
      %select_n3A = arith.select %gt3A_31, %rsqrt3A, %broadcast_in_dim3A_34 : vector<2000x1xi1>, vector<2000x1xf32>
      %mul3A = vector.broadcast %select_n3A : vector<2000x1xf32> to vector<2000x128xf32>
      %mul3A_35 = arith.mulf %add3A, %mul3A : vector<2000x128xf32>
      %get3A_36 = arith.constant 0 : index
      %get3A_37 = arith.constant 0 : index
      %get3A_38 = vector.load %arg3[%get3A_36, %get3A_37] : memref<1x128xf32, #tpu.memory_space<vmem>>, vector<1x128xf32>
      %add3A_39 = vector.broadcast %get3A_38 : vector<1x128xf32> to vector<2000x128xf32>
      %add3A_40 = arith.addf %mul3A_35, %add3A_39 : vector<2000x128xf32>
      %rem3A = arith.constant 5 : i32
      %rem3A_41 = arith.remsi %arg0, %rem3A : i32
      %mul3A_42 = arith.constant 2000 : i32
      %mul3A_43 = arith.muli %rem3A_41, %mul3A_42 : i32
      %swap3A = arith.index_cast %mul3A_43 : i32 to index
      %swap3A_44 = arith.constant 0 : index
      %swap3A_45 = vector.load %arg19[%swap3A, %swap3A_44] : memref<10000x128xf32, #tpu.memory_space<vmem>>, vector<2000x128xf32>
      tpu.vector_store %arg19[%swap3A, %swap3A_44], %add3A_40 {strides = array<i32>} : memref<10000x128xf32, #tpu.memory_space<vmem>>, vector<2000x128xf32>,
      %get3A_46 = arith.constant 0 : index
      %get3A_47 = arith.constant 0 : index
      %get3A_48 = vector.load %arg16[%get3A_46, %get3A_47] : memref<1x128xf32, #tpu.memory_space<vmem>>, vector<1x128xf32>
      %reduce_sum3A_49 = arith.constant dense<0.000000e+00> : vector<128xf32>
      %reduce_sum3A_50 = vector.multi_reduction <add>, %add3A_40, %reduce_sum3A_49 [0] : vector<2000x128xf32> to vector<128xf32>
      %broadcast_in_dim3A_51 = vector.shape_cast %reduce_sum3A_50 : vector<128xf32> to vector<1x128xf32>
      %add3A_52 = arith.addf %get3A_48, %broadcast_in_dim3A_51 : vector<1x128xf32>
      %swap3A_53 = arith.constant 0 : index
      %swap3A_54 = arith.constant 0 : index
      %swap3A_55 = vector.load %arg16[%swap3A_53, %swap3A_54] : memref<1x128xf32, #tpu.memory_space<vmem>>, vector<1x128xf32>
      tpu.vector_store %arg16[%swap3A_53, %swap3A_54], %add3A_52 {strides = array<i32>} : memref<1x128xf32, #tpu.memory_space<vmem>>, vector<1x128xf32>,
      %get3A_56 = arith.constant 0 : index
      %get3A_57 = arith.constant 0 : index
      %get3A_58 = vector.load %arg17[%get3A_56, %get3A_57] : memref<1x128xf32, #tpu.memory_space<vmem>>, vector<1x128xf32>
      %mul3A_59 = arith.mulf %add3A_40, %add3A_40 : vector<2000x128xf32>
      %reduce_sum3A_60 = arith.constant dense<0.000000e+00> : vector<128xf32>
      %reduce_sum3A_61 = vector.multi_reduction <add>, %mul3A_59, %reduce_sum3A_60 [0] : vector<2000x128xf32> to vector<128xf32>
      %broadcast_in_dim3A_62 = vector.shape_cast %reduce_sum3A_61 : vector<128xf32> to vector<1x128xf32>
      %add3A_63 = arith.addf %get3A_58, %broadcast_in_dim3A_62 : vector<1x128xf32>
      %swap3A_64 = arith.constant 0 : index
      %swap3A_65 = arith.constant 0 : index
      %swap3A_66 = vector.load %arg17[%swap3A_64, %swap3A_65] : memref<1x128xf32, #tpu.memory_space<vmem>>, vector<1x128xf32>
      tpu.vector_store %arg17[%swap3A_64, %swap3A_65], %add3A_63 {strides = array<i32>} : memref<1x128xf32, #tpu.memory_space<vmem>>, vector<1x128xf32>,
    } else {
    }
    %ge3A = arith.constant 5 : i32
    %ge3A_6 = arith.cmpi sge, %arg0, %ge3A : i32
    %convert_element_type3A_7 = arith.extui %ge3A_6 : i1 to i32
    %cond3A_8 = arith.constant 0 : i32
    %cond3A_9 = arith.cmpi ne, %convert_element_type3A_7, %cond3A_8 : i32
    scf.if %cond3A_9 {
      %rem3A = arith.constant 5 : i32
      %rem3A_15 = arith.remsi %arg0, %rem3A : i32
      %mul3A = arith.constant 2000 : i32
      %mul3A_16 = arith.muli %rem3A_15, %mul3A : i32
      %get3A = arith.index_cast %mul3A_16 : i32 to index
      %get3A_17 = arith.constant 0 : index
      %get3A_18 = vector.load %arg19[%get3A, %get3A_17] : memref<10000x128xf32, #tpu.memory_space<vmem>>, vector<2000x128xf32>
      %get3A_19 = arith.constant 0 : index
      %get3A_20 = arith.constant 0 : index
      %get3A_21 = vector.load %arg16[%get3A_19, %get3A_20] : memref<1x128xf32, #tpu.memory_space<vmem>>, vector<1x128xf32>
      %get3A_22 = arith.constant 0 : index
      %get3A_23 = arith.constant 0 : index
      %get3A_24 = vector.load %arg17[%get3A_22, %get3A_23] : memref<1x128xf32, #tpu.memory_space<vmem>>, vector<1x128xf32>
      %get3A_25 = arith.constant 0 : index
      %get3A_26 = arith.constant 0 : index
      %get3A_27 = vector.load %arg4[%get3A_25, %get3A_26] : memref<1x128xf32, #tpu.memory_space<vmem>>, vector<1x128xf32>
      %get3A_28 = arith.constant 0 : index
      %get3A_29 = arith.constant 0 : index
      %get3A_30 = vector.load %arg5[%get3A_28, %get3A_29] : memref<1x128xf32, #tpu.memory_space<vmem>>, vector<1x128xf32>
      %mul3A_31 = arith.constant 9.99999974E-5 : f32
      %mul3A_32 = vector.broadcast %mul3A_31 : f32 to vector<1x128xf32>
      %mul3A_33 = arith.mulf %get3A_21, %mul3A_32 : vector<1x128xf32>
      %mul3A_34 = arith.constant 9.99999974E-5 : f32
      %mul3A_35 = vector.broadcast %mul3A_34 : f32 to vector<1x128xf32>
      %mul3A_36 = arith.mulf %get3A_24, %mul3A_35 : vector<1x128xf32>
      %mul3A_37 = arith.mulf %mul3A_33, %mul3A_33 : vector<1x128xf32>
      %sub3A = arith.subf %mul3A_36, %mul3A_37 : vector<1x128xf32>
      %max3A = arith.constant 0.000000e+00 : f32
      %max3A_38 = vector.broadcast %max3A : f32 to vector<1x128xf32>
      %max3A_39 = arith.maximumf %sub3A, %max3A_38 : vector<1x128xf32>
      %add3A = arith.constant 9.99999974E-6 : f32
      %add3A_40 = vector.broadcast %add3A : f32 to vector<1x128xf32>
      %add3A_41 = arith.addf %max3A_39, %add3A_40 : vector<1x128xf32>
      %rsqrt3A = math.rsqrt %add3A_41 : vector<1x128xf32>
      %sub3A_42 = vector.broadcast %mul3A_33 : vector<1x128xf32> to vector<2000x128xf32>
      %sub3A_43 = arith.subf %get3A_18, %sub3A_42 : vector<2000x128xf32>
      %mul3A_44 = vector.broadcast %rsqrt3A : vector<1x128xf32> to vector<2000x128xf32>
      %mul3A_45 = arith.mulf %sub3A_43, %mul3A_44 : vector<2000x128xf32>
      %mul3A_46 = vector.broadcast %get3A_27 : vector<1x128xf32> to vector<2000x128xf32>
      %mul3A_47 = arith.mulf %mul3A_45, %mul3A_46 : vector<2000x128xf32>
      %add3A_48 = vector.broadcast %get3A_30 : vector<1x128xf32> to vector<2000x128xf32>
      %add3A_49 = arith.addf %mul3A_47, %add3A_48 : vector<2000x128xf32>
      %max3A_50 = arith.constant 0.000000e+00 : f32
      %max3A_51 = vector.broadcast %max3A_50 : f32 to vector<2000x128xf32>
      %max3A_52 = arith.maximumf %add3A_49, %max3A_51 : vector<2000x128xf32>
      %get3A_53 = arith.constant 0 : index
      %get3A_54 = arith.constant 0 : index
      %get3A_55 = vector.load %arg18[%get3A_53, %get3A_54] : memref<1x128xf32, #tpu.memory_space<vmem>>, vector<1x128xf32>
      %reduce_sum3A = arith.constant dense<0.000000e+00> : vector<128xf32>
      %reduce_sum3A_56 = vector.multi_reduction <add>, %max3A_52, %reduce_sum3A [0] : vector<2000x128xf32> to vector<128xf32>
      %broadcast_in_dim3A = vector.shape_cast %reduce_sum3A_56 : vector<128xf32> to vector<1x128xf32>
      %add3A_57 = arith.addf %get3A_55, %broadcast_in_dim3A : vector<1x128xf32>
      %swap3A = arith.constant 0 : index
      %swap3A_58 = arith.constant 0 : index
      %swap3A_59 = vector.load %arg18[%swap3A, %swap3A_58] : memref<1x128xf32, #tpu.memory_space<vmem>>, vector<1x128xf32>
      tpu.vector_store %arg18[%swap3A, %swap3A_58], %add3A_57 {strides = array<i32>} : memref<1x128xf32, #tpu.memory_space<vmem>>, vector<1x128xf32>,
    } else {
    }
    %eq3A_10 = arith.constant 9 : i32
    %eq3A_11 = arith.cmpi eq, %arg0, %eq3A_10 : i32
    %convert_element_type3A_12 = arith.extui %eq3A_11 : i1 to i32
    %cond3A_13 = arith.constant 0 : i32
    %cond3A_14 = arith.cmpi ne, %convert_element_type3A_12, %cond3A_13 : i32
    scf.if %cond3A_14 {
      %get3A = arith.constant 0 : index
      %get3A_15 = arith.constant 0 : index
      %get3A_16 = vector.load %arg6[%get3A, %get3A_15] : memref<1x128xf32, #tpu.memory_space<vmem>>, vector<1x128xf32>
      %get3A_17 = arith.constant 0 : index
      %get3A_18 = arith.constant 0 : index
      %get3A_19 = vector.load %arg7[%get3A_17, %get3A_18] : memref<1x128xf32, #tpu.memory_space<vmem>>, vector<1x128xf32>
      %get3A_20 = arith.constant 0 : index
      %get3A_21 = arith.constant 0 : index
      %get3A_22 = vector.load %arg18[%get3A_20, %get3A_21] : memref<1x128xf32, #tpu.memory_space<vmem>>, vector<1x128xf32>
      %concatenate3A = tpu.concatenate %get3A_16, %get3A_19, %get3A_22 in 0 : vector<1x128xf32>, vector<1x128xf32>, vector<1x128xf32> -> vector<3x128xf32>
      %mul3A = arith.constant 9.99999974E-5 : f32
      %mul3A_23 = vector.broadcast %mul3A : f32 to vector<3x128xf32>
      %mul3A_24 = arith.mulf %concatenate3A, %mul3A_23 : vector<3x128xf32>
      %swap3A = arith.constant 0 : index
      %swap3A_25 = arith.constant 0 : index
      %swap3A_26 = vector.load %arg15[%swap3A, %swap3A_25] : memref<3x128xf32, #tpu.memory_space<vmem>>, vector<3x128xf32>
      tpu.vector_store %arg15[%swap3A, %swap3A_25], %mul3A_24 {strides = array<i32>} : memref<3x128xf32, #tpu.memory_space<vmem>>, vector<3x128xf32>,
      %slice3A = vector.extract_strided_slice %mul3A_24 {offsets = [0, 0], sizes = [1, 128], strides = [1, 1]} : vector<3x128xf32> to vector<1x128xf32>
      %get3A_27 = arith.constant 0 : index
      %get3A_28 = arith.constant 0 : index
      %get3A_29 = vector.load %arg8[%get3A_27, %get3A_28] : memref<128x64xf32, #tpu.memory_space<vmem>>, vector<128x64xf32>
      %dot_general3A = arith.constant dense<0.000000e+00> : vector<1x64xf32>
      %dot_general3A_30 = tpu.matmul %slice3A, %get3A_29, %dot_general3A {dimension_numbers = #tpu.dot_dimension_numbers<[1], [0], [0], [1], [0, 0, 1, 1], [], []>, precision = #tpu.contract_precision<fp32>, transpose_lhs_hint = false} : vector<1x128xf32>, vector<128x64xf32>, vector<1x64xf32> -> vector<1x64xf32>
      %slice3A_31 = vector.extract_strided_slice %mul3A_24 {offsets = [1, 0], sizes = [1, 128], strides = [1, 1]} : vector<3x128xf32> to vector<1x128xf32>
      %get3A_32 = arith.constant 0 : index
      %get3A_33 = arith.constant 0 : index
      %get3A_34 = vector.load %arg9[%get3A_32, %get3A_33] : memref<128x64xf32, #tpu.memory_space<vmem>>, vector<128x64xf32>
      %dot_general3A_35 = arith.constant dense<0.000000e+00> : vector<1x64xf32>
      %dot_general3A_36 = tpu.matmul %slice3A_31, %get3A_34, %dot_general3A_35 {dimension_numbers = #tpu.dot_dimension_numbers<[1], [0], [0], [1], [0, 0, 1, 1], [], []>, precision = #tpu.contract_precision<fp32>, transpose_lhs_hint = false} : vector<1x128xf32>, vector<128x64xf32>, vector<1x64xf32> -> vector<1x64xf32>
      %add3A = arith.addf %dot_general3A_30, %dot_general3A_36 : vector<1x64xf32>
      %slice3A_37 = vector.extract_strided_slice %mul3A_24 {offsets = [2, 0], sizes = [1, 128], strides = [1, 1]} : vector<3x128xf32> to vector<1x128xf32>
      %get3A_38 = arith.constant 0 : index
      %get3A_39 = arith.constant 0 : index
      %get3A_40 = vector.load %arg10[%get3A_38, %get3A_39] : memref<128x64xf32, #tpu.memory_space<vmem>>, vector<128x64xf32>
      %dot_general3A_41 = arith.constant dense<0.000000e+00> : vector<1x64xf32>
      %dot_general3A_42 = tpu.matmul %slice3A_37, %get3A_40, %dot_general3A_41 {dimension_numbers = #tpu.dot_dimension_numbers<[1], [0], [0], [1], [0, 0, 1, 1], [], []>, precision = #tpu.contract_precision<fp32>, transpose_lhs_hint = false} : vector<1x128xf32>, vector<128x64xf32>, vector<1x64xf32> -> vector<1x64xf32>
      %add3A_43 = arith.addf %add3A, %dot_general3A_42 : vector<1x64xf32>
      %get3A_44 = arith.constant 0 : index
      %get3A_45 = arith.constant 0 : index
      %get3A_46 = vector.load %arg11[%get3A_44, %get3A_45] : memref<1x64xf32, #tpu.memory_space<vmem>>, vector<1x64xf32>
      %add3A_47 = arith.addf %add3A_43, %get3A_46 : vector<1x64xf32>
      %get3A_48 = arith.constant 0 : index
      %get3A_49 = arith.constant 0 : index
      %get3A_50 = vector.load %arg12[%get3A_48, %get3A_49] : memref<1x64xf32, #tpu.memory_space<vmem>>, vector<1x64xf32>
      %add3A_51 = arith.addf %add3A_47, %get3A_50 : vector<1x64xf32>
      %get3A_52 = arith.constant 0 : index
      %get3A_53 = arith.constant 0 : index
      %get3A_54 = vector.load %arg13[%get3A_52, %get3A_53] : memref<1x64xf32, #tpu.memory_space<vmem>>, vector<1x64xf32>
      %add3A_55 = arith.addf %add3A_51, %get3A_54 : vector<1x64xf32>
      %swap3A_56 = arith.constant 0 : index
      %swap3A_57 = arith.constant 0 : index
      %swap3A_58 = vector.load %arg14[%swap3A_56, %swap3A_57] : memref<1x64xf32, #tpu.memory_space<vmem>>, vector<1x64xf32>
      tpu.vector_store %arg14[%swap3A_56, %swap3A_57], %add3A_55 {strides = array<i32>} : memref<1x64xf32, #tpu.memory_space<vmem>>, vector<1x64xf32>,
    } else {
    }
    return
  }
  func.func @transform_0(%arg0: i32) -> (i32, i32, i32) {
    %min3A = arith.constant 4 : i32
    %min3A_0 = arith.minsi %arg0, %min3A : i32
    %c0_i32 = arith.constant 0 : i32
    %c0_i32_1 = arith.constant 0 : i32
    %c0_i32_2 = arith.constant 0 : i32
    return %c0_i32, %min3A_0, %c0_i32_1 : i32, i32, i32
  }
  func.func @transform_1(%arg0: i32) -> (i32, i32, i32) {
    %min3A = arith.constant 4 : i32
    %min3A_0 = arith.minsi %arg0, %min3A : i32
    %c1_i32 = arith.constant 1 : i32
    %c0_i32 = arith.constant 0 : i32
    %c0_i32_1 = arith.constant 0 : i32
    return %c1_i32, %min3A_0, %c0_i32 : i32, i32, i32
  }
  func.func @transform_2(%arg0: i32) -> (i32, i32) {
    %c0_i32 = arith.constant 0 : i32
    %c0_i32_0 = arith.constant 0 : i32
    %c0_i32_1 = arith.constant 0 : i32
    return %c0_i32, %c0_i32_0 : i32, i32
  }
  func.func @transform_3(%arg0: i32) -> (i32, i32) {
    %c0_i32 = arith.constant 0 : i32
    %c0_i32_0 = arith.constant 0 : i32
    %c0_i32_1 = arith.constant 0 : i32
    return %c0_i32, %c0_i32_0 : i32, i32
  }
  func.func @transform_4(%arg0: i32) -> (i32, i32) {
    %c0_i32 = arith.constant 0 : i32
    %c0_i32_0 = arith.constant 0 : i32
    %c0_i32_1 = arith.constant 0 : i32
    return %c0_i32, %c0_i32_0 : i32, i32
  }
  func.func @transform_5(%arg0: i32) -> (i32, i32) {
    %c0_i32 = arith.constant 0 : i32
    %c0_i32_0 = arith.constant 0 : i32
    %c0_i32_1 = arith.constant 0 : i32
    return %c0_i32, %c0_i32_0 : i32, i32
  }
  func.func @transform_6(%arg0: i32) -> (i32, i32) {
    %c0_i32 = arith.constant 0 : i32
    %c0_i32_0 = arith.constant 0 : i32
    %c0_i32_1 = arith.constant 0 : i32
    return %c0_i32, %c0_i32_0 : i32, i32
  }
  func.func @transform_7(%arg0: i32) -> (i32, i32) {
    %c0_i32 = arith.constant 0 : i32
    %c0_i32_0 = arith.constant 0 : i32
    %c0_i32_1 = arith.constant 0 : i32
    return %c0_i32, %c0_i32_0 : i32, i32
  }
  func.func @transform_8(%arg0: i32) -> (i32, i32) {
    %c0_i32 = arith.constant 0 : i32
    %c0_i32_0 = arith.constant 0 : i32
    %c0_i32_1 = arith.constant 0 : i32
    return %c0_i32, %c0_i32_0 : i32, i32
  }
  func.func @transform_9(%arg0: i32) -> (i32, i32) {
    %c0_i32 = arith.constant 0 : i32
    %c0_i32_0 = arith.constant 0 : i32
    %c0_i32_1 = arith.constant 0 : i32
    return %c0_i32, %c0_i32_0 : i32, i32
  }
  func.func @transform_10(%arg0: i32) -> (i32, i32) {
    %c0_i32 = arith.constant 0 : i32
    %c0_i32_0 = arith.constant 0 : i32
    %c0_i32_1 = arith.constant 0 : i32
    return %c0_i32, %c0_i32_0 : i32, i32
  }
  func.func @transform_11(%arg0: i32) -> (i32, i32) {
    %c0_i32 = arith.constant 0 : i32
    %c0_i32_0 = arith.constant 0 : i32
    %c0_i32_1 = arith.constant 0 : i32
    return %c0_i32, %c0_i32_0 : i32, i32
  }
  func.func @transform_12(%arg0: i32) -> (i32, i32) {
    %c0_i32 = arith.constant 0 : i32
    %c0_i32_0 = arith.constant 0 : i32
    %c0_i32_1 = arith.constant 0 : i32
    return %c0_i32, %c0_i32_0 : i32, i32
  }
  func.func @transform_13(%arg0: i32) -> (i32, i32) {
    %c0_i32 = arith.constant 0 : i32
    %c0_i32_0 = arith.constant 0 : i32
    %c0_i32_1 = arith.constant 0 : i32
    return %c0_i32, %c0_i32_0 : i32, i32
  }
  func.func @transform_14(%arg0: i32) -> (i32, i32) {
    %c0_i32 = arith.constant 0 : i32
    %c0_i32_0 = arith.constant 0 : i32
    %c0_i32_1 = arith.constant 0 : i32
    return %c0_i32, %c0_i32_0 : i32, i32
  }
}

</mosaic_0001>

<sc_bundles>
// kernel: kernel.12.cloned.1.call-start
scs
__scs_entry_jumppad:
0x0: {  	(pc) =	sbr.rel $0x88, $3  }
0x1: {  	(tag) =	ssettag $0x0;
	lr =	simm.s32 $0x1  }
0x2: {  	[smem:$0x3F91] =	sst lr;
	_ =	strace $0xD0000000  }
0x3: {  	_ = 	snop  }
0x4: {  	_ = 	snop  }
0x5: {  	_ = 	snop  }
0x6: {  	_ = 	snop  }
0x7: {  	_ = 	snop  }
__scs_overlays_trampoline_lowered:
0x8: {  	[smem:$0x3FA0] =	sst s0  }
0x9: {  	[smem:$0x3FA1] =	sst s1  }
0xa: {  	[smem:$0x3FA2] =	sst s2  }
0xb: {  	[smem:$0x3FA3] =	sst s3  }
0xc: {  	[smem:$0x3FA4] =	sst s4  }
0xd: {  	[smem:$0x3FA5] =	sst s5  }
0xe: {  	[smem:$0x3FA6] =	sst s6  }
0xf: {  	[smem:$0x3FA7] =	sst s7  }
0x10: {  	[smem:$0x3FA8] =	sst s8  }
0x11: {  	[smem:$0x3FA9] =	sst s9;
	s0 =	simm.s32 @!p0 $0x0  }
0x12: {  	s1 =	sld [smem:$0x3F8F];
	s0 =	simm.s32 @p0 $0x1  }
0x13: {  	[smem:$0x3FAA] =	sst s0;
	s0 =	simm.s32 @!p1 $0x0  }
0x14: {  	s2 =	sld [smem:$0x3F8E];
	s0 =	simm.s32 @p1 $0x1  }
0x15: {  	[smem:$0x3FAB] =	sst s0;
	s0 =	simm.s32 @!p2 $0x0  }
0x16: {  	s3 =	sld [smem:$0x3FDB];
	s0 =	simm.s32 @p2 $0x1  }
0x17: {  	s4 =	simm.s32 $0x1BF5;
	[smem:$0x3FAD] =	sst s0  }
0x18: {  	s0 =	sld [smem:$0x3F90];
	_ =	swait.ge [sflag:s4], $0x0  }
0x19: {  	s7 =	sld [smem:$0x3F91]  }
0x1a: {  	s8 =	sadd.s32 $0xFFFFE003, lr  }
0x1b: {  	s9 =	sadd.s32 $0xFFFFFEF7, lr;
	s5 =	simm.s32 $0xFFFFFFFF;
	p2 =	slt.u32 s8, $0xFFFFF086  }
0x1c: {  	p1 =	slt.u32 s9, $0xF7A;
	s5 =	simm.s32 @!p2 $0x0  }
0x1d: {  	s5 =	simm.s32 @p1 $0x1;
	p0 =	seq.s32 s7, s2  }
0x1e: {  	s7 =	smul.u32 @!p0 $0xF7A, s2;
	p2 =	seq.s32 @!p0 s5, $0x0  }
0x1f: {  	s9 =	smul.u32 $0xF7A, s1;
	s8 =	simm.s32 @!p0 $0x1BF5;
	p2 =	por !p2, p0  }
0x20: {  	[sflag:s8] =	ssyncset.s32 @!p0 $0xFFFFF086;
	s6 =	sadd.s32 @!p0 s3, s7;
	s7 =	simm.s32 @!p0 $0x108  }
0x21: {  	s3 =	sadd.s32 s3, s9;
	s6 =	sadd.s32 @!p0 $0x88, s6;
	s7 =	simm.s32 @p2 $0x1082  }
0x22: {  	[simem:s7], [sflag:s8] =	dma.local @!p0 [hbm:s6], $0xF7A  }
0x23: {  	s9 =	sor.u32 $0xD0000000, s2;
	s6 =	simm.s32 $0x108;
	_ =	swait.ge @!p0 [sflag:s8], $0x0  }
0x24: {  	s3 =	sadd.s32 $0x88, s3;
	s6 =	simm.s32 @!p1 $0x1082;
	[sflag:s4] =	ssyncset.s32 $0xFFFFF086  }
0x25: {  	[simem:s6], [sflag:s4] =	dma.local [hbm:s3], $0xF7A  }
0x26: {  	[smem:$0x3F91] =	sst s1;
	(tag) =	ssettag s2;
	_ =	strace s9  }
0x27: {  	s1 =	sld [smem:$0x3FA1]  }
0x28: {  	s2 =	sld [smem:$0x3FA2]  }
0x29: {  	s4 =	sld [smem:$0x3FA4]  }
0x2a: {  	p0 =	seq.s32 s5, $0x0;
	s5 =	sld [smem:$0x3FA5]  }
0x2b: {  	s6 =	sld [smem:$0x3FA6]  }
0x2c: {  	s7 =	sld [smem:$0x3FA7]  }
0x2d: {  	s3 =	simm.s32 $0x108;
	s8 =	sld [smem:$0x3FA8]  }
0x2e: {  	s3 =	simm.s32 @!p0 $0x1082;
	s9 =	sld [smem:$0x3FA9]  }
0x2f: {  	lr =	sadd.s32 s0, s3;
	s0 =	sld [smem:$0x3FA0]  }
0x30: {  	s3 =	sld [smem:$0x3FA3]  }
0x31: {  	[smem:$0x3FAC] =	sst s10  }
0x32: {  	s10 =	sld [smem:$0x3FAA];
	_ =	sdelay $0x3  }
0x33: {  	p0 =	seq.s32 s10, $0x1;
	s10 =	sld [smem:$0x3FAC];
	_ =	sdelay $0x3  }
0x34: {  	[smem:$0x3FAC] =	sst s10  }
0x35: {  	s10 =	sld [smem:$0x3FAB];
	_ =	sdelay $0x3  }
0x36: {  	p1 =	seq.s32 s10, $0x1;
	s10 =	sld [smem:$0x3FAC];
	_ =	sdelay $0x3  }
0x37: {  	[smem:$0x3FAC] =	sst s10  }
0x38: {  	s10 =	sld [smem:$0x3FAD]  }
0x39: {  	_ = 	snop;
	(pc) =	sbr.ind lr, $3  }
0x3a: {  	_ = 	snop  }
0x3b: {  	_ = 	snop  }
0x3c: {  	p2 =	seq.s32 s10, $0x1;
	s10 =	sld [smem:$0x3FAC]  }
0x3d: {  	_ =	shalt  }
0x3e: {  	_ =	shalt  }
0x3f: {  	_ =	shalt  }
0x40: {  	_ =	shalt  }
0x41: {  	_ =	shalt  }
0x42: {  	_ =	shalt  }
0x43: {  	_ =	shalt  }
0x44: {  	_ =	shalt  }
0x45: {  	_ =	shalt  }
0x46: {  	_ =	shalt  }
0x47: {  	_ =	shalt  }
0x48: {  	_ =	shalt  }
0x49: {  	_ =	shalt  }
0x4a: {  	_ =	shalt  }
0x4b: {  	_ =	shalt  }
0x4c: {  	_ =	shalt  }
0x4d: {  	_ =	shalt  }
0x4e: {  	_ =	shalt  }
0x4f: {  	_ =	shalt  }
0x50: {  	_ =	shalt  }
0x51: {  	_ =	shalt  }
0x52: {  	_ =	shalt  }
0x53: {  	_ =	shalt  }
0x54: {  	_ =	shalt  }
0x55: {  	_ =	shalt  }
0x56: {  	_ =	shalt  }
0x57: {  	_ =	shalt  }
0x58: {  	_ =	shalt  }
0x59: {  	_ =	shalt  }
0x5a: {  	_ =	shalt  }
0x5b: {  	_ =	shalt  }
0x5c: {  	_ =	shalt  }
0x5d: {  	_ =	shalt  }
0x5e: {  	_ =	shalt  }
0x5f: {  	_ =	shalt  }
0x60: {  	_ =	shalt  }
0x61: {  	_ =	shalt  }
0x62: {  	_ =	shalt  }
0x63: {  	_ =	shalt  }
0x64: {  	_ =	shalt  }
0x65: {  	_ =	shalt  }
0x66: {  	_ =	shalt  }
0x67: {  	_ =	shalt  }
0x68: {  	_ =	shalt  }
0x69: {  	_ =	shalt  }
0x6a: {  	_ =	shalt  }
0x6b: {  	_ =	shalt  }
0x6c: {  	_ =	shalt  }
0x6d: {  	_ =	shalt  }
0x6e: {  	_ =	shalt  }
0x6f: {  	_ =	shalt  }
0x70: {  	_ =	shalt  }
0x71: {  	_ =	shalt  }
0x72: {  	_ =	shalt  }
0x73: {  	_ =	shalt  }
0x74: {  	_ =	shalt  }
0x75: {  	_ =	shalt  }
0x76: {  	_ =	shalt  }
0x77: {  	_ =	shalt  }
0x78: {  	_ =	shalt  }
0x79: {  	_ =	shalt  }
0x7a: {  	_ =	shalt  }
0x7b: {  	_ =	shalt  }
0x7c: {  	_ =	shalt  }
0x7d: {  	_ =	shalt  }
0x7e: {  	_ =	shalt  }
0x7f: {  	_ =	shalt  }
0x80: {  	_ =	shalt  }
0x81: {  	_ =	shalt  }
0x82: {  	_ =	shalt  }
0x83: {  	_ =	shalt  }
0x84: {  	_ =	shalt  }
0x85: {  	_ =	shalt  }
0x86: {  	_ =	shalt  }
0x87: {  	_ =	shalt  }
.Lfunc_end0:
.L_simem_size_0:
called_computation.1_lowered:
.L_overlay_start_0:
0x88: {  	s2 =	sld [smem:$0x3FD9]  }
0x89: {  	s3 =	sld [smem:$0x3FFE];
	_ =	sdelay $0x1  }
0x8a: {  	s1 =	srdreg.scid  }
0x8b: {  	s0 =	sand.u32 $0x1, s1  }
0x8c: {  	s16 =	sshll.u32 s0, $0xA;
	s2 =	sadd.s32 s3, s2  }
0x8d: {  	s2 =	sadd.s32 s2, s16  }
0x8e: {  	[smem:$0x3FB8] =	sst s2  }
0x8f: {  	_ = 	snop  }
0x90: {  	(tm) =	ssettm $0x1  }
0x91: {  	s17 =	sld [smem:$0x3FFB];
	_ =	sdelay $0x3  }
0x92: {  	_ =	strace s17  }
0x93: {  	s2 =	sld [smem:$0x3FFC];
	_ =	sdelay $0x3  }
0x94: {  	_ =	strace s2  }
0x95: {  	s2 =	sld [smem:$0x3FFD];
	_ =	sdelay $0x3  }
0x96: {  	_ =	strace s2  }
0x97: {  	_ =	strace $0x8FFFFFFF  }
0x98: {  	s18 =	sld [smem:$0x3FDB];
	_ =	sdelay $0x1  }
0x99: {  	s19 =	simm.s32 $_scs_section_size  }
0x9a: {  	s4 =	simm.s32 $_size__tile_overlayer_lowered;
	s5 =	simm.s32 $_tile_overlayer_lowered  }
0x9b: {  	s22 =	simm.s32 $0x1BFF;
	s21 =	sshll.u32 s5, $0x1;
	s2 =	sadd.s32 s19, s18  }
0x9c: {  	s6 =	simm.s32 $0x0;
	s20 =	sshll.u32 s4, $0x1;
	s4 =	sadd.s32 s21, s2  }
0x9d: {  	[timem:s6], [sflag:s22] =	dma.local [hbm:s4], s20  }
0x9e: {  	_ =	swait.ge [sflag:s22], s20  }
0x9f: {  	s3 =	ssub.s32 $0x0, s20;
	[sflag:s22] =	ssyncset.done $0x0  }
0xa0: {  	[sflag:s22] =	ssyncadd.s32 s3;
	_ =	sdelay $0x1  }
0xa1: {  	s23 =	simm.s32 $0x1B8B  }
0xa2: {  	_ =	swait.ge [sflag:s23], $0x1  }
0xa3: {  	[sflag:s23] =	ssyncset.done $0x0  }
0xa4: {  	s25 =	simm.s32 $0x1B8E;
	s24 =	sld [smem:$0x3FFE];
	[sflag:s23] =	ssyncadd.s32 $0xFFFFFFFF  }
0xa5: {  	s26 =	simm.s32 $execute0_lowered;
	[smem:$0x3FD2] =	sst s25  }
0xa6: {  	s4 =	sshll.u32 s26, $0x1;
	_ =	strace $0x80000049;
	[dreg:$0x1] =	wrdreg $0xFFFFFFFF  }
0xa7: {  	s28 =	simm.s32 $_size_execute0_lowered;
	s2 =	sadd.s32 s2, s4;
	[dreg:$0x0] =	wrdreg $0x0  }
0xa8: {  	s4 =	sshll.u32 s28, $0x1;
	[dreg:$0x2] =	wrdreg s2  }
0xa9: {  	[dreg:$0x3] =	wrdreg s4  }
0xaa: {  	[dreg:$0x4] =	wrdreg $0xC0  }
0xab: {  	_ =	task [dreg:s6], $0x5FFFF  }
0xac: {  	[dreg:$0x1] =	wrdreg $0xFFFFFFFF  }
0xad: {  	[dreg:$0x0] =	wrdreg $0x60  }
0xae: {  	[dreg:$0x2] =	wrdreg s24  }
0xaf: {  	[dreg:$0x3] =	wrdreg $0x94000  }
0xb0: {  	[dreg:$0x4] =	wrdreg $0x9  }
0xb1: {  	_ =	task.clear_ibuf [dreg:s6], $0x5FFFF;
	_ =	strace $0x90000049  }
0xb2: {  	s29 =	simm.s32 $0x9;
	_ =	strace $0x8000004B  }
0xb3: {  	_ =	swait.ge [sflag:s29], $0x1  }
0xb4: {  	[sflag:s29] =	ssyncadd.s32 $0xFFFFFFFF  }
0xb5: {  	_ =	strace $0x9000004B  }
0xb6: {  	_ =	sfence  }
0xb7: {  	s30 =	sld [smem:$0x0];
	_ =	sdelay $0x2  }
0xb8: {  	s31 =	sshll.u32 s1, $0xD;
	s1 =	sshrl.u32 s1, $0x2  }
0xb9: {  	s3 =	sand.u32 $0x4000, s31;
	s1 =	sadd.s32 s1, s30  }
0xba: {  	s0 =	sor.u32 s3, s0;
	s1 =	sshll.u32 s1, $0x11  }
0xbb: {  	s0 =	sor.u32 s1, s0  }
0xbc: {  	s0 =	sadd.s32 $0x8F2B, s0  }
0xbd: {  	[sflag:s0] =	ssyncadd.remote.s32 $0x1  }
0xbe: {  	_ =	sfence.sel $0xFFFF  }
0xbf: {  	[dreg:$0x0] =	wrdreg $0xFFFFFFFF;
	(pc) =	sbr.abs _section_cstart, $3  }
0xc0: {  	[dreg:$0x1] =	wrdreg $0xFFFFFFFF  }
0xc1: {  	_ =	task.clear_ibuf [dreg:s6], $0x2FFFF;
	_ =	strace $0x9FFFFFFF  }
0xc2: {  	(tm) =	ssettm $0x7FFFFFFF  }
0xc3: {  	_ =	shalt  }
tec
execute0_lowered:
.L_overlay_start_1:
0x0: {  	(tag) =	ssettag $0x1  }
0x1: {  	s6 =	rddreg [dreg:$0x0]  }
0x2: {  	s0 =	srdreg.scid;
	s2 =	rddreg [dreg:$0x1]  }
0x3: {  	s1 =	stileid.u32;
	s3 =	simm.s32 $0x0;
	s17 =	simm.s32 $0x2  }
0x4: {  	s18 =	simm.s32 $0xA00;
	s19 =	simm.s32 $0x7D;
	s20 =	simm.s32 $0x1400  }
0x5: {  	s21 =	simm.s32 $0x1;
	s7 =	sand.u32 $0x1, s0;
	s9 =	smul.u32 $0x7D000, s1  }
0x6: {  	[smem:$0x7FF] =	sst s3;
	p0 =	sgt.u32 s1, $0x9;
	s23 =	smul.u32 $0x3E80, s1  }
0x7: {  	s4 =	sshll.u32 s7, $0x4;
	s8 =	smul.u32 $0x27100, s7;
	s7 =	ssub.s32 $0x2, s7  }
0x8: {  	_ =	strace $0x8000004A;
	s4 =	sor.u32 s1, s4;
	s30 =	sshrl.u32 s7, $0x1  }
0x9: {  	s31 =	sshrl.u32 s9, $0x2;
	s5 =	smul.u32 $0x2800, s4;
	s4 =	sadd.s32 $0x82400, s6  }
0xa: {  	s14 =	sadd.s32 s8, s6;
	s15 =	ssub.s32 s7, s30;
	s16 =	sadd.s32 s31, s2  }
0xb: {  	s22 =	sadd.s32 $0xA9600, s14;
	s14 =	smax.u32 s15, $0x1;
	s15 =	sshll.u32 @!p0 s1, $0x6  }
0xc: {  	s16 =	sshrl.u32 @!p0 s16, $0x3;
	s5 =	sshrl.u32 s5, $0x3;
	s15 =	sor.u32 @!p0 $0x1C02, s15  }
0xd: {  	s22 =	sadd.s32 @!p0 s23, s22;
	s23 =	simm.s32 $0x0;
	s13 =	sadd.s32 s5, s6  }
0xe: {  	s5 =	sadd.s32 $0x4E00, s6;
	s6 =	sadd.s32 $0x20200, s13;
	s7 =	sadd.s32 $0x2A200, s13  }
0xf: {  	s8 =	sadd.s32 $0x20340, s13;
	s9 =	sadd.s32 $0x2A340, s13;
	s10 =	sadd.s32 $0x20480, s13  }
0x10: {  	s11 =	sadd.s32 $0x2A480, s13;
	s12 =	sadd.s32 $0x205C0, s13;
	s13 =	sadd.s32 $0x2A5C0, s13  }
.LBB2_1:
0x11: {  	[spmem:s16], [sflag:s15] =	dma.local @!p0 [hbm:s5], $0x3E80  }
0x12: {  	s24 =	simm.s32 @!p0 $0x2  }
0x13: {  	_ =	swait.ge @!p0 [sflag:s24], $0x3E80  }
0x14: {  	[sflag:s24] =	ssyncset.done @!p0 $0x0  }
0x15: {  	[sflag:s24] =	ssyncadd.s32 @!p0 $0xFFFFC180  }
0x16: {  	[bflag:$0x0] =	sbarrier.arrive $0xFFFF  }
0x17: {  	[tilespmem:s3], [sflag:$0x2] =	stream.linear.gather [hbm4b:s6+s3], $0xA00, $0x38;
	[tilespmem:$0x1CC80] =	vst v63  }
0x18: {  	_ =	swait.ge [sflag:s17], $0xA00  }
0x19: {  	[sflag:s17] =	ssyncset.done $0x0  }
0x1a: {  	[sflag:s17] =	ssyncadd.s32 $0xFFFFF600  }
0x1b: {  	[tilespmem:s18], [sflag:$0x2] =	stream.linear.gather [hbm4b:s7+s3], $0xA00, $0x38;
	[tilespmem:$0x1CC80] =	vst v63  }
0x1c: {  	_ =	swait.ge [sflag:s17], $0xA00  }
0x1d: {  	[sflag:s17] =	ssyncset.done $0x0  }
0x1e: {  	[sflag:s17] =	ssyncadd.s32 $0xFFFFF600  }
0x1f: {  	[tilespmem:s20], [sflag:$0x2] =	stream.indirect.gather [hbm4b:s4+s19], $0x80, s3, s19, $0xb8;
	[tilespmem:$0x1CC80] =	vst v63  }
0x20: {  	s31 =	simm.s32 $0x10000;
	_ =	swait.ge [sflag:s17], $0x3E80  }
0x21: {  	s24 =	sand.u32 $0x10000, s31;
	[sflag:s17] =	ssyncset.done $0x0  }
0x22: {  	s24 =	sshrl.u32 s24, $0x2;
	[sflag:s17] =	ssyncadd.s32 $0xFFFFC180  }
0x23: {  	[spmem:s2] =	stream.indirect.scatter.add.f32 [tilespmem:s20], [sflag:$0x1], $0x80, s18, s19, $0xb8;
	[tilespmem:$0x1CC80] =	vst v63  }
0x24: {  	s26 =	simm.s32 $0x80;
	s25 =	sor.u32 $0x1400, s24  }
0x25: {  	[tilespmem:s25], [sflag:$0x2] =	stream.indirect.gather [hbm4b:s4+s19], $0x80, s26, s19, $0xb8;
	[tilespmem:$0x1CC80] =	vst v63  }
0x26: {  	_ =	swait.ge [sflag:s17], $0x3E80  }
0x27: {  	[sflag:s17] =	ssyncset.done $0x0  }
0x28: {  	s28 =	simm.s32 $0x20000;
	s29 =	simm.s32 $0x30000;
	[sflag:s17] =	ssyncadd.s32 $0xFFFFC180  }
0x29: {  	s30 =	sand.u32 $0x10000, s28;
	s28 =	simm.s32 $0x100;
	_ =	swait.ge [sflag:s21], $0x3E80  }
0x2a: {  	s24 =	simm.s32 $0xB00;
	s26 =	simm.s32 $0xA80;
	[sflag:s21] =	ssyncset.done $0x0  }
.LBB2_2:
0x2b: {  	s30 =	sshrl.u32 s30, $0x2  }
0x2c: {  	[sflag:s21] =	ssyncadd.s32 $0xFFFFC180;
	s31 =	smov.u32 s29;
	s0 =	sadd.s32 $0x10000, s29  }
0x2d: {  	[spmem:s2] =	stream.indirect.scatter.add.f32 [tilespmem:s25], [sflag:$0x1], $0x80, s26, s19, $0xb8;
	[tilespmem:$0x1CC80] =	vst v63  }
0x2e: {  	p1 =	sne.s32 s29, $0x130000;
	s25 =	sor.u32 $0x1400, s30;
	s26 =	smov.u32 s24  }
0x2f: {  	[tilespmem:s25], [sflag:$0x2] =	stream.indirect.gather [hbm4b:s4+s19], $0x80, s28, s19, $0xb8;
	[tilespmem:$0x1CC80] =	vst v63  }
.Ltmp0:
0x30: {  	_ =	swait.ge [sflag:s17], $0x3E80;
	(pc) =	sbr.rel @p1 .LBB2_2-.Ltmp0, $4  }
0x31: {  	[sflag:s17] =	ssyncset.done $0x0  }
0x32: {  	[sflag:s17] =	ssyncadd.s32 $0xFFFFC180  }
0x33: {  	s24 =	sadd.s32 $0x80, s24;
	s30 =	sand.u32 $0x10000, s31;
	_ =	swait.ge [sflag:s21], $0x3E80  }
0x34: {  	s29 =	smov.u32 s0;
	s28 =	sadd.s32 $0x80, s28;
	[sflag:s21] =	ssyncset.done $0x0  }
0x35: {  	s0 =	sshrl.u32 s30, $0x2;
	[sflag:s21] =	ssyncadd.s32 $0xFFFFC180  }
0x36: {  	[spmem:s2] =	stream.indirect.scatter.add.f32 [tilespmem:s25], [sflag:$0x1], $0x80, s26, s19, $0xb8;
	[tilespmem:$0x1CC80] =	vst v63  }
0x37: {  	s0 =	sor.u32 $0x1400, s0  }
0x38: {  	[tilespmem:s0], [sflag:$0x2] =	stream.indirect.gather [hbm4b:s4+s19], $0x80, s28, s19, $0xb8;
	[tilespmem:$0x1CC80] =	vst v63  }
0x39: {  	_ =	swait.ge [sflag:s17], $0x3E80  }
0x3a: {  	[sflag:s17] =	ssyncset.done $0x0  }
0x3b: {  	[sflag:s17] =	ssyncadd.s32 $0xFFFFC180  }
0x3c: {  	_ =	swait.ge [sflag:s21], $0x3E80  }
0x3d: {  	[sflag:s21] =	ssyncset.done $0x0  }
0x3e: {  	[sflag:s21] =	ssyncadd.s32 $0xFFFFC180  }
0x3f: {  	[spmem:s2] =	stream.indirect.scatter.add.f32 [tilespmem:s0], [sflag:$0x1], $0x80, s24, s19, $0xb8;
	[tilespmem:$0x1CC80] =	vst v63  }
0x40: {  	_ =	swait.ge [sflag:s21], $0x3E80  }
0x41: {  	[sflag:s21] =	ssyncset.done $0x0  }
0x42: {  	[sflag:s21] =	ssyncadd.s32 $0xFFFFC180  }
0x43: {  	[tilespmem:s3], [sflag:$0x2] =	stream.linear.gather [hbm4b:s8+s3], $0xA00, $0x38;
	[tilespmem:$0x1CC80] =	vst v63  }
0x44: {  	_ =	swait.ge [sflag:s17], $0xA00  }
0x45: {  	[sflag:s17] =	ssyncset.done $0x0  }
0x46: {  	[sflag:s17] =	ssyncadd.s32 $0xFFFFF600  }
0x47: {  	[tilespmem:s18], [sflag:$0x2] =	stream.linear.gather [hbm4b:s9+s3], $0xA00, $0x38;
	[tilespmem:$0x1CC80] =	vst v63  }
0x48: {  	_ =	swait.ge [sflag:s17], $0xA00  }
0x49: {  	[sflag:s17] =	ssyncset.done $0x0  }
0x4a: {  	[sflag:s17] =	ssyncadd.s32 $0xFFFFF600  }
0x4b: {  	[tilespmem:s20], [sflag:$0x2] =	stream.indirect.gather [hbm4b:s4+s19], $0x80, s3, s19, $0xb8;
	[tilespmem:$0x1CC80] =	vst v63  }
0x4c: {  	s25 =	simm.s32 $0x10000;
	_ =	swait.ge [sflag:s17], $0x3E80  }
0x4d: {  	s0 =	sand.u32 $0x10000, s25;
	[sflag:s17] =	ssyncset.done $0x0  }
0x4e: {  	s0 =	sshrl.u32 s0, $0x2;
	[sflag:s17] =	ssyncadd.s32 $0xFFFFC180  }
0x4f: {  	[spmem:s2] =	stream.indirect.scatter.add.f32 [tilespmem:s20], [sflag:$0x1], $0x80, s18, s19, $0xb8;
	[tilespmem:$0x1CC80] =	vst v63  }
0x50: {  	s26 =	simm.s32 $0x80;
	s25 =	sor.u32 $0x1400, s0  }
0x51: {  	[tilespmem:s25], [sflag:$0x2] =	stream.indirect.gather [hbm4b:s4+s19], $0x80, s26, s19, $0xb8;
	[tilespmem:$0x1CC80] =	vst v63  }
0x52: {  	_ =	swait.ge [sflag:s17], $0x3E80  }
0x53: {  	[sflag:s17] =	ssyncset.done $0x0  }
0x54: {  	s31 =	simm.s32 $0x20000;
	s29 =	simm.s32 $0x30000;
	[sflag:s17] =	ssyncadd.s32 $0xFFFFC180  }
0x55: {  	s30 =	sand.u32 $0x10000, s31;
	s28 =	simm.s32 $0x100;
	_ =	swait.ge [sflag:s21], $0x3E80  }
0x56: {  	s24 =	simm.s32 $0xB00;
	s26 =	simm.s32 $0xA80;
	[sflag:s21] =	ssyncset.done $0x0  }
.LBB2_4:
0x57: {  	s0 =	sshrl.u32 s30, $0x2  }
0x58: {  	[sflag:s21] =	ssyncadd.s32 $0xFFFFC180;
	s30 =	smov.u32 s29;
	s31 =	sadd.s32 $0x10000, s29  }
0x59: {  	[spmem:s2] =	stream.indirect.scatter.add.f32 [tilespmem:s25], [sflag:$0x1], $0x80, s26, s19, $0xb8;
	[tilespmem:$0x1CC80] =	vst v63  }
0x5a: {  	p1 =	sne.s32 s29, $0x130000;
	s25 =	sor.u32 $0x1400, s0;
	s26 =	smov.u32 s24  }
0x5b: {  	[tilespmem:s25], [sflag:$0x2] =	stream.indirect.gather [hbm4b:s4+s19], $0x80, s28, s19, $0xb8;
	[tilespmem:$0x1CC80] =	vst v63  }
.Ltmp1:
0x5c: {  	_ =	swait.ge [sflag:s17], $0x3E80;
	(pc) =	sbr.rel @p1 .LBB2_4-.Ltmp1, $4  }
0x5d: {  	[sflag:s17] =	ssyncset.done $0x0  }
0x5e: {  	[sflag:s17] =	ssyncadd.s32 $0xFFFFC180  }
0x5f: {  	s24 =	sadd.s32 $0x80, s24;
	s30 =	sand.u32 $0x10000, s30;
	_ =	swait.ge [sflag:s21], $0x3E80  }
0x60: {  	s29 =	smov.u32 s31;
	s28 =	sadd.s32 $0x80, s28;
	[sflag:s21] =	ssyncset.done $0x0  }
0x61: {  	s0 =	sshrl.u32 s30, $0x2;
	[sflag:s21] =	ssyncadd.s32 $0xFFFFC180  }
0x62: {  	[spmem:s2] =	stream.indirect.scatter.add.f32 [tilespmem:s25], [sflag:$0x1], $0x80, s26, s19, $0xb8;
	[tilespmem:$0x1CC80] =	vst v63  }
0x63: {  	s0 =	sor.u32 $0x1400, s0  }
0x64: {  	[tilespmem:s0], [sflag:$0x2] =	stream.indirect.gather [hbm4b:s4+s19], $0x80, s28, s19, $0xb8;
	[tilespmem:$0x1CC80] =	vst v63  }
0x65: {  	_ =	swait.ge [sflag:s17], $0x3E80  }
0x66: {  	[sflag:s17] =	ssyncset.done $0x0  }
0x67: {  	[sflag:s17] =	ssyncadd.s32 $0xFFFFC180  }
0x68: {  	_ =	swait.ge [sflag:s21], $0x3E80  }
0x69: {  	[sflag:s21] =	ssyncset.done $0x0  }
0x6a: {  	[sflag:s21] =	ssyncadd.s32 $0xFFFFC180  }
0x6b: {  	[spmem:s2] =	stream.indirect.scatter.add.f32 [tilespmem:s0], [sflag:$0x1], $0x80, s24, s19, $0xb8;
	[tilespmem:$0x1CC80] =	vst v63  }
0x6c: {  	_ =	swait.ge [sflag:s21], $0x3E80  }
0x6d: {  	[sflag:s21] =	ssyncset.done $0x0  }
0x6e: {  	[sflag:s21] =	ssyncadd.s32 $0xFFFFC180  }
0x6f: {  	[tilespmem:s3], [sflag:$0x2] =	stream.linear.gather [hbm4b:s10+s3], $0xA00, $0x38;
	[tilespmem:$0x1CC80] =	vst v63  }
0x70: {  	_ =	swait.ge [sflag:s17], $0xA00  }
0x71: {  	[sflag:s17] =	ssyncset.done $0x0  }
0x72: {  	[sflag:s17] =	ssyncadd.s32 $0xFFFFF600  }
0x73: {  	[tilespmem:s18], [sflag:$0x2] =	stream.linear.gather [hbm4b:s11+s3], $0xA00, $0x38;
	[tilespmem:$0x1CC80] =	vst v63  }
0x74: {  	_ =	swait.ge [sflag:s17], $0xA00  }
0x75: {  	[sflag:s17] =	ssyncset.done $0x0  }
0x76: {  	[sflag:s17] =	ssyncadd.s32 $0xFFFFF600  }
0x77: {  	[tilespmem:s20], [sflag:$0x2] =	stream.indirect.gather [hbm4b:s4+s19], $0x80, s3, s19, $0xb8;
	[tilespmem:$0x1CC80] =	vst v63  }
0x78: {  	s25 =	simm.s32 $0x10000;
	_ =	swait.ge [sflag:s17], $0x3E80  }
0x79: {  	s0 =	sand.u32 $0x10000, s25;
	[sflag:s17] =	ssyncset.done $0x0  }
0x7a: {  	s0 =	sshrl.u32 s0, $0x2;
	[sflag:s17] =	ssyncadd.s32 $0xFFFFC180  }
0x7b: {  	[spmem:s2] =	stream.indirect.scatter.add.f32 [tilespmem:s20], [sflag:$0x1], $0x80, s18, s19, $0xb8;
	[tilespmem:$0x1CC80] =	vst v63  }
0x7c: {  	s26 =	simm.s32 $0x80;
	s25 =	sor.u32 $0x1400, s0  }
0x7d: {  	[tilespmem:s25], [sflag:$0x2] =	stream.indirect.gather [hbm4b:s4+s19], $0x80, s26, s19, $0xb8;
	[tilespmem:$0x1CC80] =	vst v63  }
0x7e: {  	_ =	swait.ge [sflag:s17], $0x3E80  }
0x7f: {  	[sflag:s17] =	ssyncset.done $0x0  }
0x80: {  	s31 =	simm.s32 $0x20000;
	s29 =	simm.s32 $0x30000;
	[sflag:s17] =	ssyncadd.s32 $0xFFFFC180  }
0x81: {  	s30 =	sand.u32 $0x10000, s31;
	s28 =	simm.s32 $0x100;
	_ =	swait.ge [sflag:s21], $0x3E80  }
0x82: {  	s24 =	simm.s32 $0xB00;
	s26 =	simm.s32 $0xA80;
	[sflag:s21] =	ssyncset.done $0x0  }
.LBB2_6:
0x83: {  	s0 =	sshrl.u32 s30, $0x2  }
0x84: {  	[sflag:s21] =	ssyncadd.s32 $0xFFFFC180;
	s30 =	smov.u32 s29;
	s31 =	sadd.s32 $0x10000, s29  }
0x85: {  	[spmem:s2] =	stream.indirect.scatter.add.f32 [tilespmem:s25], [sflag:$0x1], $0x80, s26, s19, $0xb8;
	[tilespmem:$0x1CC80] =	vst v63  }
0x86: {  	p1 =	sne.s32 s29, $0x130000;
	s25 =	sor.u32 $0x1400, s0;
	s26 =	smov.u32 s24  }
0x87: {  	[tilespmem:s25], [sflag:$0x2] =	stream.indirect.gather [hbm4b:s4+s19], $0x80, s28, s19, $0xb8;
	[tilespmem:$0x1CC80] =	vst v63  }
.Ltmp2:
0x88: {  	_ =	swait.ge [sflag:s17], $0x3E80;
	(pc) =	sbr.rel @p1 .LBB2_6-.Ltmp2, $4  }
0x89: {  	[sflag:s17] =	ssyncset.done $0x0  }
0x8a: {  	[sflag:s17] =	ssyncadd.s32 $0xFFFFC180  }
0x8b: {  	s24 =	sadd.s32 $0x80, s24;
	s30 =	sand.u32 $0x10000, s30;
	_ =	swait.ge [sflag:s21], $0x3E80  }
0x8c: {  	s29 =	smov.u32 s31;
	s28 =	sadd.s32 $0x80, s28;
	[sflag:s21] =	ssyncset.done $0x0  }
0x8d: {  	s0 =	sshrl.u32 s30, $0x2;
	[sflag:s21] =	ssyncadd.s32 $0xFFFFC180  }
0x8e: {  	[spmem:s2] =	stream.indirect.scatter.add.f32 [tilespmem:s25], [sflag:$0x1], $0x80, s26, s19, $0xb8;
	[tilespmem:$0x1CC80] =	vst v63  }
0x8f: {  	s0 =	sor.u32 $0x1400, s0  }
0x90: {  	[tilespmem:s0], [sflag:$0x2] =	stream.indirect.gather [hbm4b:s4+s19], $0x80, s28, s19, $0xb8;
	[tilespmem:$0x1CC80] =	vst v63  }
0x91: {  	_ =	swait.ge [sflag:s17], $0x3E80  }
0x92: {  	[sflag:s17] =	ssyncset.done $0x0  }
0x93: {  	[sflag:s17] =	ssyncadd.s32 $0xFFFFC180  }
0x94: {  	_ =	swait.ge [sflag:s21], $0x3E80  }
0x95: {  	[sflag:s21] =	ssyncset.done $0x0  }
0x96: {  	[sflag:s21] =	ssyncadd.s32 $0xFFFFC180  }
0x97: {  	[spmem:s2] =	stream.indirect.scatter.add.f32 [tilespmem:s0], [sflag:$0x1], $0x80, s24, s19, $0xb8;
	[tilespmem:$0x1CC80] =	vst v63  }
0x98: {  	_ =	swait.ge [sflag:s21], $0x3E80  }
0x99: {  	[sflag:s21] =	ssyncset.done $0x0  }
0x9a: {  	[sflag:s21] =	ssyncadd.s32 $0xFFFFC180  }
0x9b: {  	[tilespmem:s3], [sflag:$0x2] =	stream.linear.gather [hbm4b:s12+s3], $0xA00, $0x38;
	[tilespmem:$0x1CC80] =	vst v63  }
0x9c: {  	_ =	swait.ge [sflag:s17], $0xA00  }
0x9d: {  	[sflag:s17] =	ssyncset.done $0x0  }
0x9e: {  	[sflag:s17] =	ssyncadd.s32 $0xFFFFF600  }
0x9f: {  	[tilespmem:s18], [sflag:$0x2] =	stream.linear.gather [hbm4b:s13+s3], $0xA00, $0x38;
	[tilespmem:$0x1CC80] =	vst v63  }
0xa0: {  	_ =	swait.ge [sflag:s17], $0xA00  }
0xa1: {  	[sflag:s17] =	ssyncset.done $0x0  }
0xa2: {  	[sflag:s17] =	ssyncadd.s32 $0xFFFFF600  }
0xa3: {  	[tilespmem:s20], [sflag:$0x2] =	stream.indirect.gather [hbm4b:s4+s19], $0x80, s3, s19, $0xb8;
	[tilespmem:$0x1CC80] =	vst v63  }
0xa4: {  	s25 =	simm.s32 $0x10000;
	_ =	swait.ge [sflag:s17], $0x3E80  }
0xa5: {  	s0 =	sand.u32 $0x10000, s25;
	[sflag:s17] =	ssyncset.done $0x0  }
0xa6: {  	s0 =	sshrl.u32 s0, $0x2;
	[sflag:s17] =	ssyncadd.s32 $0xFFFFC180  }
0xa7: {  	[spmem:s2] =	stream.indirect.scatter.add.f32 [tilespmem:s20], [sflag:$0x1], $0x80, s18, s19, $0xb8;
	[tilespmem:$0x1CC80] =	vst v63  }
0xa8: {  	s26 =	simm.s32 $0x80;
	s25 =	sor.u32 $0x1400, s0  }
0xa9: {  	[tilespmem:s25], [sflag:$0x2] =	stream.indirect.gather [hbm4b:s4+s19], $0x80, s26, s19, $0xb8;
	[tilespmem:$0x1CC80] =	vst v63  }
0xaa: {  	_ =	swait.ge [sflag:s17], $0x3E80  }
0xab: {  	[sflag:s17] =	ssyncset.done $0x0  }
0xac: {  	s31 =	simm.s32 $0x20000;
	s29 =	simm.s32 $0x30000;
	[sflag:s17] =	ssyncadd.s32 $0xFFFFC180  }
0xad: {  	s30 =	sand.u32 $0x10000, s31;
	s28 =	simm.s32 $0x100;
	_ =	swait.ge [sflag:s21], $0x3E80  }
0xae: {  	s24 =	simm.s32 $0xB00;
	s26 =	simm.s32 $0xA80;
	[sflag:s21] =	ssyncset.done $0x0  }
.LBB2_8:
0xaf: {  	s0 =	sshrl.u32 s30, $0x2  }
0xb0: {  	[sflag:s21] =	ssyncadd.s32 $0xFFFFC180;
	s30 =	smov.u32 s29;
	s31 =	sadd.s32 $0x10000, s29  }
0xb1: {  	[spmem:s2] =	stream.indirect.scatter.add.f32 [tilespmem:s25], [sflag:$0x1], $0x80, s26, s19, $0xb8;
	[tilespmem:$0x1CC80] =	vst v63  }
0xb2: {  	p1 =	sne.s32 s29, $0x130000;
	s25 =	sor.u32 $0x1400, s0;
	s26 =	smov.u32 s24  }
0xb3: {  	[tilespmem:s25], [sflag:$0x2] =	stream.indirect.gather [hbm4b:s4+s19], $0x80, s28, s19, $0xb8;
	[tilespmem:$0x1CC80] =	vst v63  }
.Ltmp3:
0xb4: {  	_ =	swait.ge [sflag:s17], $0x3E80;
	(pc) =	sbr.rel @p1 .LBB2_8-.Ltmp3, $4  }
0xb5: {  	[sflag:s17] =	ssyncset.done $0x0  }
0xb6: {  	[sflag:s17] =	ssyncadd.s32 $0xFFFFC180  }
0xb7: {  	s24 =	sadd.s32 $0x80, s24;
	s30 =	sand.u32 $0x10000, s30;
	_ =	swait.ge [sflag:s21], $0x3E80  }
0xb8: {  	s29 =	smov.u32 s31;
	s28 =	sadd.s32 $0x80, s28;
	[sflag:s21] =	ssyncset.done $0x0  }
0xb9: {  	s0 =	sshrl.u32 s30, $0x2;
	[sflag:s21] =	ssyncadd.s32 $0xFFFFC180  }
0xba: {  	[spmem:s2] =	stream.indirect.scatter.add.f32 [tilespmem:s25], [sflag:$0x1], $0x80, s26, s19, $0xb8;
	[tilespmem:$0x1CC80] =	vst v63  }
0xbb: {  	s0 =	sor.u32 $0x1400, s0  }
0xbc: {  	[tilespmem:s0], [sflag:$0x2] =	stream.indirect.gather [hbm4b:s4+s19], $0x80, s28, s19, $0xb8;
	[tilespmem:$0x1CC80] =	vst v63  }
0xbd: {  	_ =	swait.ge [sflag:s17], $0x3E80  }
0xbe: {  	[sflag:s17] =	ssyncset.done $0x0  }
0xbf: {  	[sflag:s17] =	ssyncadd.s32 $0xFFFFC180  }
0xc0: {  	_ =	swait.ge [sflag:s21], $0x3E80  }
0xc1: {  	[sflag:s21] =	ssyncset.done $0x0  }
0xc2: {  	[sflag:s21] =	ssyncadd.s32 $0xFFFFC180  }
0xc3: {  	[spmem:s2] =	stream.indirect.scatter.add.f32 [tilespmem:s0], [sflag:$0x1], $0x80, s24, s19, $0xb8;
	[tilespmem:$0x1CC80] =	vst v63  }
0xc4: {  	_ =	swait.ge [sflag:s21], $0x3E80  }
0xc5: {  	s23 =	sadd.s32 $0x1, s23;
	[sflag:s21] =	ssyncset.done $0x0  }
0xc6: {  	p1 =	sne.s32 s23, s14;
	[sflag:s21] =	ssyncadd.s32 $0xFFFFC180  }
.Ltmp4:
0xc7: {  	s0 =	simm.s32 @!p0 $0x2;
	[bflag:$0x0] =	sbarrier.arrive $0xFFFF;
	(pc) =	sbr.rel @p1 .LBB2_1-.Ltmp4, $4  }
0xc8: {  	[hbm:s22], [sflag:s15] =	dma.local @!p0 [spmem:s16], $0x3E80  }
0xc9: {  	_ =	swait.ge @!p0 [sflag:s0], $0x3E80  }
0xca: {  	[sflag:s0] =	ssyncset.done @!p0 $0x0  }
0xcb: {  	[sflag:s0] =	ssyncadd.s32 @!p0 $0xFFFFC180  }
0xcc: {  	_ =	sfence.sel $0x180000  }
0xcd: {  	[bflag:$0x0] =	sbarrier.arrive $0xFFFF  }
0xce: {  	_ =	strace $0x9000004A  }
0xcf: {  	[bflag:$0x2] =	sbarrier.arrive $0xFFFF  }
0xd0: {  	p0 =	sne.s32 s1, $0x0;
	s0 =	rddreg [dreg:$0x2]  }
0xd1: {  	s0 =	sadd.s32 @!p0 $0x100000, s0  }
0xd2: {  	[sflag:s0] =	ssyncadd.tile.s32 @!p0 $0x1;
	_ =	shalt  }
.Lfunc_end2:
_tile_overlayer_lowered:
.L_overlay_start_2:
0xd3: {  	(tag) =	ssettag $0x2  }
0xd4: {  	s0 =	rddreg [dreg:$0x0];
	s2 =	stileid.u32  }
0xd5: {  	s1 =	rddreg [dreg:$0x1];
	p0 =	sne.s32 s2, $0x0  }
0xd6: {  	s3 =	rddreg [dreg:$0x2];
	[bflag:$0x3] =	sbarrier.arrive $0xFFFF;
	s2 =	simm.s32 @!p0 $0x1C02  }
0xd7: {  	[timem:s3], [sflag:s2] =	dma.local @!p0 [hbm:s0], s1  }
0xd8: {  	s0 =	simm.s32 @!p0 $0x2  }
0xd9: {  	_ =	swait.ge @!p0 [sflag:s0], s1  }
0xda: {  	s1 =	ssub.s32 @!p0 $0x0, s1;
	[sflag:s0] =	ssyncset.done @!p0 $0x0  }
0xdb: {  	[sflag:s0] =	ssyncadd.s32 @!p0 s1  }
0xdc: {  	[bflag:$0x3] =	sbarrier.arrive $0xFFFF  }
0xdd: {  	_ =	shalt  }

// kernel: kernel.15.cloned.1.call-start
scs
__scs_entry_jumppad:
0x0: {  	(pc) =	sbr.rel $0x88, $3  }
0x1: {  	(tag) =	ssettag $0x0;
	lr =	simm.s32 $0x1  }
0x2: {  	[smem:$0x3F91] =	sst lr;
	_ =	strace $0xD0000000  }
0x3: {  	_ = 	snop  }
0x4: {  	_ = 	snop  }
0x5: {  	_ = 	snop  }
0x6: {  	_ = 	snop  }
0x7: {  	_ = 	snop  }
__scs_overlays_trampoline_lowered:
0x8: {  	[smem:$0x3FA0] =	sst s0  }
0x9: {  	[smem:$0x3FA1] =	sst s1  }
0xa: {  	[smem:$0x3FA2] =	sst s2  }
0xb: {  	[smem:$0x3FA3] =	sst s3  }
0xc: {  	[smem:$0x3FA4] =	sst s4  }
0xd: {  	[smem:$0x3FA5] =	sst s5  }
0xe: {  	[smem:$0x3FA6] =	sst s6  }
0xf: {  	[smem:$0x3FA7] =	sst s7  }
0x10: {  	[smem:$0x3FA8] =	sst s8  }
0x11: {  	[smem:$0x3FA9] =	sst s9;
	s0 =	simm.s32 @!p0 $0x0  }
0x12: {  	s1 =	sld [smem:$0x3F8F];
	s0 =	simm.s32 @p0 $0x1  }
0x13: {  	[smem:$0x3FAA] =	sst s0;
	s0 =	simm.s32 @!p1 $0x0  }
0x14: {  	s2 =	sld [smem:$0x3F8E];
	s0 =	simm.s32 @p1 $0x1  }
0x15: {  	[smem:$0x3FAB] =	sst s0;
	s0 =	simm.s32 @!p2 $0x0  }
0x16: {  	s3 =	sld [smem:$0x3FDB];
	s0 =	simm.s32 @p2 $0x1  }
0x17: {  	s4 =	simm.s32 $0x1BF5;
	[smem:$0x3FAD] =	sst s0  }
0x18: {  	s0 =	sld [smem:$0x3F90];
	_ =	swait.ge [sflag:s4], $0x0  }
0x19: {  	s7 =	sld [smem:$0x3F91]  }
0x1a: {  	s8 =	sadd.s32 $0xFFFFE003, lr  }
0x1b: {  	s9 =	sadd.s32 $0xFFFFFEF7, lr;
	s5 =	simm.s32 $0xFFFFFFFF;
	p2 =	slt.u32 s8, $0xFFFFF086  }
0x1c: {  	p1 =	slt.u32 s9, $0xF7A;
	s5 =	simm.s32 @!p2 $0x0  }
0x1d: {  	s5 =	simm.s32 @p1 $0x1;
	p0 =	seq.s32 s7, s2  }
0x1e: {  	s7 =	smul.u32 @!p0 $0xF7A, s2;
	p2 =	seq.s32 @!p0 s5, $0x0  }
0x1f: {  	s9 =	smul.u32 $0xF7A, s1;
	s8 =	simm.s32 @!p0 $0x1BF5;
	p2 =	por !p2, p0  }
0x20: {  	[sflag:s8] =	ssyncset.s32 @!p0 $0xFFFFF086;
	s6 =	sadd.s32 @!p0 s3, s7;
	s7 =	simm.s32 @!p0 $0x108  }
0x21: {  	s3 =	sadd.s32 s3, s9;
	s6 =	sadd.s32 @!p0 $0x88, s6;
	s7 =	simm.s32 @p2 $0x1082  }
0x22: {  	[simem:s7], [sflag:s8] =	dma.local @!p0 [hbm:s6], $0xF7A  }
0x23: {  	s9 =	sor.u32 $0xD0000000, s2;
	s6 =	simm.s32 $0x108;
	_ =	swait.ge @!p0 [sflag:s8], $0x0  }
0x24: {  	s3 =	sadd.s32 $0x88, s3;
	s6 =	simm.s32 @!p1 $0x1082;
	[sflag:s4] =	ssyncset.s32 $0xFFFFF086  }
0x25: {  	[simem:s6], [sflag:s4] =	dma.local [hbm:s3], $0xF7A  }
0x26: {  	[smem:$0x3F91] =	sst s1;
	(tag) =	ssettag s2;
	_ =	strace s9  }
0x27: {  	s1 =	sld [smem:$0x3FA1]  }
0x28: {  	s2 =	sld [smem:$0x3FA2]  }
0x29: {  	s4 =	sld [smem:$0x3FA4]  }
0x2a: {  	p0 =	seq.s32 s5, $0x0;
	s5 =	sld [smem:$0x3FA5]  }
0x2b: {  	s6 =	sld [smem:$0x3FA6]  }
0x2c: {  	s7 =	sld [smem:$0x3FA7]  }
0x2d: {  	s3 =	simm.s32 $0x108;
	s8 =	sld [smem:$0x3FA8]  }
0x2e: {  	s3 =	simm.s32 @!p0 $0x1082;
	s9 =	sld [smem:$0x3FA9]  }
0x2f: {  	lr =	sadd.s32 s0, s3;
	s0 =	sld [smem:$0x3FA0]  }
0x30: {  	s3 =	sld [smem:$0x3FA3]  }
0x31: {  	[smem:$0x3FAC] =	sst s10  }
0x32: {  	s10 =	sld [smem:$0x3FAA];
	_ =	sdelay $0x3  }
0x33: {  	p0 =	seq.s32 s10, $0x1;
	s10 =	sld [smem:$0x3FAC];
	_ =	sdelay $0x3  }
0x34: {  	[smem:$0x3FAC] =	sst s10  }
0x35: {  	s10 =	sld [smem:$0x3FAB];
	_ =	sdelay $0x3  }
0x36: {  	p1 =	seq.s32 s10, $0x1;
	s10 =	sld [smem:$0x3FAC];
	_ =	sdelay $0x3  }
0x37: {  	[smem:$0x3FAC] =	sst s10  }
0x38: {  	s10 =	sld [smem:$0x3FAD]  }
0x39: {  	_ = 	snop;
	(pc) =	sbr.ind lr, $3  }
0x3a: {  	_ = 	snop  }
0x3b: {  	_ = 	snop  }
0x3c: {  	p2 =	seq.s32 s10, $0x1;
	s10 =	sld [smem:$0x3FAC]  }
0x3d: {  	_ =	shalt  }
0x3e: {  	_ =	shalt  }
0x3f: {  	_ =	shalt  }
0x40: {  	_ =	shalt  }
0x41: {  	_ =	shalt  }
0x42: {  	_ =	shalt  }
0x43: {  	_ =	shalt  }
0x44: {  	_ =	shalt  }
0x45: {  	_ =	shalt  }
0x46: {  	_ =	shalt  }
0x47: {  	_ =	shalt  }
0x48: {  	_ =	shalt  }
0x49: {  	_ =	shalt  }
0x4a: {  	_ =	shalt  }
0x4b: {  	_ =	shalt  }
0x4c: {  	_ =	shalt  }
0x4d: {  	_ =	shalt  }
0x4e: {  	_ =	shalt  }
0x4f: {  	_ =	shalt  }
0x50: {  	_ =	shalt  }
0x51: {  	_ =	shalt  }
0x52: {  	_ =	shalt  }
0x53: {  	_ =	shalt  }
0x54: {  	_ =	shalt  }
0x55: {  	_ =	shalt  }
0x56: {  	_ =	shalt  }
0x57: {  	_ =	shalt  }
0x58: {  	_ =	shalt  }
0x59: {  	_ =	shalt  }
0x5a: {  	_ =	shalt  }
0x5b: {  	_ =	shalt  }
0x5c: {  	_ =	shalt  }
0x5d: {  	_ =	shalt  }
0x5e: {  	_ =	shalt  }
0x5f: {  	_ =	shalt  }
0x60: {  	_ =	shalt  }
0x61: {  	_ =	shalt  }
0x62: {  	_ =	shalt  }
0x63: {  	_ =	shalt  }
0x64: {  	_ =	shalt  }
0x65: {  	_ =	shalt  }
0x66: {  	_ =	shalt  }
0x67: {  	_ =	shalt  }
0x68: {  	_ =	shalt  }
0x69: {  	_ =	shalt  }
0x6a: {  	_ =	shalt  }
0x6b: {  	_ =	shalt  }
0x6c: {  	_ =	shalt  }
0x6d: {  	_ =	shalt  }
0x6e: {  	_ =	shalt  }
0x6f: {  	_ =	shalt  }
0x70: {  	_ =	shalt  }
0x71: {  	_ =	shalt  }
0x72: {  	_ =	shalt  }
0x73: {  	_ =	shalt  }
0x74: {  	_ =	shalt  }
0x75: {  	_ =	shalt  }
0x76: {  	_ =	shalt  }
0x77: {  	_ =	shalt  }
0x78: {  	_ =	shalt  }
0x79: {  	_ =	shalt  }
0x7a: {  	_ =	shalt  }
0x7b: {  	_ =	shalt  }
0x7c: {  	_ =	shalt  }
0x7d: {  	_ =	shalt  }
0x7e: {  	_ =	shalt  }
0x7f: {  	_ =	shalt  }
0x80: {  	_ =	shalt  }
0x81: {  	_ =	shalt  }
0x82: {  	_ =	shalt  }
0x83: {  	_ =	shalt  }
0x84: {  	_ =	shalt  }
0x85: {  	_ =	shalt  }
0x86: {  	_ =	shalt  }
0x87: {  	_ =	shalt  }
.Lfunc_end0:
.L_simem_size_0:
called_computation.2_lowered:
.L_overlay_start_0:
0x88: {  	s2 =	sld [smem:$0x3FD9]  }
0x89: {  	s3 =	sld [smem:$0x3FFE];
	_ =	sdelay $0x1  }
0x8a: {  	s1 =	srdreg.scid  }
0x8b: {  	s0 =	sand.u32 $0x1, s1  }
0x8c: {  	s16 =	sshll.u32 s0, $0xA;
	s2 =	sadd.s32 s3, s2  }
0x8d: {  	s2 =	sadd.s32 s2, s16  }
0x8e: {  	[smem:$0x3FB8] =	sst s2  }
0x8f: {  	_ = 	snop  }
0x90: {  	(tm) =	ssettm $0x1  }
0x91: {  	s17 =	sld [smem:$0x3FFB];
	_ =	sdelay $0x3  }
0x92: {  	_ =	strace s17  }
0x93: {  	s2 =	sld [smem:$0x3FFC];
	_ =	sdelay $0x3  }
0x94: {  	_ =	strace s2  }
0x95: {  	s2 =	sld [smem:$0x3FFD];
	_ =	sdelay $0x3  }
0x96: {  	_ =	strace s2  }
0x97: {  	_ =	strace $0x8FFFFFFF  }
0x98: {  	s18 =	sld [smem:$0x3FDB];
	_ =	sdelay $0x1  }
0x99: {  	s19 =	simm.s32 $_scs_section_size  }
0x9a: {  	s4 =	simm.s32 $_size__tile_overlayer_lowered;
	s5 =	simm.s32 $_tile_overlayer_lowered  }
0x9b: {  	s22 =	simm.s32 $0x1BFF;
	s21 =	sshll.u32 s5, $0x1;
	s2 =	sadd.s32 s19, s18  }
0x9c: {  	s6 =	simm.s32 $0x0;
	s20 =	sshll.u32 s4, $0x1;
	s4 =	sadd.s32 s21, s2  }
0x9d: {  	[timem:s6], [sflag:s22] =	dma.local [hbm:s4], s20  }
0x9e: {  	_ =	swait.ge [sflag:s22], s20  }
0x9f: {  	s3 =	ssub.s32 $0x0, s20;
	[sflag:s22] =	ssyncset.done $0x0  }
0xa0: {  	[sflag:s22] =	ssyncadd.s32 s3;
	_ =	sdelay $0x1  }
0xa1: {  	s23 =	simm.s32 $0x1B8B  }
0xa2: {  	_ =	swait.ge [sflag:s23], $0x1  }
0xa3: {  	[sflag:s23] =	ssyncset.done $0x0  }
0xa4: {  	s25 =	simm.s32 $0x1B8E;
	s24 =	sld [smem:$0x3FFE];
	[sflag:s23] =	ssyncadd.s32 $0xFFFFFFFF  }
0xa5: {  	s26 =	simm.s32 $execute0_lowered;
	[smem:$0x3FD2] =	sst s25  }
0xa6: {  	s4 =	sshll.u32 s26, $0x1;
	_ =	strace $0x8000004C;
	[dreg:$0x1] =	wrdreg $0xFFFFFFFF  }
0xa7: {  	s28 =	simm.s32 $_size_execute0_lowered;
	s2 =	sadd.s32 s2, s4;
	[dreg:$0x0] =	wrdreg $0x0  }
0xa8: {  	s4 =	sshll.u32 s28, $0x1;
	[dreg:$0x2] =	wrdreg s2  }
0xa9: {  	[dreg:$0x3] =	wrdreg s4  }
0xaa: {  	[dreg:$0x4] =	wrdreg $0xC0  }
0xab: {  	_ =	task [dreg:s6], $0x5FFFF  }
0xac: {  	[dreg:$0x1] =	wrdreg $0xFFFFFFFF  }
0xad: {  	[dreg:$0x0] =	wrdreg $0x60  }
0xae: {  	[dreg:$0x2] =	wrdreg s24  }
0xaf: {  	[dreg:$0x3] =	wrdreg $0x94000  }
0xb0: {  	[dreg:$0x4] =	wrdreg $0x9  }
0xb1: {  	_ =	task.clear_ibuf [dreg:s6], $0x5FFFF;
	_ =	strace $0x9000004C  }
0xb2: {  	s29 =	simm.s32 $0x9;
	_ =	strace $0x8000004E  }
0xb3: {  	_ =	swait.ge [sflag:s29], $0x1  }
0xb4: {  	[sflag:s29] =	ssyncadd.s32 $0xFFFFFFFF  }
0xb5: {  	_ =	strace $0x9000004E  }
0xb6: {  	_ =	sfence  }
0xb7: {  	s30 =	sld [smem:$0x0];
	_ =	sdelay $0x2  }
0xb8: {  	s31 =	sshll.u32 s1, $0xD;
	s1 =	sshrl.u32 s1, $0x2  }
0xb9: {  	s3 =	sand.u32 $0x4000, s31;
	s1 =	sadd.s32 s1, s30  }
0xba: {  	s0 =	sor.u32 s3, s0;
	s1 =	sshll.u32 s1, $0x11  }
0xbb: {  	s0 =	sor.u32 s1, s0  }
0xbc: {  	s0 =	sadd.s32 $0x8F2B, s0  }
0xbd: {  	[sflag:s0] =	ssyncadd.remote.s32 $0x1  }
0xbe: {  	_ =	sfence.sel $0xFFFF  }
0xbf: {  	[dreg:$0x0] =	wrdreg $0xFFFFFFFF;
	(pc) =	sbr.abs _section_cstart, $3  }
0xc0: {  	[dreg:$0x1] =	wrdreg $0xFFFFFFFF  }
0xc1: {  	_ =	task.clear_ibuf [dreg:s6], $0x2FFFF;
	_ =	strace $0x9FFFFFFF  }
0xc2: {  	(tm) =	ssettm $0x7FFFFFFF  }
0xc3: {  	_ =	shalt  }
tec
execute0_lowered:
.L_overlay_start_1:
0x0: {  	(tag) =	ssettag $0x1  }
0x1: {  	s6 =	rddreg [dreg:$0x0]  }
0x2: {  	s0 =	srdreg.scid;
	s2 =	rddreg [dreg:$0x1]  }
0x3: {  	s1 =	stileid.u32;
	s3 =	simm.s32 $0x0;
	s17 =	simm.s32 $0x2  }
0x4: {  	s18 =	simm.s32 $0xA00;
	s19 =	simm.s32 $0x7D;
	s20 =	simm.s32 $0x1400  }
0x5: {  	s21 =	simm.s32 $0x1;
	s7 =	sand.u32 $0x1, s0;
	s9 =	smul.u32 $0x7D000, s1  }
0x6: {  	[smem:$0x7FF] =	sst s3;
	p0 =	sgt.u32 s1, $0x9;
	s23 =	smul.u32 $0x3E80, s1  }
0x7: {  	s4 =	sshll.u32 s7, $0x4;
	s8 =	smul.u32 $0x27100, s7;
	s7 =	ssub.s32 $0x2, s7  }
0x8: {  	_ =	strace $0x8000004D;
	s4 =	sor.u32 s1, s4;
	s30 =	sshrl.u32 s7, $0x1  }
0x9: {  	s31 =	sshrl.u32 s9, $0x2;
	s5 =	smul.u32 $0x2800, s4;
	s4 =	sadd.s32 $0x82400, s6  }
0xa: {  	s14 =	sadd.s32 s8, s6;
	s15 =	ssub.s32 s7, s30;
	s16 =	sadd.s32 s31, s2  }
0xb: {  	s22 =	sadd.s32 $0xA9600, s14;
	s14 =	smax.u32 s15, $0x1;
	s15 =	sshll.u32 @!p0 s1, $0x6  }
0xc: {  	s16 =	sshrl.u32 @!p0 s16, $0x3;
	s5 =	sshrl.u32 s5, $0x3;
	s15 =	sor.u32 @!p0 $0x1C02, s15  }
0xd: {  	s22 =	sadd.s32 @!p0 s23, s22;
	s23 =	simm.s32 $0x0;
	s13 =	sadd.s32 s5, s6  }
0xe: {  	s5 =	sadd.s32 $0x4E00, s6;
	s6 =	sadd.s32 $0x20200, s13;
	s7 =	sadd.s32 $0x2A200, s13  }
0xf: {  	s8 =	sadd.s32 $0x20340, s13;
	s9 =	sadd.s32 $0x2A340, s13;
	s10 =	sadd.s32 $0x20480, s13  }
0x10: {  	s11 =	sadd.s32 $0x2A480, s13;
	s12 =	sadd.s32 $0x205C0, s13;
	s13 =	sadd.s32 $0x2A5C0, s13  }
.LBB2_1:
0x11: {  	[spmem:s16], [sflag:s15] =	dma.local @!p0 [hbm:s5], $0x3E80  }
0x12: {  	s24 =	simm.s32 @!p0 $0x2  }
0x13: {  	_ =	swait.ge @!p0 [sflag:s24], $0x3E80  }
0x14: {  	[sflag:s24] =	ssyncset.done @!p0 $0x0  }
0x15: {  	[sflag:s24] =	ssyncadd.s32 @!p0 $0xFFFFC180  }
0x16: {  	[bflag:$0x0] =	sbarrier.arrive $0xFFFF  }
0x17: {  	[tilespmem:s3], [sflag:$0x2] =	stream.linear.gather [hbm4b:s6+s3], $0xA00, $0x38;
	[tilespmem:$0x1CC80] =	vst v63  }
0x18: {  	_ =	swait.ge [sflag:s17], $0xA00  }
0x19: {  	[sflag:s17] =	ssyncset.done $0x0  }
0x1a: {  	[sflag:s17] =	ssyncadd.s32 $0xFFFFF600  }
0x1b: {  	[tilespmem:s18], [sflag:$0x2] =	stream.linear.gather [hbm4b:s7+s3], $0xA00, $0x38;
	[tilespmem:$0x1CC80] =	vst v63  }
0x1c: {  	_ =	swait.ge [sflag:s17], $0xA00  }
0x1d: {  	[sflag:s17] =	ssyncset.done $0x0  }
0x1e: {  	[sflag:s17] =	ssyncadd.s32 $0xFFFFF600  }
0x1f: {  	[tilespmem:s20], [sflag:$0x2] =	stream.indirect.gather [hbm4b:s4+s19], $0x80, s3, s19, $0xb8;
	[tilespmem:$0x1CC80] =	vst v63  }
0x20: {  	s31 =	simm.s32 $0x10000;
	_ =	swait.ge [sflag:s17], $0x3E80  }
0x21: {  	s24 =	sand.u32 $0x10000, s31;
	[sflag:s17] =	ssyncset.done $0x0  }
0x22: {  	s24 =	sshrl.u32 s24, $0x2;
	[sflag:s17] =	ssyncadd.s32 $0xFFFFC180  }
0x23: {  	[spmem:s2] =	stream.indirect.scatter.add.f32 [tilespmem:s20], [sflag:$0x1], $0x80, s18, s19, $0xb8;
	[tilespmem:$0x1CC80] =	vst v63  }
0x24: {  	s26 =	simm.s32 $0x80;
	s25 =	sor.u32 $0x1400, s24  }
0x25: {  	[tilespmem:s25], [sflag:$0x2] =	stream.indirect.gather [hbm4b:s4+s19], $0x80, s26, s19, $0xb8;
	[tilespmem:$0x1CC80] =	vst v63  }
0x26: {  	_ =	swait.ge [sflag:s17], $0x3E80  }
0x27: {  	[sflag:s17] =	ssyncset.done $0x0  }
0x28: {  	s28 =	simm.s32 $0x20000;
	s29 =	simm.s32 $0x30000;
	[sflag:s17] =	ssyncadd.s32 $0xFFFFC180  }
0x29: {  	s30 =	sand.u32 $0x10000, s28;
	s28 =	simm.s32 $0x100;
	_ =	swait.ge [sflag:s21], $0x3E80  }
0x2a: {  	s24 =	simm.s32 $0xB00;
	s26 =	simm.s32 $0xA80;
	[sflag:s21] =	ssyncset.done $0x0  }
.LBB2_2:
0x2b: {  	s30 =	sshrl.u32 s30, $0x2  }
0x2c: {  	[sflag:s21] =	ssyncadd.s32 $0xFFFFC180;
	s31 =	smov.u32 s29;
	s0 =	sadd.s32 $0x10000, s29  }
0x2d: {  	[spmem:s2] =	stream.indirect.scatter.add.f32 [tilespmem:s25], [sflag:$0x1], $0x80, s26, s19, $0xb8;
	[tilespmem:$0x1CC80] =	vst v63  }
0x2e: {  	p1 =	sne.s32 s29, $0x130000;
	s25 =	sor.u32 $0x1400, s30;
	s26 =	smov.u32 s24  }
0x2f: {  	[tilespmem:s25], [sflag:$0x2] =	stream.indirect.gather [hbm4b:s4+s19], $0x80, s28, s19, $0xb8;
	[tilespmem:$0x1CC80] =	vst v63  }
.Ltmp0:
0x30: {  	_ =	swait.ge [sflag:s17], $0x3E80;
	(pc) =	sbr.rel @p1 .LBB2_2-.Ltmp0, $4  }
0x31: {  	[sflag:s17] =	ssyncset.done $0x0  }
0x32: {  	[sflag:s17] =	ssyncadd.s32 $0xFFFFC180  }
0x33: {  	s24 =	sadd.s32 $0x80, s24;
	s30 =	sand.u32 $0x10000, s31;
	_ =	swait.ge [sflag:s21], $0x3E80  }
0x34: {  	s29 =	smov.u32 s0;
	s28 =	sadd.s32 $0x80, s28;
	[sflag:s21] =	ssyncset.done $0x0  }
0x35: {  	s0 =	sshrl.u32 s30, $0x2;
	[sflag:s21] =	ssyncadd.s32 $0xFFFFC180  }
0x36: {  	[spmem:s2] =	stream.indirect.scatter.add.f32 [tilespmem:s25], [sflag:$0x1], $0x80, s26, s19, $0xb8;
	[tilespmem:$0x1CC80] =	vst v63  }
0x37: {  	s0 =	sor.u32 $0x1400, s0  }
0x38: {  	[tilespmem:s0], [sflag:$0x2] =	stream.indirect.gather [hbm4b:s4+s19], $0x80, s28, s19, $0xb8;
	[tilespmem:$0x1CC80] =	vst v63  }
0x39: {  	_ =	swait.ge [sflag:s17], $0x3E80  }
0x3a: {  	[sflag:s17] =	ssyncset.done $0x0  }
0x3b: {  	[sflag:s17] =	ssyncadd.s32 $0xFFFFC180  }
0x3c: {  	_ =	swait.ge [sflag:s21], $0x3E80  }
0x3d: {  	[sflag:s21] =	ssyncset.done $0x0  }
0x3e: {  	[sflag:s21] =	ssyncadd.s32 $0xFFFFC180  }
0x3f: {  	[spmem:s2] =	stream.indirect.scatter.add.f32 [tilespmem:s0], [sflag:$0x1], $0x80, s24, s19, $0xb8;
	[tilespmem:$0x1CC80] =	vst v63  }
0x40: {  	_ =	swait.ge [sflag:s21], $0x3E80  }
0x41: {  	[sflag:s21] =	ssyncset.done $0x0  }
0x42: {  	[sflag:s21] =	ssyncadd.s32 $0xFFFFC180  }
0x43: {  	[tilespmem:s3], [sflag:$0x2] =	stream.linear.gather [hbm4b:s8+s3], $0xA00, $0x38;
	[tilespmem:$0x1CC80] =	vst v63  }
0x44: {  	_ =	swait.ge [sflag:s17], $0xA00  }
0x45: {  	[sflag:s17] =	ssyncset.done $0x0  }
0x46: {  	[sflag:s17] =	ssyncadd.s32 $0xFFFFF600  }
0x47: {  	[tilespmem:s18], [sflag:$0x2] =	stream.linear.gather [hbm4b:s9+s3], $0xA00, $0x38;
	[tilespmem:$0x1CC80] =	vst v63  }
0x48: {  	_ =	swait.ge [sflag:s17], $0xA00  }
0x49: {  	[sflag:s17] =	ssyncset.done $0x0  }
0x4a: {  	[sflag:s17] =	ssyncadd.s32 $0xFFFFF600  }
0x4b: {  	[tilespmem:s20], [sflag:$0x2] =	stream.indirect.gather [hbm4b:s4+s19], $0x80, s3, s19, $0xb8;
	[tilespmem:$0x1CC80] =	vst v63  }
0x4c: {  	s25 =	simm.s32 $0x10000;
	_ =	swait.ge [sflag:s17], $0x3E80  }
0x4d: {  	s0 =	sand.u32 $0x10000, s25;
	[sflag:s17] =	ssyncset.done $0x0  }
0x4e: {  	s0 =	sshrl.u32 s0, $0x2;
	[sflag:s17] =	ssyncadd.s32 $0xFFFFC180  }
0x4f: {  	[spmem:s2] =	stream.indirect.scatter.add.f32 [tilespmem:s20], [sflag:$0x1], $0x80, s18, s19, $0xb8;
	[tilespmem:$0x1CC80] =	vst v63  }
0x50: {  	s26 =	simm.s32 $0x80;
	s25 =	sor.u32 $0x1400, s0  }
0x51: {  	[tilespmem:s25], [sflag:$0x2] =	stream.indirect.gather [hbm4b:s4+s19], $0x80, s26, s19, $0xb8;
	[tilespmem:$0x1CC80] =	vst v63  }
0x52: {  	_ =	swait.ge [sflag:s17], $0x3E80  }
0x53: {  	[sflag:s17] =	ssyncset.done $0x0  }
0x54: {  	s31 =	simm.s32 $0x20000;
	s29 =	simm.s32 $0x30000;
	[sflag:s17] =	ssyncadd.s32 $0xFFFFC180  }
0x55: {  	s30 =	sand.u32 $0x10000, s31;
	s28 =	simm.s32 $0x100;
	_ =	swait.ge [sflag:s21], $0x3E80  }
0x56: {  	s24 =	simm.s32 $0xB00;
	s26 =	simm.s32 $0xA80;
	[sflag:s21] =	ssyncset.done $0x0  }
.LBB2_4:
0x57: {  	s0 =	sshrl.u32 s30, $0x2  }
0x58: {  	[sflag:s21] =	ssyncadd.s32 $0xFFFFC180;
	s30 =	smov.u32 s29;
	s31 =	sadd.s32 $0x10000, s29  }
0x59: {  	[spmem:s2] =	stream.indirect.scatter.add.f32 [tilespmem:s25], [sflag:$0x1], $0x80, s26, s19, $0xb8;
	[tilespmem:$0x1CC80] =	vst v63  }
0x5a: {  	p1 =	sne.s32 s29, $0x130000;
	s25 =	sor.u32 $0x1400, s0;
	s26 =	smov.u32 s24  }
0x5b: {  	[tilespmem:s25], [sflag:$0x2] =	stream.indirect.gather [hbm4b:s4+s19], $0x80, s28, s19, $0xb8;
	[tilespmem:$0x1CC80] =	vst v63  }
.Ltmp1:
0x5c: {  	_ =	swait.ge [sflag:s17], $0x3E80;
	(pc) =	sbr.rel @p1 .LBB2_4-.Ltmp1, $4  }
0x5d: {  	[sflag:s17] =	ssyncset.done $0x0  }
0x5e: {  	[sflag:s17] =	ssyncadd.s32 $0xFFFFC180  }
0x5f: {  	s24 =	sadd.s32 $0x80, s24;
	s30 =	sand.u32 $0x10000, s30;
	_ =	swait.ge [sflag:s21], $0x3E80  }
0x60: {  	s29 =	smov.u32 s31;
	s28 =	sadd.s32 $0x80, s28;
	[sflag:s21] =	ssyncset.done $0x0  }
0x61: {  	s0 =	sshrl.u32 s30, $0x2;
	[sflag:s21] =	ssyncadd.s32 $0xFFFFC180  }
0x62: {  	[spmem:s2] =	stream.indirect.scatter.add.f32 [tilespmem:s25], [sflag:$0x1], $0x80, s26, s19, $0xb8;
	[tilespmem:$0x1CC80] =	vst v63  }
0x63: {  	s0 =	sor.u32 $0x1400, s0  }
0x64: {  	[tilespmem:s0], [sflag:$0x2] =	stream.indirect.gather [hbm4b:s4+s19], $0x80, s28, s19, $0xb8;
	[tilespmem:$0x1CC80] =	vst v63  }
0x65: {  	_ =	swait.ge [sflag:s17], $0x3E80  }
0x66: {  	[sflag:s17] =	ssyncset.done $0x0  }
0x67: {  	[sflag:s17] =	ssyncadd.s32 $0xFFFFC180  }
0x68: {  	_ =	swait.ge [sflag:s21], $0x3E80  }
0x69: {  	[sflag:s21] =	ssyncset.done $0x0  }
0x6a: {  	[sflag:s21] =	ssyncadd.s32 $0xFFFFC180  }
0x6b: {  	[spmem:s2] =	stream.indirect.scatter.add.f32 [tilespmem:s0], [sflag:$0x1], $0x80, s24, s19, $0xb8;
	[tilespmem:$0x1CC80] =	vst v63  }
0x6c: {  	_ =	swait.ge [sflag:s21], $0x3E80  }
0x6d: {  	[sflag:s21] =	ssyncset.done $0x0  }
0x6e: {  	[sflag:s21] =	ssyncadd.s32 $0xFFFFC180  }
0x6f: {  	[tilespmem:s3], [sflag:$0x2] =	stream.linear.gather [hbm4b:s10+s3], $0xA00, $0x38;
	[tilespmem:$0x1CC80] =	vst v63  }
0x70: {  	_ =	swait.ge [sflag:s17], $0xA00  }
0x71: {  	[sflag:s17] =	ssyncset.done $0x0  }
0x72: {  	[sflag:s17] =	ssyncadd.s32 $0xFFFFF600  }
0x73: {  	[tilespmem:s18], [sflag:$0x2] =	stream.linear.gather [hbm4b:s11+s3], $0xA00, $0x38;
	[tilespmem:$0x1CC80] =	vst v63  }
0x74: {  	_ =	swait.ge [sflag:s17], $0xA00  }
0x75: {  	[sflag:s17] =	ssyncset.done $0x0  }
0x76: {  	[sflag:s17] =	ssyncadd.s32 $0xFFFFF600  }
0x77: {  	[tilespmem:s20], [sflag:$0x2] =	stream.indirect.gather [hbm4b:s4+s19], $0x80, s3, s19, $0xb8;
	[tilespmem:$0x1CC80] =	vst v63  }
0x78: {  	s25 =	simm.s32 $0x10000;
	_ =	swait.ge [sflag:s17], $0x3E80  }
0x79: {  	s0 =	sand.u32 $0x10000, s25;
	[sflag:s17] =	ssyncset.done $0x0  }
0x7a: {  	s0 =	sshrl.u32 s0, $0x2;
	[sflag:s17] =	ssyncadd.s32 $0xFFFFC180  }
0x7b: {  	[spmem:s2] =	stream.indirect.scatter.add.f32 [tilespmem:s20], [sflag:$0x1], $0x80, s18, s19, $0xb8;
	[tilespmem:$0x1CC80] =	vst v63  }
0x7c: {  	s26 =	simm.s32 $0x80;
	s25 =	sor.u32 $0x1400, s0  }
0x7d: {  	[tilespmem:s25], [sflag:$0x2] =	stream.indirect.gather [hbm4b:s4+s19], $0x80, s26, s19, $0xb8;
	[tilespmem:$0x1CC80] =	vst v63  }
0x7e: {  	_ =	swait.ge [sflag:s17], $0x3E80  }
0x7f: {  	[sflag:s17] =	ssyncset.done $0x0  }
0x80: {  	s31 =	simm.s32 $0x20000;
	s29 =	simm.s32 $0x30000;
	[sflag:s17] =	ssyncadd.s32 $0xFFFFC180  }
0x81: {  	s30 =	sand.u32 $0x10000, s31;
	s28 =	simm.s32 $0x100;
	_ =	swait.ge [sflag:s21], $0x3E80  }
0x82: {  	s24 =	simm.s32 $0xB00;
	s26 =	simm.s32 $0xA80;
	[sflag:s21] =	ssyncset.done $0x0  }
.LBB2_6:
0x83: {  	s0 =	sshrl.u32 s30, $0x2  }
0x84: {  	[sflag:s21] =	ssyncadd.s32 $0xFFFFC180;
	s30 =	smov.u32 s29;
	s31 =	sadd.s32 $0x10000, s29  }
0x85: {  	[spmem:s2] =	stream.indirect.scatter.add.f32 [tilespmem:s25], [sflag:$0x1], $0x80, s26, s19, $0xb8;
	[tilespmem:$0x1CC80] =	vst v63  }
0x86: {  	p1 =	sne.s32 s29, $0x130000;
	s25 =	sor.u32 $0x1400, s0;
	s26 =	smov.u32 s24  }
0x87: {  	[tilespmem:s25], [sflag:$0x2] =	stream.indirect.gather [hbm4b:s4+s19], $0x80, s28, s19, $0xb8;
	[tilespmem:$0x1CC80] =	vst v63  }
.Ltmp2:
0x88: {  	_ =	swait.ge [sflag:s17], $0x3E80;
	(pc) =	sbr.rel @p1 .LBB2_6-.Ltmp2, $4  }
0x89: {  	[sflag:s17] =	ssyncset.done $0x0  }
0x8a: {  	[sflag:s17] =	ssyncadd.s32 $0xFFFFC180  }
0x8b: {  	s24 =	sadd.s32 $0x80, s24;
	s30 =	sand.u32 $0x10000, s30;
	_ =	swait.ge [sflag:s21], $0x3E80  }
0x8c: {  	s29 =	smov.u32 s31;
	s28 =	sadd.s32 $0x80, s28;
	[sflag:s21] =	ssyncset.done $0x0  }
0x8d: {  	s0 =	sshrl.u32 s30, $0x2;
	[sflag:s21] =	ssyncadd.s32 $0xFFFFC180  }
0x8e: {  	[spmem:s2] =	stream.indirect.scatter.add.f32 [tilespmem:s25], [sflag:$0x1], $0x80, s26, s19, $0xb8;
	[tilespmem:$0x1CC80] =	vst v63  }
0x8f: {  	s0 =	sor.u32 $0x1400, s0  }
0x90: {  	[tilespmem:s0], [sflag:$0x2] =	stream.indirect.gather [hbm4b:s4+s19], $0x80, s28, s19, $0xb8;
	[tilespmem:$0x1CC80] =	vst v63  }
0x91: {  	_ =	swait.ge [sflag:s17], $0x3E80  }
0x92: {  	[sflag:s17] =	ssyncset.done $0x0  }
0x93: {  	[sflag:s17] =	ssyncadd.s32 $0xFFFFC180  }
0x94: {  	_ =	swait.ge [sflag:s21], $0x3E80  }
0x95: {  	[sflag:s21] =	ssyncset.done $0x0  }
0x96: {  	[sflag:s21] =	ssyncadd.s32 $0xFFFFC180  }
0x97: {  	[spmem:s2] =	stream.indirect.scatter.add.f32 [tilespmem:s0], [sflag:$0x1], $0x80, s24, s19, $0xb8;
	[tilespmem:$0x1CC80] =	vst v63  }
0x98: {  	_ =	swait.ge [sflag:s21], $0x3E80  }
0x99: {  	[sflag:s21] =	ssyncset.done $0x0  }
0x9a: {  	[sflag:s21] =	ssyncadd.s32 $0xFFFFC180  }
0x9b: {  	[tilespmem:s3], [sflag:$0x2] =	stream.linear.gather [hbm4b:s12+s3], $0xA00, $0x38;
	[tilespmem:$0x1CC80] =	vst v63  }
0x9c: {  	_ =	swait.ge [sflag:s17], $0xA00  }
0x9d: {  	[sflag:s17] =	ssyncset.done $0x0  }
0x9e: {  	[sflag:s17] =	ssyncadd.s32 $0xFFFFF600  }
0x9f: {  	[tilespmem:s18], [sflag:$0x2] =	stream.linear.gather [hbm4b:s13+s3], $0xA00, $0x38;
	[tilespmem:$0x1CC80] =	vst v63  }
0xa0: {  	_ =	swait.ge [sflag:s17], $0xA00  }
0xa1: {  	[sflag:s17] =	ssyncset.done $0x0  }
0xa2: {  	[sflag:s17] =	ssyncadd.s32 $0xFFFFF600  }
0xa3: {  	[tilespmem:s20], [sflag:$0x2] =	stream.indirect.gather [hbm4b:s4+s19], $0x80, s3, s19, $0xb8;
	[tilespmem:$0x1CC80] =	vst v63  }
0xa4: {  	s25 =	simm.s32 $0x10000;
	_ =	swait.ge [sflag:s17], $0x3E80  }
0xa5: {  	s0 =	sand.u32 $0x10000, s25;
	[sflag:s17] =	ssyncset.done $0x0  }
0xa6: {  	s0 =	sshrl.u32 s0, $0x2;
	[sflag:s17] =	ssyncadd.s32 $0xFFFFC180  }
0xa7: {  	[spmem:s2] =	stream.indirect.scatter.add.f32 [tilespmem:s20], [sflag:$0x1], $0x80, s18, s19, $0xb8;
	[tilespmem:$0x1CC80] =	vst v63  }
0xa8: {  	s26 =	simm.s32 $0x80;
	s25 =	sor.u32 $0x1400, s0  }
0xa9: {  	[tilespmem:s25], [sflag:$0x2] =	stream.indirect.gather [hbm4b:s4+s19], $0x80, s26, s19, $0xb8;
	[tilespmem:$0x1CC80] =	vst v63  }
0xaa: {  	_ =	swait.ge [sflag:s17], $0x3E80  }
0xab: {  	[sflag:s17] =	ssyncset.done $0x0  }
0xac: {  	s31 =	simm.s32 $0x20000;
	s29 =	simm.s32 $0x30000;
	[sflag:s17] =	ssyncadd.s32 $0xFFFFC180  }
0xad: {  	s30 =	sand.u32 $0x10000, s31;
	s28 =	simm.s32 $0x100;
	_ =	swait.ge [sflag:s21], $0x3E80  }
0xae: {  	s24 =	simm.s32 $0xB00;
	s26 =	simm.s32 $0xA80;
	[sflag:s21] =	ssyncset.done $0x0  }
.LBB2_8:
0xaf: {  	s0 =	sshrl.u32 s30, $0x2  }
0xb0: {  	[sflag:s21] =	ssyncadd.s32 $0xFFFFC180;
	s30 =	smov.u32 s29;
	s31 =	sadd.s32 $0x10000, s29  }
0xb1: {  	[spmem:s2] =	stream.indirect.scatter.add.f32 [tilespmem:s25], [sflag:$0x1], $0x80, s26, s19, $0xb8;
	[tilespmem:$0x1CC80] =	vst v63  }
0xb2: {  	p1 =	sne.s32 s29, $0x130000;
	s25 =	sor.u32 $0x1400, s0;
	s26 =	smov.u32 s24  }
0xb3: {  	[tilespmem:s25], [sflag:$0x2] =	stream.indirect.gather [hbm4b:s4+s19], $0x80, s28, s19, $0xb8;
	[tilespmem:$0x1CC80] =	vst v63  }
.Ltmp3:
0xb4: {  	_ =	swait.ge [sflag:s17], $0x3E80;
	(pc) =	sbr.rel @p1 .LBB2_8-.Ltmp3, $4  }
0xb5: {  	[sflag:s17] =	ssyncset.done $0x0  }
0xb6: {  	[sflag:s17] =	ssyncadd.s32 $0xFFFFC180  }
0xb7: {  	s24 =	sadd.s32 $0x80, s24;
	s30 =	sand.u32 $0x10000, s30;
	_ =	swait.ge [sflag:s21], $0x3E80  }
0xb8: {  	s29 =	smov.u32 s31;
	s28 =	sadd.s32 $0x80, s28;
	[sflag:s21] =	ssyncset.done $0x0  }
0xb9: {  	s0 =	sshrl.u32 s30, $0x2;
	[sflag:s21] =	ssyncadd.s32 $0xFFFFC180  }
0xba: {  	[spmem:s2] =	stream.indirect.scatter.add.f32 [tilespmem:s25], [sflag:$0x1], $0x80, s26, s19, $0xb8;
	[tilespmem:$0x1CC80] =	vst v63  }
0xbb: {  	s0 =	sor.u32 $0x1400, s0  }
0xbc: {  	[tilespmem:s0], [sflag:$0x2] =	stream.indirect.gather [hbm4b:s4+s19], $0x80, s28, s19, $0xb8;
	[tilespmem:$0x1CC80] =	vst v63  }
0xbd: {  	_ =	swait.ge [sflag:s17], $0x3E80  }
0xbe: {  	[sflag:s17] =	ssyncset.done $0x0  }
0xbf: {  	[sflag:s17] =	ssyncadd.s32 $0xFFFFC180  }
0xc0: {  	_ =	swait.ge [sflag:s21], $0x3E80  }
0xc1: {  	[sflag:s21] =	ssyncset.done $0x0  }
0xc2: {  	[sflag:s21] =	ssyncadd.s32 $0xFFFFC180  }
0xc3: {  	[spmem:s2] =	stream.indirect.scatter.add.f32 [tilespmem:s0], [sflag:$0x1], $0x80, s24, s19, $0xb8;
	[tilespmem:$0x1CC80] =	vst v63  }
0xc4: {  	_ =	swait.ge [sflag:s21], $0x3E80  }
0xc5: {  	s23 =	sadd.s32 $0x1, s23;
	[sflag:s21] =	ssyncset.done $0x0  }
0xc6: {  	p1 =	sne.s32 s23, s14;
	[sflag:s21] =	ssyncadd.s32 $0xFFFFC180  }
.Ltmp4:
0xc7: {  	s0 =	simm.s32 @!p0 $0x2;
	[bflag:$0x0] =	sbarrier.arrive $0xFFFF;
	(pc) =	sbr.rel @p1 .LBB2_1-.Ltmp4, $4  }
0xc8: {  	[hbm:s22], [sflag:s15] =	dma.local @!p0 [spmem:s16], $0x3E80  }
0xc9: {  	_ =	swait.ge @!p0 [sflag:s0], $0x3E80  }
0xca: {  	[sflag:s0] =	ssyncset.done @!p0 $0x0  }
0xcb: {  	[sflag:s0] =	ssyncadd.s32 @!p0 $0xFFFFC180  }
0xcc: {  	_ =	sfence.sel $0x180000  }
0xcd: {  	[bflag:$0x0] =	sbarrier.arrive $0xFFFF  }
0xce: {  	_ =	strace $0x9000004D  }
0xcf: {  	[bflag:$0x2] =	sbarrier.arrive $0xFFFF  }
0xd0: {  	p0 =	sne.s32 s1, $0x0;
	s0 =	rddreg [dreg:$0x2]  }
0xd1: {  	s0 =	sadd.s32 @!p0 $0x100000, s0  }
0xd2: {  	[sflag:s0] =	ssyncadd.tile.s32 @!p0 $0x1;
	_ =	shalt  }
.Lfunc_end2:
_tile_overlayer_lowered:
.L_overlay_start_2:
0xd3: {  	(tag) =	ssettag $0x2  }
0xd4: {  	s0 =	rddreg [dreg:$0x0];
	s2 =	stileid.u32  }
0xd5: {  	s1 =	rddreg [dreg:$0x1];
	p0 =	sne.s32 s2, $0x0  }
0xd6: {  	s3 =	rddreg [dreg:$0x2];
	[bflag:$0x3] =	sbarrier.arrive $0xFFFF;
	s2 =	simm.s32 @!p0 $0x1C02  }
0xd7: {  	[timem:s3], [sflag:s2] =	dma.local @!p0 [hbm:s0], s1  }
0xd8: {  	s0 =	simm.s32 @!p0 $0x2  }
0xd9: {  	_ =	swait.ge @!p0 [sflag:s0], s1  }
0xda: {  	s1 =	ssub.s32 @!p0 $0x0, s1;
	[sflag:s0] =	ssyncset.done @!p0 $0x0  }
0xdb: {  	[sflag:s0] =	ssyncadd.s32 @!p0 s1  }
0xdc: {  	[bflag:$0x3] =	sbarrier.arrive $0xFFFF  }
0xdd: {  	_ =	shalt  }

// kernel: kernel.9.cloned.1.call-start
scs
__scs_entry_jumppad:
0x0: {  	(pc) =	sbr.rel $0x88, $3  }
0x1: {  	(tag) =	ssettag $0x0;
	lr =	simm.s32 $0x1  }
0x2: {  	[smem:$0x3F91] =	sst lr;
	_ =	strace $0xD0000000  }
0x3: {  	_ = 	snop  }
0x4: {  	_ = 	snop  }
0x5: {  	_ = 	snop  }
0x6: {  	_ = 	snop  }
0x7: {  	_ = 	snop  }
__scs_overlays_trampoline_lowered:
0x8: {  	[smem:$0x3FA0] =	sst s0  }
0x9: {  	[smem:$0x3FA1] =	sst s1  }
0xa: {  	[smem:$0x3FA2] =	sst s2  }
0xb: {  	[smem:$0x3FA3] =	sst s3  }
0xc: {  	[smem:$0x3FA4] =	sst s4  }
0xd: {  	[smem:$0x3FA5] =	sst s5  }
0xe: {  	[smem:$0x3FA6] =	sst s6  }
0xf: {  	[smem:$0x3FA7] =	sst s7  }
0x10: {  	[smem:$0x3FA8] =	sst s8  }
0x11: {  	[smem:$0x3FA9] =	sst s9;
	s0 =	simm.s32 @!p0 $0x0  }
0x12: {  	s1 =	sld [smem:$0x3F8F];
	s0 =	simm.s32 @p0 $0x1  }
0x13: {  	[smem:$0x3FAA] =	sst s0;
	s0 =	simm.s32 @!p1 $0x0  }
0x14: {  	s2 =	sld [smem:$0x3F8E];
	s0 =	simm.s32 @p1 $0x1  }
0x15: {  	[smem:$0x3FAB] =	sst s0;
	s0 =	simm.s32 @!p2 $0x0  }
0x16: {  	s3 =	sld [smem:$0x3FDB];
	s0 =	simm.s32 @p2 $0x1  }
0x17: {  	s4 =	simm.s32 $0x1BF5;
	[smem:$0x3FAD] =	sst s0  }
0x18: {  	s0 =	sld [smem:$0x3F90];
	_ =	swait.ge [sflag:s4], $0x0  }
0x19: {  	s7 =	sld [smem:$0x3F91]  }
0x1a: {  	s8 =	sadd.s32 $0xFFFFE003, lr  }
0x1b: {  	s9 =	sadd.s32 $0xFFFFFEF7, lr;
	s5 =	simm.s32 $0xFFFFFFFF;
	p2 =	slt.u32 s8, $0xFFFFF086  }
0x1c: {  	p1 =	slt.u32 s9, $0xF7A;
	s5 =	simm.s32 @!p2 $0x0  }
0x1d: {  	s5 =	simm.s32 @p1 $0x1;
	p0 =	seq.s32 s7, s2  }
0x1e: {  	s7 =	smul.u32 @!p0 $0xF7A, s2;
	p2 =	seq.s32 @!p0 s5, $0x0  }
0x1f: {  	s9 =	smul.u32 $0xF7A, s1;
	s8 =	simm.s32 @!p0 $0x1BF5;
	p2 =	por !p2, p0  }
0x20: {  	[sflag:s8] =	ssyncset.s32 @!p0 $0xFFFFF086;
	s6 =	sadd.s32 @!p0 s3, s7;
	s7 =	simm.s32 @!p0 $0x108  }
0x21: {  	s3 =	sadd.s32 s3, s9;
	s6 =	sadd.s32 @!p0 $0x88, s6;
	s7 =	simm.s32 @p2 $0x1082  }
0x22: {  	[simem:s7], [sflag:s8] =	dma.local @!p0 [hbm:s6], $0xF7A  }
0x23: {  	s9 =	sor.u32 $0xD0000000, s2;
	s6 =	simm.s32 $0x108;
	_ =	swait.ge @!p0 [sflag:s8], $0x0  }
0x24: {  	s3 =	sadd.s32 $0x88, s3;
	s6 =	simm.s32 @!p1 $0x1082;
	[sflag:s4] =	ssyncset.s32 $0xFFFFF086  }
0x25: {  	[simem:s6], [sflag:s4] =	dma.local [hbm:s3], $0xF7A  }
0x26: {  	[smem:$0x3F91] =	sst s1;
	(tag) =	ssettag s2;
	_ =	strace s9  }
0x27: {  	s1 =	sld [smem:$0x3FA1]  }
0x28: {  	s2 =	sld [smem:$0x3FA2]  }
0x29: {  	s4 =	sld [smem:$0x3FA4]  }
0x2a: {  	p0 =	seq.s32 s5, $0x0;
	s5 =	sld [smem:$0x3FA5]  }
0x2b: {  	s6 =	sld [smem:$0x3FA6]  }
0x2c: {  	s7 =	sld [smem:$0x3FA7]  }
0x2d: {  	s3 =	simm.s32 $0x108;
	s8 =	sld [smem:$0x3FA8]  }
0x2e: {  	s3 =	simm.s32 @!p0 $0x1082;
	s9 =	sld [smem:$0x3FA9]  }
0x2f: {  	lr =	sadd.s32 s0, s3;
	s0 =	sld [smem:$0x3FA0]  }
0x30: {  	s3 =	sld [smem:$0x3FA3]  }
0x31: {  	[smem:$0x3FAC] =	sst s10  }
0x32: {  	s10 =	sld [smem:$0x3FAA];
	_ =	sdelay $0x3  }
0x33: {  	p0 =	seq.s32 s10, $0x1;
	s10 =	sld [smem:$0x3FAC];
	_ =	sdelay $0x3  }
0x34: {  	[smem:$0x3FAC] =	sst s10  }
0x35: {  	s10 =	sld [smem:$0x3FAB];
	_ =	sdelay $0x3  }
0x36: {  	p1 =	seq.s32 s10, $0x1;
	s10 =	sld [smem:$0x3FAC];
	_ =	sdelay $0x3  }
0x37: {  	[smem:$0x3FAC] =	sst s10  }
0x38: {  	s10 =	sld [smem:$0x3FAD]  }
0x39: {  	_ = 	snop;
	(pc) =	sbr.ind lr, $3  }
0x3a: {  	_ = 	snop  }
0x3b: {  	_ = 	snop  }
0x3c: {  	p2 =	seq.s32 s10, $0x1;
	s10 =	sld [smem:$0x3FAC]  }
0x3d: {  	_ =	shalt  }
0x3e: {  	_ =	shalt  }
0x3f: {  	_ =	shalt  }
0x40: {  	_ =	shalt  }
0x41: {  	_ =	shalt  }
0x42: {  	_ =	shalt  }
0x43: {  	_ =	shalt  }
0x44: {  	_ =	shalt  }
0x45: {  	_ =	shalt  }
0x46: {  	_ =	shalt  }
0x47: {  	_ =	shalt  }
0x48: {  	_ =	shalt  }
0x49: {  	_ =	shalt  }
0x4a: {  	_ =	shalt  }
0x4b: {  	_ =	shalt  }
0x4c: {  	_ =	shalt  }
0x4d: {  	_ =	shalt  }
0x4e: {  	_ =	shalt  }
0x4f: {  	_ =	shalt  }
0x50: {  	_ =	shalt  }
0x51: {  	_ =	shalt  }
0x52: {  	_ =	shalt  }
0x53: {  	_ =	shalt  }
0x54: {  	_ =	shalt  }
0x55: {  	_ =	shalt  }
0x56: {  	_ =	shalt  }
0x57: {  	_ =	shalt  }
0x58: {  	_ =	shalt  }
0x59: {  	_ =	shalt  }
0x5a: {  	_ =	shalt  }
0x5b: {  	_ =	shalt  }
0x5c: {  	_ =	shalt  }
0x5d: {  	_ =	shalt  }
0x5e: {  	_ =	shalt  }
0x5f: {  	_ =	shalt  }
0x60: {  	_ =	shalt  }
0x61: {  	_ =	shalt  }
0x62: {  	_ =	shalt  }
0x63: {  	_ =	shalt  }
0x64: {  	_ =	shalt  }
0x65: {  	_ =	shalt  }
0x66: {  	_ =	shalt  }
0x67: {  	_ =	shalt  }
0x68: {  	_ =	shalt  }
0x69: {  	_ =	shalt  }
0x6a: {  	_ =	shalt  }
0x6b: {  	_ =	shalt  }
0x6c: {  	_ =	shalt  }
0x6d: {  	_ =	shalt  }
0x6e: {  	_ =	shalt  }
0x6f: {  	_ =	shalt  }
0x70: {  	_ =	shalt  }
0x71: {  	_ =	shalt  }
0x72: {  	_ =	shalt  }
0x73: {  	_ =	shalt  }
0x74: {  	_ =	shalt  }
0x75: {  	_ =	shalt  }
0x76: {  	_ =	shalt  }
0x77: {  	_ =	shalt  }
0x78: {  	_ =	shalt  }
0x79: {  	_ =	shalt  }
0x7a: {  	_ =	shalt  }
0x7b: {  	_ =	shalt  }
0x7c: {  	_ =	shalt  }
0x7d: {  	_ =	shalt  }
0x7e: {  	_ =	shalt  }
0x7f: {  	_ =	shalt  }
0x80: {  	_ =	shalt  }
0x81: {  	_ =	shalt  }
0x82: {  	_ =	shalt  }
0x83: {  	_ =	shalt  }
0x84: {  	_ =	shalt  }
0x85: {  	_ =	shalt  }
0x86: {  	_ =	shalt  }
0x87: {  	_ =	shalt  }
.Lfunc_end0:
.L_simem_size_0:
called_computation_lowered:
.L_overlay_start_0:
0x88: {  	s2 =	sld [smem:$0x3FD9]  }
0x89: {  	s3 =	sld [smem:$0x3FFE];
	_ =	sdelay $0x1  }
0x8a: {  	s1 =	srdreg.scid  }
0x8b: {  	s0 =	sand.u32 $0x1, s1  }
0x8c: {  	s16 =	sshll.u32 s0, $0xA;
	s2 =	sadd.s32 s3, s2  }
0x8d: {  	s2 =	sadd.s32 s2, s16  }
0x8e: {  	[smem:$0x3FB8] =	sst s2  }
0x8f: {  	_ = 	snop  }
0x90: {  	(tm) =	ssettm $0x1  }
0x91: {  	s17 =	sld [smem:$0x3FFB];
	_ =	sdelay $0x3  }
0x92: {  	_ =	strace s17  }
0x93: {  	s2 =	sld [smem:$0x3FFC];
	_ =	sdelay $0x3  }
0x94: {  	_ =	strace s2  }
0x95: {  	s2 =	sld [smem:$0x3FFD];
	_ =	sdelay $0x3  }
0x96: {  	_ =	strace s2  }
0x97: {  	_ =	strace $0x8FFFFFFF  }
0x98: {  	s18 =	sld [smem:$0x3FDB];
	_ =	sdelay $0x1  }
0x99: {  	s19 =	simm.s32 $_scs_section_size  }
0x9a: {  	s4 =	simm.s32 $_size__tile_overlayer_lowered;
	s5 =	simm.s32 $_tile_overlayer_lowered  }
0x9b: {  	s22 =	simm.s32 $0x1BFF;
	s21 =	sshll.u32 s5, $0x1;
	s2 =	sadd.s32 s19, s18  }
0x9c: {  	s6 =	simm.s32 $0x0;
	s20 =	sshll.u32 s4, $0x1;
	s4 =	sadd.s32 s21, s2  }
0x9d: {  	[timem:s6], [sflag:s22] =	dma.local [hbm:s4], s20  }
0x9e: {  	_ =	swait.ge [sflag:s22], s20  }
0x9f: {  	s3 =	ssub.s32 $0x0, s20;
	[sflag:s22] =	ssyncset.done $0x0  }
0xa0: {  	[sflag:s22] =	ssyncadd.s32 s3;
	_ =	sdelay $0x1  }
0xa1: {  	s23 =	simm.s32 $0x1B8B  }
0xa2: {  	_ =	swait.ge [sflag:s23], $0x1  }
0xa3: {  	[sflag:s23] =	ssyncset.done $0x0  }
0xa4: {  	s25 =	simm.s32 $0x1B8E;
	s24 =	sld [smem:$0x3FFE];
	[sflag:s23] =	ssyncadd.s32 $0xFFFFFFFF  }
0xa5: {  	s26 =	simm.s32 $execute0_lowered;
	[smem:$0x3FD2] =	sst s25  }
0xa6: {  	s4 =	sshll.u32 s26, $0x1;
	_ =	strace $0x80000046;
	[dreg:$0x1] =	wrdreg $0xFFFFFFFF  }
0xa7: {  	s28 =	simm.s32 $_size_execute0_lowered;
	s2 =	sadd.s32 s2, s4;
	[dreg:$0x0] =	wrdreg $0x0  }
0xa8: {  	s4 =	sshll.u32 s28, $0x1;
	[dreg:$0x2] =	wrdreg s2  }
0xa9: {  	[dreg:$0x3] =	wrdreg s4  }
0xaa: {  	[dreg:$0x4] =	wrdreg $0xC0  }
0xab: {  	_ =	task [dreg:s6], $0x5FFFF  }
0xac: {  	[dreg:$0x1] =	wrdreg $0xFFFFFFFF  }
0xad: {  	[dreg:$0x0] =	wrdreg $0x60  }
0xae: {  	[dreg:$0x2] =	wrdreg s24  }
0xaf: {  	[dreg:$0x3] =	wrdreg $0x18D000  }
0xb0: {  	[dreg:$0x4] =	wrdreg $0x9  }
0xb1: {  	_ =	task.clear_ibuf [dreg:s6], $0x5FFFF;
	_ =	strace $0x90000046  }
0xb2: {  	s29 =	simm.s32 $0x9;
	_ =	strace $0x80000048  }
0xb3: {  	_ =	swait.ge [sflag:s29], $0x1  }
0xb4: {  	[sflag:s29] =	ssyncadd.s32 $0xFFFFFFFF  }
0xb5: {  	_ =	strace $0x90000048  }
0xb6: {  	_ =	sfence  }
0xb7: {  	s30 =	sld [smem:$0x0];
	_ =	sdelay $0x2  }
0xb8: {  	s31 =	sshll.u32 s1, $0xD;
	s1 =	sshrl.u32 s1, $0x2  }
0xb9: {  	s3 =	sand.u32 $0x4000, s31;
	s1 =	sadd.s32 s1, s30  }
0xba: {  	s0 =	sor.u32 s3, s0;
	s1 =	sshll.u32 s1, $0x11  }
0xbb: {  	s0 =	sor.u32 s1, s0  }
0xbc: {  	s0 =	sadd.s32 $0x8F2B, s0  }
0xbd: {  	[sflag:s0] =	ssyncadd.remote.s32 $0x1  }
0xbe: {  	_ =	sfence.sel $0xFFFF  }
0xbf: {  	[dreg:$0x0] =	wrdreg $0xFFFFFFFF;
	(pc) =	sbr.abs _section_cstart, $3  }
0xc0: {  	[dreg:$0x1] =	wrdreg $0xFFFFFFFF  }
0xc1: {  	_ =	task.clear_ibuf [dreg:s6], $0x2FFFF;
	_ =	strace $0x9FFFFFFF  }
0xc2: {  	(tm) =	ssettm $0x7FFFFFFF  }
0xc3: {  	_ =	shalt  }
tec
execute0_lowered:
.L_overlay_start_1:
0x0: {  	(tag) =	ssettag $0x1  }
0x1: {  	s5 =	rddreg [dreg:$0x0]  }
0x2: {  	s0 =	srdreg.scid;
	s1 =	rddreg [dreg:$0x1]  }
0x3: {  	s7 =	stileid.u32;
	s2 =	simm.s32 $0x0;
	s11 =	simm.s32 $0x5100  }
0x4: {  	s12 =	simm.s32 $0x7D;
	s13 =	simm.s32 $0x4F00;
	s14 =	simm.s32 $0x8F80  }
0x5: {  	s15 =	simm.s32 $0x4F80;
	s16 =	simm.s32 $0xCE00;
	s17 =	simm.s32 $0x5000  }
0x6: {  	s18 =	simm.s32 $0x10C80;
	s19 =	simm.s32 $0x5080;
	s20 =	simm.s32 $0x14B00  }
0x7: {  	s3 =	sand.u32 $0x1, s0;
	s0 =	rddreg [dreg:$0x2];
	s6 =	smul.u32 $0x4E80, s7  }
0x8: {  	s21 =	simm.s32 $0x0;
	[smem:$0x7FF] =	sst s2;
	s4 =	smul.u32 $0x4E800, s3  }
0x9: {  	p0 =	sne.s32 s7, $0x0;
	s31 =	smul.u32 $0x2780, s3;
	s8 =	ssub.s32 $0x2, s3  }
0xa: {  	_ =	strace $0x80000047;
	s3 =	sadd.s32 $0x4E00, s5;
	s10 =	sshrl.u32 s8, $0x1  }
0xb: {  	s4 =	sadd.s32 s6, s4;
	s6 =	sadd.s32 s31, s5;
	s8 =	ssub.s32 s8, s10  }
0xc: {  	s10 =	simm.s32 $0x4E80;
	s4 =	sshrl.u32 s4, $0x3;
	s6 =	sadd.s32 $0x1B200, s6  }
0xd: {  	v0 =	vlaneseq.u32;
	s7 =	smax.u32 s8, $0x1;
	s8 =	sshrl.u32 @!p0 s1, $0x3;
	s9 =	sadd.s32 s4, s5  }
0xe: {  	vm0 =	vcmask $0x3F20;
	v0 =	vand.u32 $0x7, v0;
	s4 =	sadd.s32 $0x18A00, s5;
	s5 =	sadd.s32 $0x5000, s9;
	s9 =	simm.s32 $0x1  }
.LBB2_1:
0xf: {  	s22 =	simm.s32 @!p0 $0x1C01  }
0x10: {  	[spmem:s8], [sflag:s22] =	dma.local @!p0 [hbm:s4], $0x2710  }
0x11: {  	s22 =	simm.s32 @!p0 $0x1  }
0x12: {  	_ =	swait.ge @!p0 [sflag:s22], $0x2710  }
0x13: {  	[sflag:s22] =	ssyncset.done @!p0 $0x0  }
0x14: {  	[sflag:s22] =	ssyncadd.s32 @!p0 $0xFFFFD8F0  }
0x15: {  	[tilespmem:s2], [sflag:$0x1] =	stream.linear.gather [hbm4b:s5+s2], $0x4E80, $0x38;
	[tilespmem:$0x1A088] =	vst v63  }
0x16: {  	_ =	swait.ge [sflag:s9], $0x4E80  }
0x17: {  	[sflag:s9] =	ssyncset.done $0x0  }
0x18: {  	[sflag:s9] =	ssyncadd.s32 $0xFFFFB180  }
0x19: {  	[tilespmem:s10], [sflag:$0x1] =	stream.linear.gather [hbm4b:s3+s2], $0x280, $0x38;
	[tilespmem:$0x1A088] =	vst v63  }
0x1a: {  	_ =	swait.ge [sflag:s9], $0x280  }
0x1b: {  	[sflag:s9] =	ssyncset.done $0x0  }
0x1c: {  	[sflag:s9] =	ssyncadd.s32 $0xFFFFFD80  }
0x1d: {  	[tilespmem:s11], [sflag:$0x1] =	stream.linear.gather [hbm4b:s4+s2], $0x13880, $0x38;
	[tilespmem:$0x1A088] =	vst v63  }
0x1e: {  	_ =	swait.ge [sflag:s9], $0x13880  }
0x1f: {  	[sflag:s9] =	ssyncset.done $0x0  }
0x20: {  	s22 =	simm.s32 $0x0;
	[sflag:s9] =	ssyncadd.s32 $0xFFFEC780  }
.LBB2_2:
0x21: {  	s23 =	sshra.s32 s22, $0x2  }
0x22: {  	v1 =	vld [tilespmem:s23+$0x0];
	_ =	sdelay $0x4  }
0x23: {  	v1 =	vshll.u32 v1, $0x3  }
0x24: {  	v1 =	vor.u32 v0, v1;
	_ =	sdelay $0x4  }
0x25: {  	v2 =	vld.idx.msk [tilespmem:v1+s11+$0x0], $0xff;
	_ =	sdelay $0x4  }
0x26: {  	v2 =	vadd.f32 $1.000000000e+00, v2;
	_ =	sdelay $0x1  }
0x27: {  	[tilespmem:v1+s11+$0x0] =	vst.idx.msk $0xff, v2  }
0x28: {  	v2 =	vld.idx.msk [tilespmem:v1+s11+$0x0], vm0;
	_ =	sdelay $0x4  }
0x29: {  	v2 =	vadd.f32 $1.000000000e+00, v2;
	_ =	sdelay $0x1  }
0x2a: {  	[tilespmem:v1+s11+$0x0] =	vst.idx.msk vm0, v2  }
0x2b: {  	v1 =	vld [tilespmem:s23+$0x10];
	_ =	sdelay $0x4  }
0x2c: {  	v1 =	vshll.u32 v1, $0x3  }
0x2d: {  	v1 =	vor.u32 v0, v1;
	_ =	sdelay $0x4  }
0x2e: {  	v2 =	vld.idx.msk [tilespmem:v1+s11+$0x0], $0xff;
	_ =	sdelay $0x4  }
0x2f: {  	v2 =	vadd.f32 $1.000000000e+00, v2;
	_ =	sdelay $0x1  }
0x30: {  	[tilespmem:v1+s11+$0x0] =	vst.idx.msk $0xff, v2  }
0x31: {  	v2 =	vld.idx.msk [tilespmem:v1+s11+$0x0], vm0;
	_ =	sdelay $0x4  }
0x32: {  	v2 =	vadd.f32 $1.000000000e+00, v2;
	_ =	sdelay $0x1  }
0x33: {  	[tilespmem:v1+s11+$0x0] =	vst.idx.msk vm0, v2  }
0x34: {  	v1 =	vld [tilespmem:s23+$0x20];
	_ =	sdelay $0x4  }
0x35: {  	v1 =	vshll.u32 v1, $0x3  }
0x36: {  	v1 =	vor.u32 v0, v1;
	_ =	sdelay $0x4  }
0x37: {  	v2 =	vld.idx.msk [tilespmem:v1+s11+$0x0], $0xff;
	_ =	sdelay $0x4  }
0x38: {  	v2 =	vadd.f32 $1.000000000e+00, v2;
	_ =	sdelay $0x1  }
0x39: {  	[tilespmem:v1+s11+$0x0] =	vst.idx.msk $0xff, v2  }
0x3a: {  	v2 =	vld.idx.msk [tilespmem:v1+s11+$0x0], vm0;
	_ =	sdelay $0x4  }
0x3b: {  	v2 =	vadd.f32 $1.000000000e+00, v2;
	_ =	sdelay $0x1  }
0x3c: {  	[tilespmem:v1+s11+$0x0] =	vst.idx.msk vm0, v2  }
0x3d: {  	v1 =	vld [tilespmem:s23+$0x30];
	_ =	sdelay $0x4  }
0x3e: {  	v1 =	vshll.u32 v1, $0x3  }
0x3f: {  	v1 =	vor.u32 v0, v1;
	_ =	sdelay $0x4  }
0x40: {  	v2 =	vld.idx.msk [tilespmem:v1+s11+$0x0], $0xff;
	_ =	sdelay $0x4  }
0x41: {  	v2 =	vadd.f32 $1.000000000e+00, v2;
	_ =	sdelay $0x1  }
0x42: {  	[tilespmem:v1+s11+$0x0] =	vst.idx.msk $0xff, v2  }
0x43: {  	v2 =	vld.idx.msk [tilespmem:v1+s11+$0x0], vm0;
	_ =	sdelay $0x4  }
0x44: {  	v2 =	vadd.f32 $1.000000000e+00, v2;
	_ =	sdelay $0x1  }
0x45: {  	[tilespmem:v1+s11+$0x0] =	vst.idx.msk vm0, v2  }
0x46: {  	v1 =	vld [tilespmem:s23+$0x40];
	_ =	sdelay $0x4  }
0x47: {  	v1 =	vshll.u32 v1, $0x3  }
0x48: {  	v1 =	vor.u32 v0, v1;
	_ =	sdelay $0x4  }
0x49: {  	v2 =	vld.idx.msk [tilespmem:v1+s11+$0x0], $0xff;
	_ =	sdelay $0x4  }
0x4a: {  	v2 =	vadd.f32 $1.000000000e+00, v2;
	_ =	sdelay $0x1  }
0x4b: {  	[tilespmem:v1+s11+$0x0] =	vst.idx.msk $0xff, v2  }
0x4c: {  	v2 =	vld.idx.msk [tilespmem:v1+s11+$0x0], vm0;
	_ =	sdelay $0x1  }
0x4d: {  	p1 =	sne.s32 s22, $0x13740  }
.Ltmp0:
0x4e: {  	_ = 	snop;
	(pc) =	sbr.rel @p1 .LBB2_2-.Ltmp0, $3  }
0x4f: {  	_ = 	snop  }
0x50: {  	v2 =	vadd.f32 $1.000000000e+00, v2;
	_ =	sdelay $0x1  }
0x51: {  	s22 =	sadd.s32 $0x140, s22;
	[tilespmem:v1+s11+$0x0] =	vst.idx.msk vm0, v2  }
0x52: {  	[bflag:$0x0] =	sbarrier.arrive $0xFFFF  }
0x53: {  	[spmem:s1] =	stream.indirect.scatter.add.f32 [tilespmem:s11], [sflag:$0x1], $0x80, s10, s12, $0xb8;
	[tilespmem:$0x1A088] =	vst v63  }
0x54: {  	_ =	swait.ge [sflag:s9], $0x3E80  }
0x55: {  	[sflag:s9] =	ssyncset.done $0x0  }
0x56: {  	[sflag:s9] =	ssyncadd.s32 $0xFFFFC180  }
0x57: {  	[spmem:s1] =	stream.indirect.scatter.add.f32 [tilespmem:s14], [sflag:$0x1], $0x80, s13, s12, $0xb8;
	[tilespmem:$0x1A088] =	vst v63  }
0x58: {  	_ =	swait.ge [sflag:s9], $0x3E80  }
0x59: {  	[sflag:s9] =	ssyncset.done $0x0  }
0x5a: {  	[sflag:s9] =	ssyncadd.s32 $0xFFFFC180  }
0x5b: {  	[spmem:s1] =	stream.indirect.scatter.add.f32 [tilespmem:s16], [sflag:$0x1], $0x80, s15, s12, $0xb8;
	[tilespmem:$0x1A088] =	vst v63  }
0x5c: {  	_ =	swait.ge [sflag:s9], $0x3E80  }
0x5d: {  	[sflag:s9] =	ssyncset.done $0x0  }
0x5e: {  	[sflag:s9] =	ssyncadd.s32 $0xFFFFC180  }
0x5f: {  	[spmem:s1] =	stream.indirect.scatter.add.f32 [tilespmem:s18], [sflag:$0x1], $0x80, s17, s12, $0xb8;
	[tilespmem:$0x1A088] =	vst v63  }
0x60: {  	_ =	swait.ge [sflag:s9], $0x3E80  }
0x61: {  	[sflag:s9] =	ssyncset.done $0x0  }
0x62: {  	[sflag:s9] =	ssyncadd.s32 $0xFFFFC180  }
0x63: {  	[spmem:s1] =	stream.indirect.scatter.add.f32 [tilespmem:s20], [sflag:$0x1], $0x80, s19, s12, $0xb8;
	[tilespmem:$0x1A088] =	vst v63  }
0x64: {  	_ =	swait.ge [sflag:s9], $0x3E80  }
0x65: {  	[sflag:s9] =	ssyncset.done $0x0  }
0x66: {  	s21 =	sadd.s32 $0x1, s21;
	[sflag:s9] =	ssyncadd.s32 $0xFFFFC180  }
0x67: {  	s22 =	simm.s32 @!p0 $0x1C01;
	p1 =	sne.s32 s21, s7;
	[bflag:$0x0] =	sbarrier.arrive $0xFFFF  }
0x68: {  	[hbm:s6], [sflag:s22] =	dma.local @!p0 [spmem:s8], $0x2710  }
.Ltmp1:
0x69: {  	_ = 	snop;
	(pc) =	sbr.rel @p1 .LBB2_1-.Ltmp1, $4  }
0x6a: {  	s22 =	simm.s32 @!p0 $0x1  }
0x6b: {  	_ =	swait.ge @!p0 [sflag:s22], $0x2710  }
0x6c: {  	[sflag:s22] =	ssyncset.done @!p0 $0x0  }
0x6d: {  	[sflag:s22] =	ssyncadd.s32 @!p0 $0xFFFFD8F0  }
0x6e: {  	_ =	sfence.sel $0x180000  }
0x6f: {  	[bflag:$0x0] =	sbarrier.arrive $0xFFFF  }
0x70: {  	_ =	strace $0x90000047  }
0x71: {  	s0 =	sadd.s32 @!p0 $0x100000, s0;
	[bflag:$0x2] =	sbarrier.arrive $0xFFFF  }
0x72: {  	[sflag:s0] =	ssyncadd.tile.s32 @!p0 $0x1;
	_ =	shalt  }
.Lfunc_end2:
_tile_overlayer_lowered:
.L_overlay_start_2:
0x73: {  	(tag) =	ssettag $0x2  }
0x74: {  	s0 =	rddreg [dreg:$0x0];
	s2 =	stileid.u32  }
0x75: {  	s1 =	rddreg [dreg:$0x1];
	p0 =	sne.s32 s2, $0x0  }
0x76: {  	s3 =	rddreg [dreg:$0x2];
	[bflag:$0x3] =	sbarrier.arrive $0xFFFF;
	s2 =	simm.s32 @!p0 $0x1C01  }
0x77: {  	[timem:s3], [sflag:s2] =	dma.local @!p0 [hbm:s0], s1  }
0x78: {  	s0 =	simm.s32 @!p0 $0x1  }
0x79: {  	_ =	swait.ge @!p0 [sflag:s0], s1  }
0x7a: {  	s1 =	ssub.s32 @!p0 $0x0, s1;
	[sflag:s0] =	ssyncset.done @!p0 $0x0  }
0x7b: {  	[sflag:s0] =	ssyncadd.s32 @!p0 s1  }
0x7c: {  	[bflag:$0x3] =	sbarrier.arrive $0xFFFF  }
0x7d: {  	_ =	shalt  }

</sc_bundles>
